<compile_context>
chip_gen: v7x
topology: tpu7x:2x2x1
jax: 0.10.2.dev20260603
libtpu: 0.0.44.dev20260713+nightly
codegen_flags: <defaults>
</compile_context>

<pallas_src>
import functools
import math

import jax
import jax.numpy as jnp
from jax import lax
from jax.experimental import pallas as pl
from jax.experimental.pallas import tpu as pltpu
from jax.experimental.pallas import tpu_sc as plsc

_NEG_MASK = -10000000000.0
_VERY_NEG = -100000000000.0

_NT = (((1,), (1,)), ((), ()))
_NN = (((1,), (0,)), ((), ()))

_CH = 128
_GRP = 8
_TPAD = 1008


def _sc_gather(head_flat, tail_flat, loc_flat, qw_flat, ent, wordt):
    F = head_flat.shape[0]
    Lc = loc_flat.shape[0]
    Qn = qw_flat.shape[0]
    WD = ent.shape[1]
    info = plsc.get_sparse_core_info()
    nc, nw = info.num_cores, info.num_cores * info.num_subcores

    f_per = F // nw
    ngf = f_per // (_CH * _GRP)
    LCH = 80
    l_per = Lc // nw
    nlc = l_per // LCH
    ngl = nlc // _GRP
    qw_workers = nw // 2
    QCH = Qn // qw_workers

    mesh = plsc.VectorSubcoreMesh(core_axis_name="c", subcore_axis_name="s")

    @functools.partial(
        pl.kernel,
        out_type=(
            jax.ShapeDtypeStruct((F, WD), jnp.float32),
            jax.ShapeDtypeStruct((F, WD), jnp.float32),
            jax.ShapeDtypeStruct((Lc, WD), jnp.float32),
            jax.ShapeDtypeStruct((Qn, WD), jnp.float32),
        ),
        mesh=mesh,
        compiler_params=pltpu.CompilerParams(use_tc_tiling_on_sc=False),
        scratch_types=(
            pltpu.VMEM((f_per,), jnp.int32),
            tuple(pltpu.VMEM((_CH, WD), jnp.float32) for _ in range(_GRP)),
            pltpu.VMEM((QCH, WD), jnp.float32),
            pltpu.SemaphoreType.DMA,
            pltpu.SemaphoreType.DMA,
        ),
    )
    def k(head_h, tail_h, loc_h, qw_h, ent_h, word_h,
          o_head, o_tail, o_loc, o_qw, idx_all, bufs, qbuf, gsem, wsem):
        wid = lax.axis_index("s") * nc + lax.axis_index("c")

        def run_group(tab_h, out_h, base, goff, ch, nch):
            gd, wd = [], []
            for kk in range(nch):
                coff = goff + kk * ch
                dst = bufs[kk] if ch == _CH else bufs[kk].at[pl.ds(0, ch)]
                gd.append(pltpu.async_copy(
                    tab_h.at[idx_all.at[pl.ds(coff, ch)]], dst, gsem))
            for kk in range(nch):
                coff = goff + kk * ch
                src = bufs[kk] if ch == _CH else bufs[kk].at[pl.ds(0, ch)]
                gd[kk].wait()
                wd.append(pltpu.async_copy(
                    src, out_h.at[pl.ds(base + coff, ch)], wsem))
            for d in wd:
                d.wait()

        def gather_table(ids_h, tab_h, out_h, base, total, ch, ngroups, extra):
            pltpu.sync_copy(ids_h.at[pl.ds(base, total)],
                            idx_all.at[pl.ds(0, total)])

            def body(g, carry):
                run_group(tab_h, out_h, base, g * (ch * _GRP), ch, _GRP)
                return carry
            lax.fori_loop(0, ngroups, body, 0)
            if extra:
                run_group(tab_h, out_h, base, ngroups * (ch * _GRP), ch, extra)

        gather_table(head_h, ent_h, o_head, wid * f_per, f_per, _CH, ngf, 0)
        gather_table(tail_h, ent_h, o_tail, wid * f_per, f_per, _CH, ngf, 0)
        gather_table(loc_h, ent_h, o_loc, wid * l_per, l_per, LCH, ngl,
                     nlc - ngl * _GRP)

        @pl.when(wid < qw_workers)
        def _():
            base_q = wid * QCH
            pltpu.sync_copy(qw_h.at[pl.ds(base_q, QCH)],
                            idx_all.at[pl.ds(0, QCH)])
            pltpu.async_copy(
                word_h.at[idx_all.at[pl.ds(0, QCH)]], qbuf, gsem).wait()
            pltpu.sync_copy(qbuf, o_qw.at[pl.ds(base_q, QCH)])

    return k(head_flat, tail_flat, loc_flat, qw_flat, ent, wordt)


def _sc_rel_scores(rel_flat, t_pad):
    N = rel_flat.shape[0]
    Bsz, TW = t_pad.shape
    F = N // Bsz
    info = plsc.get_sparse_core_info()
    nc, nw = info.num_cores, info.num_cores * info.num_subcores
    per = N // nw
    t_flat = t_pad.reshape(-1)
    mesh = plsc.VectorSubcoreMesh(core_axis_name="c", subcore_axis_name="s")

    @functools.partial(
        pl.kernel,
        out_type=jax.ShapeDtypeStruct((N,), jnp.float32),
        mesh=mesh,
        compiler_params=pltpu.CompilerParams(use_tc_tiling_on_sc=False,
                                             needs_layout_passes=False),
        scratch_types=(
            pltpu.VMEM((per,), jnp.int32),
            pltpu.VMEM((TW,), jnp.float32),
            pltpu.VMEM((per,), jnp.float32),
        ),
    )
    def k(ids_h, t_h, o_h, idx_v, t_v, out_v):
        wid = lax.axis_index("s") * nc + lax.axis_index("c")
        base = wid * per
        b = base // F
        pltpu.sync_copy(ids_h.at[pl.ds(base, per)], idx_v)
        pltpu.sync_copy(t_h.at[pl.ds(pl.multiple_of(b * TW, 8), TW)], t_v)

        def body(i, carry):
            ids16 = idx_v[pl.ds(i * 16, 16)]
            out_v[pl.ds(i * 16, 16)] = plsc.load_gather(t_v, [ids16])
            return carry
        lax.fori_loop(0, per // 16, body, 0)
        pltpu.sync_copy(out_v, o_h.at[pl.ds(base, per)])

    return k(rel_flat, t_flat)


def _lstm_prep(xT, wih, whh, bsum, We, Wr, relemb_pad):
    T, Bsz, WD = xT.shape
    H = We.shape[0]
    TW = relemb_pad.shape[0]

    def body(x_ref, wih_ref, whh_ref, b_ref, we_ref, wr_ref, re_ref,
             q_ref, qe_ref, t_ref):
        def step(t, hc):
            h, c = hc
            xt = x_ref[t]
            gates = (lax.dot_general(xt, wih_ref[...], _NT,
                                     preferred_element_type=jnp.float32)
                     + lax.dot_general(h, whh_ref[...], _NT,
                                       preferred_element_type=jnp.float32)
                     + b_ref[...])
            ig = 1.0 / (1.0 + jnp.exp(-gates[:, :H]))
            fg = 1.0 / (1.0 + jnp.exp(-gates[:, H:2 * H]))
            gg = jnp.tanh(gates[:, 2 * H:3 * H])
            og = 1.0 / (1.0 + jnp.exp(-gates[:, 3 * H:]))
            c2 = fg * c + ig * gg
            h2 = og * jnp.tanh(c2)
            return (h2, c2)

        h0 = jnp.zeros((Bsz, H), jnp.float32)
        h, _ = lax.fori_loop(0, T, step, (h0, h0))
        q_ref[...] = h
        qe_ref[...] = jnp.dot(h, we_ref[...], preferred_element_type=jnp.float32)
        qr = jnp.dot(h, wr_ref[...], preferred_element_type=jnp.float32)
        t_ref[...] = lax.dot_general(qr, re_ref[...], _NT,
                                     preferred_element_type=jnp.float32)

    return pl.pallas_call(
        body,
        out_shape=(
            jax.ShapeDtypeStruct((Bsz, H), jnp.float32),
            jax.ShapeDtypeStruct((Bsz, WD), jnp.float32),
            jax.ShapeDtypeStruct((Bsz, TW), jnp.float32),
        ),
    )(xT, wih, whh, bsum, We, Wr, relemb_pad)


def _update(q, v, be_row, rw, rb_row, We, Wr, relemb_pad):
    Bsz, H = q.shape
    WD = We.shape[1]
    TW = relemb_pad.shape[0]

    def body(q_ref, v_ref, be_ref, rw_ref, rb_ref, we_ref, wr_ref,
             re_ref, qn_ref, qe_ref, t_ref, qb_ref):
        vp = lax.dot_general(v_ref[...], we_ref[...], _NT,
                             preferred_element_type=jnp.float32) + be_ref[...]
        qn = lax.dot_general(q_ref[...] + vp, rw_ref[...], _NT,
                             preferred_element_type=jnp.float32) + rb_ref[...]
        qn_ref[...] = qn
        qe_ref[...] = jnp.dot(qn, we_ref[...], preferred_element_type=jnp.float32)
        qr = jnp.dot(qn, wr_ref[...], preferred_element_type=jnp.float32)
        t_ref[...] = lax.dot_general(qr, re_ref[...], _NT,
                                     preferred_element_type=jnp.float32)
        qb_ref[...] = jnp.sum(qn * be_ref[...], axis=1, keepdims=True)

    return pl.pallas_call(
        body,
        out_shape=(
            jax.ShapeDtypeStruct((Bsz, H), jnp.float32),
            jax.ShapeDtypeStruct((Bsz, WD), jnp.float32),
            jax.ShapeDtypeStruct((Bsz, TW), jnp.float32),
            jax.ShapeDtypeStruct((Bsz, 1), jnp.float32),
        ),
    )(q, v, be_row, rw, rb_row, We, Wr, relemb_pad)


def _layer(qe, rs_e3, rs_o3, head2, tail2, me3, mo3, scale):
    Bsz, F2, WD2 = head2.shape
    WD = WD2 // 2

    def body(qe_ref, rse_ref, rso_ref, h_ref, t_ref, me_ref, mo_ref, v_ref):
        qe1 = qe_ref[0]
        z = jnp.zeros_like(qe1)
        qe_l = jnp.concatenate([qe1, z], axis=1)
        qe_r = jnp.concatenate([z, qe1], axis=1)
        se = lax.dot_general(qe_l, h_ref[0], _NT,
                             preferred_element_type=jnp.float32) + rse_ref[0]
        so = lax.dot_general(qe_r, h_ref[0], _NT,
                             preferred_element_type=jnp.float32) + rso_ref[0]
        xe = (se + (1.0 - me_ref[0]) * _NEG_MASK) * scale
        xo = (so + (1.0 - mo_ref[0]) * _NEG_MASK) * scale
        mx = jnp.maximum(jnp.max(xe, axis=1, keepdims=True),
                         jnp.max(xo, axis=1, keepdims=True))
        ee = jnp.exp(xe - mx)
        eo = jnp.exp(xo - mx)
        z1 = (jnp.sum(ee, axis=1, keepdims=True)
              + jnp.sum(eo, axis=1, keepdims=True))
        ae = ee / z1
        ao = eo / z1
        ve = lax.dot_general(ae, t_ref[0], _NN,
                             preferred_element_type=jnp.float32)
        vo = lax.dot_general(ao, t_ref[0], _NN,
                             preferred_element_type=jnp.float32)
        v_ref[0] = ve[:, :WD] + vo[:, WD:]

    return pl.pallas_call(
        body,
        grid=(Bsz,),
        in_specs=[
            pl.BlockSpec((1, 1, WD), lambda b: (b, 0, 0)),
            pl.BlockSpec((1, 1, F2), lambda b: (b, 0, 0)),
            pl.BlockSpec((1, 1, F2), lambda b: (b, 0, 0)),
            pl.BlockSpec((1, F2, WD2), lambda b: (b, 0, 0)),
            pl.BlockSpec((1, F2, WD2), lambda b: (b, 0, 0)),
            pl.BlockSpec((1, 1, F2), lambda b: (b, 0, 0)),
            pl.BlockSpec((1, 1, F2), lambda b: (b, 0, 0)),
        ],
        out_specs=pl.BlockSpec((1, 1, WD), lambda b: (b, 0, 0)),
        out_shape=jax.ShapeDtypeStruct((Bsz, 1, WD), jnp.float32),
    )(qe, rs_e3, rs_o3, head2, tail2, me3, mo3)


def _readout(q1, v1, be_row, rw1, rb1, We, loc2, loc_ids, n_entity):
    Bsz, L2, WD2 = loc2.shape
    L = 2 * L2
    WD = WD2 // 2
    H = q1.shape[2]

    def body(q_ref, v_ref, be_ref, rw_ref, rb_ref, we_ref,
             rows_ref, ids_ref, o_ref):
        vp = lax.dot_general(v_ref[0], we_ref[...], _NT,
                             preferred_element_type=jnp.float32) + be_ref[...]
        q2 = lax.dot_general(q_ref[0] + vp, rw_ref[...], _NT,
                             preferred_element_type=jnp.float32) + rb_ref[...]
        qe = jnp.dot(q2, we_ref[...], preferred_element_type=jnp.float32)
        qb = jnp.sum(q2 * be_ref[...], axis=1, keepdims=True)
        z = jnp.zeros_like(qe)
        qe_l = jnp.concatenate([qe, z], axis=1)
        qe_r = jnp.concatenate([z, qe], axis=1)
        se = lax.dot_general(qe_l, rows_ref[0], _NT,
                             preferred_element_type=jnp.float32)
        so = lax.dot_general(qe_r, rows_ref[0], _NT,
                             preferred_element_type=jnp.float32)
        s = jnp.concatenate([se, so], axis=1) + qb
        mask = (ids_ref[0] != n_entity).astype(jnp.float32)
        o_ref[0] = s + (1.0 - mask) * _VERY_NEG

    fixed2 = lambda b: (0, 0)
    return pl.pallas_call(
        body,
        grid=(Bsz,),
        in_specs=[
            pl.BlockSpec((1, 1, H), lambda b: (b, 0, 0)),
            pl.BlockSpec((1, 1, WD), lambda b: (b, 0, 0)),
            pl.BlockSpec((1, H), fixed2),
            pl.BlockSpec((H, H), fixed2),
            pl.BlockSpec((1, H), fixed2),
            pl.BlockSpec((H, WD), fixed2),
            pl.BlockSpec((1, L2, WD2), lambda b: (b, 0, 0)),
            pl.BlockSpec((1, 1, L), lambda b: (b, 0, 0)),
        ],
        out_specs=pl.BlockSpec((1, 1, L), lambda b: (b, 0, 0)),
        out_shape=jax.ShapeDtypeStruct((Bsz, 1, L), jnp.float32),
    )(q1, v1, be_row, rw1, rb1, We, loc2, loc_ids)


def kernel(local_entity, head_ids, rel_ids, tail_ids, tripet_mask, query_text, answer_dist,
           entity_emb, relation_emb, word_emb, ent_lin_W, ent_lin_b, rel_lin_W, rel_lin_b,
           R_W, R_b, lstm_Wih, lstm_Whh, lstm_bih, lstm_bhh):
    f32 = jnp.float32
    Bsz, L = local_entity.shape
    F = head_ids.shape[1]
    T = query_text.shape[1]
    H, WD = ent_lin_W.shape
    n_entity = entity_emb.shape[0] - 1
    scale = float(1.0 / math.sqrt(float(H)))

    head_flat = head_ids.reshape(-1).astype(jnp.int32)
    rel_flat = rel_ids.reshape(-1).astype(jnp.int32)
    tail_flat = tail_ids.reshape(-1).astype(jnp.int32)
    loc_flat = local_entity.reshape(-1).astype(jnp.int32)
    qw_flat = query_text.reshape(-1).astype(jnp.int32)

    head_rows, tail_rows, loc_rows, qw_rows = _sc_gather(
        head_flat, tail_flat, loc_flat, qw_flat,
        entity_emb.astype(f32), word_emb.astype(f32))

    relemb_pad = jnp.pad(relation_emb.astype(f32),
                         ((0, _TPAD - relation_emb.shape[0]), (0, 0)))
    xT = qw_rows.reshape(Bsz, T, WD).transpose(1, 0, 2)
    bsum = (lstm_bih + lstm_bhh).reshape(1, -1).astype(f32)
    be_row = ent_lin_b.reshape(1, -1).astype(f32)
    We = ent_lin_W.astype(f32)
    Wr = rel_lin_W.astype(f32)

    q0, qe0, t0 = _lstm_prep(xT, lstm_Wih.astype(f32), lstm_Whh.astype(f32),
                             bsum, We, Wr, relemb_pad)

    F2 = F // 2
    L2 = L // 2
    head2 = head_rows.reshape(Bsz, F2, 2 * WD)
    tail2 = tail_rows.reshape(Bsz, F2, 2 * WD)
    loc2 = loc_rows.reshape(Bsz, L2, 2 * WD)
    tmask2 = tripet_mask.astype(f32).reshape(Bsz, F2, 2)
    me3 = tmask2[:, :, 0].reshape(Bsz, 1, F2)
    mo3 = tmask2[:, :, 1].reshape(Bsz, 1, F2)
    rel_eo = rel_ids.astype(jnp.int32).reshape(Bsz, F2, 2)
    rel_perm = jnp.concatenate([rel_eo[:, :, 0], rel_eo[:, :, 1]], axis=1)
    rel_perm_flat = rel_perm.reshape(-1)
    ids_eo = local_entity.astype(jnp.int32).reshape(Bsz, L2, 2)
    ids_perm = jnp.concatenate([ids_eo[:, :, 0], ids_eo[:, :, 1]],
                               axis=1).reshape(Bsz, 1, L)

    def split_rs(rs_flat):
        rs = rs_flat.reshape(Bsz, 2, F2)
        return rs[:, 0].reshape(Bsz, 1, F2), rs[:, 1].reshape(Bsz, 1, F2)

    rs0e, rs0o = split_rs(_sc_rel_scores(rel_perm_flat, t0))
    v0 = _layer(qe0.reshape(Bsz, 1, WD), rs0e, rs0o, head2, tail2,
                me3, mo3, scale)

    q1, qe1, t1, _ = _update(q0, v0.reshape(Bsz, WD), be_row,
                             R_W[0].astype(f32), R_b[0].reshape(1, -1).astype(f32),
                             We, Wr, relemb_pad)
    rs1e, rs1o = split_rs(_sc_rel_scores(rel_perm_flat, t1))
    v1 = _layer(qe1.reshape(Bsz, 1, WD), rs1e, rs1o, head2, tail2,
                me3, mo3, scale)

    out_perm = _readout(q1.reshape(Bsz, 1, H), v1, be_row,
                        R_W[1].astype(f32), R_b[1].reshape(1, -1).astype(f32),
                        We, loc2, ids_perm, n_entity).reshape(Bsz, L)
    out = jnp.stack([out_perm[:, :L2], out_perm[:, L2:]],
                    axis=-1).reshape(Bsz, L)
    return out

# --- scband reference (transcript-rebuilt; emitter-appended) ---
"""Pipeline reference for scband-kv-mem-48455821033614 (READ-ONLY COPY).

The authoritative reference and input builder live on the scoring server;
editing this copy changes nothing except your own understanding.
"""

import jax, jax.numpy as jnp
import numpy as np

NUM_ENTITY = 100000
NUM_RELATION = 1000
NUM_WORD = 50000
WORD_DIM = 64
ENTITY_DIM = 128
NUM_LAYER = 2
B = 32
MAX_FACT = 8192
MAX_LOCAL = 2000
QLEN = 20
VERY_NEG_NUMBER = -100000000000.0


def setup_inputs(seed: int = 0):
    key = jax.random.key(seed)
    ks = jax.random.split(key, 20)
    s = 0.02
    inp = {}
    inp['local_entity'] = jax.random.randint(ks[0], (B, MAX_LOCAL), 0, NUM_ENTITY + 1)
    inp['head_ids'] = jax.random.randint(ks[1], (B, MAX_FACT), 0, NUM_ENTITY + 1)
    inp['rel_ids'] = jax.random.randint(ks[2], (B, MAX_FACT), 0, NUM_RELATION + 1)
    inp['tail_ids'] = jax.random.randint(ks[3], (B, MAX_FACT), 0, NUM_ENTITY + 1)
    inp['tripet_mask'] = jnp.ones((B, MAX_FACT), dtype=jnp.float32)
    inp['query_text'] = jax.random.randint(ks[4], (B, QLEN), 0, NUM_WORD + 1)
    inp['answer_dist'] = jax.random.uniform(ks[5], (B, MAX_LOCAL), dtype=jnp.float32)
    # learned parameters
    inp['entity_emb'] = jax.random.normal(ks[6], (NUM_ENTITY + 1, WORD_DIM), dtype=jnp.float32) * s
    inp['relation_emb'] = jax.random.normal(ks[7], (NUM_RELATION + 1, 2 * WORD_DIM), dtype=jnp.float32) * s
    inp['word_emb'] = jax.random.normal(ks[8], (NUM_WORD + 1, WORD_DIM), dtype=jnp.float32) * s
    inp['ent_lin_W'] = jax.random.normal(ks[9], (ENTITY_DIM, WORD_DIM), dtype=jnp.float32) * s
    inp['ent_lin_b'] = jnp.zeros((ENTITY_DIM,), dtype=jnp.float32)
    inp['rel_lin_W'] = jax.random.normal(ks[10], (ENTITY_DIM, 2 * WORD_DIM), dtype=jnp.float32) * s
    inp['rel_lin_b'] = jnp.zeros((ENTITY_DIM,), dtype=jnp.float32)
    inp['R_W'] = jax.random.normal(ks[11], (NUM_LAYER, ENTITY_DIM, ENTITY_DIM), dtype=jnp.float32) * s
    inp['R_b'] = jnp.zeros((NUM_LAYER, ENTITY_DIM), dtype=jnp.float32)
    inp['lstm_Wih'] = jax.random.normal(ks[12], (4 * ENTITY_DIM, WORD_DIM), dtype=jnp.float32) * s
    inp['lstm_Whh'] = jax.random.normal(ks[13], (4 * ENTITY_DIM, ENTITY_DIM), dtype=jnp.float32) * s
    inp['lstm_bih'] = jnp.zeros((4 * ENTITY_DIM,), dtype=jnp.float32)
    inp['lstm_bhh'] = jnp.zeros((4 * ENTITY_DIM,), dtype=jnp.float32)
    return inp


def _lstm_last_hidden(x, Wih, Whh, bih, bhh):
    # x: (B, T, WORD_DIM); single-layer unidirectional LSTM, torch gate order i,f,g,o
    Bsz = x.shape[0]
    H = Whh.shape[1]
    h0 = jnp.zeros((Bsz, H), dtype=x.dtype)
    c0 = jnp.zeros((Bsz, H), dtype=x.dtype)

    def step(carry, xt):
        h, c = carry
        gates = xt @ Wih.T + bih + h @ Whh.T + bhh
        i, f, g, o = jnp.split(gates, 4, axis=-1)
        i = jax.nn.sigmoid(i)
        f = jax.nn.sigmoid(f)
        g = jnp.tanh(g)
        o = jax.nn.sigmoid(o)
        c = f * c + i * g
        h = o * jnp.tanh(c)
        return (h, c), h

    (hT, cT), _ = jax.lax.scan(step, (h0, c0), jnp.swapaxes(x, 0, 1))
    return hT


def reference(local_entity, head_ids, rel_ids, tail_ids, tripet_mask, query_text, answer_dist,
              entity_emb, relation_emb, word_emb, ent_lin_W, ent_lin_b, rel_lin_W, rel_lin_b,
              R_W, R_b, lstm_Wih, lstm_Whh, lstm_bih, lstm_bhh):
    local_entity_mask = (local_entity != NUM_ENTITY).astype(jnp.float32)
    # query encoder (dropout p given as 0.0 -> identity)
    q_word = jnp.take(word_emb, query_text, axis=0)
    hT = _lstm_last_hidden(q_word, lstm_Wih, lstm_Whh, lstm_bih, lstm_bhh)
    query_node_emb = hT[:, None, :]  # (B, 1, ENTITY_DIM)
    # embedding gathers (SparseCore-style)
    local_entity_emb = jnp.take(entity_emb, local_entity, axis=0)
    key_emb_head = jnp.take(entity_emb, head_ids, axis=0)
    key_emb_rel = jnp.take(relation_emb, rel_ids, axis=0)
    value_emb = jnp.take(entity_emb, tail_ids, axis=0)
    # word_dim != entity_dim -> project everything to entity_dim
    local_entity_emb = local_entity_emb @ ent_lin_W.T + ent_lin_b
    key_emb_head = key_emb_head @ ent_lin_W.T + ent_lin_b
    key_emb_rel = key_emb_rel @ rel_lin_W.T + rel_lin_b
    value_emb = value_emb @ ent_lin_W.T + ent_lin_b
    key_emb = key_emb_head + key_emb_rel
    attn_mask = (1.0 - tripet_mask) * -10000000000.0
    q = query_node_emb
    for i in range(NUM_LAYER):
        attn_scores = jnp.einsum('bod,bfd->bf', q, key_emb)  # (B, MAX_FACT)
        attn_scores = jax.nn.softmax((attn_scores + attn_mask) * (1.0 / np.sqrt(ENTITY_DIM)), axis=-1)
        value = jnp.sum(attn_scores[..., None] * value_emb, axis=1, keepdims=True)  # (B, 1, d)
        q = (q + value) @ R_W[i].T + R_b[i]
    # final readout: score over local entities, mask out padding entities
    score = jnp.einsum('bod,bld->bl', q, local_entity_emb)
    score = score + (1.0 - local_entity_mask) * VERY_NEG_NUMBER
    return score

if __name__ == "__main__":
    import jax
    _d = setup_inputs()
    print(jax.jit(kernel)(*tuple(_d.values())))

</pallas_src>

<mosaic_0001>
#map = affine_map<(d0, d1) -> (0)>
module attributes {stable_mosaic.version = 14 : i64} {
  func.func @k(%arg0: i32, %arg1: i32, %arg2: memref<262144xi32, #tpu.memory_space<hbm>>, %arg3: memref<32256xf32, #tpu.memory_space<hbm>>, %arg4: memref<262144xf32, #tpu.memory_space<hbm>>, %arg5: memref<8192xi32, #tpu.memory_space<vmem>>, %arg6: memref<1008xf32, #tpu.memory_space<vmem>>, %arg7: memref<8192xf32, #tpu.memory_space<vmem>>) attributes {dimension_semantics = [#tpu.dimension_semantics<core_parallel>, #tpu.dimension_semantics<subcore_parallel>], iteration_bounds = array<i64: 2, 16>, scalar_prefetch = 0 : i64, scratch_operands = 3 : i64, tpu.core_type = #tpu.core_type<sc_vector_subcore>, window_params = [{transform_indices = #map}, {transform_indices = #map}, {transform_indices = #map}]} {
    %mul3A = arith.constant 2 : i32
    %mul3A_0 = arith.muli %arg1, %mul3A : i32
    %add3A = arith.addi %mul3A_0, %arg0 : i32
    %mul3A_1 = arith.constant 8192 : i32
    %mul3A_2 = arith.muli %add3A, %mul3A_1 : i32
    %jit3A = arith.constant 8192 : i32
    %div3A = arith.divsi %mul3A_2, %jit3A : i32
    %sign3A = arith.constant 0 : i32
    %sign3A_3 = arith.cmpi sgt, %mul3A_2, %sign3A : i32
    %sign3A_4 = arith.extui %sign3A_3 : i1 to i32
    %sign3A_5 = arith.constant 0 : i32
    %sign3A_6 = arith.cmpi slt, %mul3A_2, %sign3A_5 : i32
    %sign3A_7 = arith.extui %sign3A_6 : i1 to i32
    %sign3A_8 = arith.subi %sign3A_4, %sign3A_7 : i32
    %sign3A_9 = arith.constant 0 : i32
    %sign3A_10 = arith.cmpi sgt, %jit3A, %sign3A_9 : i32
    %sign3A_11 = arith.extui %sign3A_10 : i1 to i32
    %sign3A_12 = arith.constant 0 : i32
    %sign3A_13 = arith.cmpi slt, %jit3A, %sign3A_12 : i32
    %sign3A_14 = arith.extui %sign3A_13 : i1 to i32
    %sign3A_15 = arith.subi %sign3A_11, %sign3A_14 : i32
    %ne3A = arith.cmpi ne, %sign3A_8, %sign3A_15 : i32
    %rem3A = arith.remsi %mul3A_2, %jit3A : i32
    %ne3A_16 = arith.constant 0 : i32
    %ne3A_17 = arith.cmpi ne, %rem3A, %ne3A_16 : i32
    %and3A = arith.andi %ne3A, %ne3A_17 : i1
    %sub3A = arith.constant 1 : i32
    %sub3A_18 = arith.subi %div3A, %sub3A : i32
    %select_n3A = arith.select %and3A, %sub3A_18, %div3A : i32
    "tpu.region"() ({
      %run_scoped3A = tpu.sem_alloc : memref<!tpu.dma_semaphore, #tpu.memory_space<semaphore_mem>>
      %dma_start3A = tpu.memref_slice %arg2[%mul3A_2] : memref<262144xi32, #tpu.memory_space<hbm>> -> memref<8192xi32, #tpu.memory_space<hbm>>
      %dma_start3A_26 = tpu.memref_slice %arg2[%mul3A_2] : memref<262144xi32, #tpu.memory_space<hbm>> -> memref<8192xi32, #tpu.memory_space<hbm>>
      tpu.enqueue_dma source(%dma_start3A_26 : memref<8192xi32, #tpu.memory_space<hbm>>) target(%arg5 : memref<8192xi32, #tpu.memory_space<vmem>>) target_semaphore(%run_scoped3A : memref<!tpu.dma_semaphore, #tpu.memory_space<semaphore_mem>>)
      %dma_wait3A = tpu.memref_slice %arg2[%mul3A_2] : memref<262144xi32, #tpu.memory_space<hbm>> -> memref<8192xi32, #tpu.memory_space<hbm>>
      %dma_wait3A_27 = tpu.memref_slice %arg2[%mul3A_2] : memref<262144xi32, #tpu.memory_space<hbm>> -> memref<8192xi32, #tpu.memory_space<hbm>>
      tpu.wait_dma2 semaphore(%run_scoped3A : memref<!tpu.dma_semaphore, #tpu.memory_space<semaphore_mem>>) src(%dma_wait3A_27 : memref<8192xi32, #tpu.memory_space<hbm>>) dst(%arg5 : memref<8192xi32, #tpu.memory_space<vmem>>)
      tpu.yield
    }) : () -> ()
    %mul3A_19 = arith.constant 1008 : i32
    %mul3A_20 = arith.muli %select_n3A, %mul3A_19 : i32
    %multiple_of3A = tpu.assume_multiple %mul3A_20, 8 : i32
    "tpu.region"() ({
      %run_scoped3A = tpu.sem_alloc : memref<!tpu.dma_semaphore, #tpu.memory_space<semaphore_mem>>
      %dma_start3A = tpu.memref_slice %arg3[%multiple_of3A] : memref<32256xf32, #tpu.memory_space<hbm>> -> memref<1008xf32, #tpu.memory_space<hbm>>
      %dma_start3A_26 = tpu.memref_slice %arg3[%multiple_of3A] : memref<32256xf32, #tpu.memory_space<hbm>> -> memref<1008xf32, #tpu.memory_space<hbm>>
      tpu.enqueue_dma source(%dma_start3A_26 : memref<1008xf32, #tpu.memory_space<hbm>>) target(%arg6 : memref<1008xf32, #tpu.memory_space<vmem>>) target_semaphore(%run_scoped3A : memref<!tpu.dma_semaphore, #tpu.memory_space<semaphore_mem>>)
      %dma_wait3A = tpu.memref_slice %arg3[%multiple_of3A] : memref<32256xf32, #tpu.memory_space<hbm>> -> memref<1008xf32, #tpu.memory_space<hbm>>
      %dma_wait3A_27 = tpu.memref_slice %arg3[%multiple_of3A] : memref<32256xf32, #tpu.memory_space<hbm>> -> memref<1008xf32, #tpu.memory_space<hbm>>
      tpu.wait_dma2 semaphore(%run_scoped3A : memref<!tpu.dma_semaphore, #tpu.memory_space<semaphore_mem>>) src(%dma_wait3A_27 : memref<1008xf32, #tpu.memory_space<hbm>>) dst(%arg6 : memref<1008xf32, #tpu.memory_space<vmem>>)
      tpu.yield
    }) : () -> ()
    %scan3A = arith.constant 0 : i32
    %scan3A_21 = arith.constant 0 : i32
    %scan3A_22 = arith.constant 512 : i32
    %scan3A_23 = arith.addi %scan3A_21, %scan3A_22 : i32
    %scan3A_24 = arith.constant 1 : i32
    scf.for %scan3A_26 = %scan3A_21 to %scan3A_23 step %scan3A_24  : i32 {
      %mul3A_27 = arith.constant 16 : i32
      %mul3A_28 = arith.muli %scan3A_26, %mul3A_27 : i32
      %get3A = arith.index_cast %mul3A_28 : i32 to index
      %get3A_29 = tpu.vector_load %arg5[%get3A] {strides = array<i32>} : memref<8192xi32, #tpu.memory_space<vmem>>, vector<16xi32>,
      %gather3A = tpu.vector_load_idx %arg6[%get3A_29] : memref<1008xf32, #tpu.memory_space<vmem>>[vector<16xi32>], vector<16xf32>,
      %mul3A_30 = arith.constant 16 : i32
      %mul3A_31 = arith.muli %scan3A_26, %mul3A_30 : i32
      %swap3A = arith.index_cast %mul3A_31 : i32 to index
      %swap3A_32 = tpu.vector_load %arg7[%swap3A] {strides = array<i32>} : memref<8192xf32, #tpu.memory_space<vmem>>, vector<16xf32>,
      tpu.vector_store %arg7[%swap3A], %gather3A {strides = array<i32>} : memref<8192xf32, #tpu.memory_space<vmem>>, vector<16xf32>,
    }
    %scan3A_25 = arith.constant 512 : i32
    "tpu.region"() ({
      %run_scoped3A = tpu.sem_alloc : memref<!tpu.dma_semaphore, #tpu.memory_space<semaphore_mem>>
      %dma_start3A = tpu.memref_slice %arg4[%mul3A_2] : memref<262144xf32, #tpu.memory_space<hbm>> -> memref<8192xf32, #tpu.memory_space<hbm>>
      %dma_start3A_26 = tpu.memref_slice %arg4[%mul3A_2] : memref<262144xf32, #tpu.memory_space<hbm>> -> memref<8192xf32, #tpu.memory_space<hbm>>
      tpu.enqueue_dma source(%arg7 : memref<8192xf32, #tpu.memory_space<vmem>>) target(%dma_start3A_26 : memref<8192xf32, #tpu.memory_space<hbm>>) target_semaphore(%run_scoped3A : memref<!tpu.dma_semaphore, #tpu.memory_space<semaphore_mem>>)
      %dma_wait3A = tpu.memref_slice %arg4[%mul3A_2] : memref<262144xf32, #tpu.memory_space<hbm>> -> memref<8192xf32, #tpu.memory_space<hbm>>
      %dma_wait3A_27 = tpu.memref_slice %arg4[%mul3A_2] : memref<262144xf32, #tpu.memory_space<hbm>> -> memref<8192xf32, #tpu.memory_space<hbm>>
      tpu.wait_dma2 semaphore(%run_scoped3A : memref<!tpu.dma_semaphore, #tpu.memory_space<semaphore_mem>>) src(%arg7 : memref<8192xf32, #tpu.memory_space<vmem>>) dst(%dma_wait3A_27 : memref<8192xf32, #tpu.memory_space<hbm>>)
      tpu.yield
    }) : () -> ()
    return
  }
}

#map = affine_map<(d0, d1) -> (0)>
#map1 = affine_map<(d0, d1) -> (0, 0)>
module attributes {stable_mosaic.version = 14 : i64} {
  func.func @k(%arg0: i32, %arg1: i32, %arg2: memref<262144xi32, #tpu.memory_space<hbm>>, %arg3: memref<262144xi32, #tpu.memory_space<hbm>>, %arg4: memref<64000xi32, #tpu.memory_space<hbm>>, %arg5: memref<640xi32, #tpu.memory_space<hbm>>, %arg6: memref<100001x64xf32, #tpu.memory_space<hbm>>, %arg7: memref<50001x64xf32, #tpu.memory_space<hbm>>, %arg8: memref<262144x64xf32, #tpu.memory_space<hbm>>, %arg9: memref<262144x64xf32, #tpu.memory_space<hbm>>, %arg10: memref<64000x64xf32, #tpu.memory_space<hbm>>, %arg11: memref<640x64xf32, #tpu.memory_space<hbm>>, %arg12: memref<8192xi32, #tpu.memory_space<vmem>>, %arg13: memref<128x64xf32, #tpu.memory_space<vmem>>, %arg14: memref<128x64xf32, #tpu.memory_space<vmem>>, %arg15: memref<128x64xf32, #tpu.memory_space<vmem>>, %arg16: memref<128x64xf32, #tpu.memory_space<vmem>>, %arg17: memref<128x64xf32, #tpu.memory_space<vmem>>, %arg18: memref<128x64xf32, #tpu.memory_space<vmem>>, %arg19: memref<128x64xf32, #tpu.memory_space<vmem>>, %arg20: memref<128x64xf32, #tpu.memory_space<vmem>>, %arg21: memref<40x64xf32, #tpu.memory_space<vmem>>, %arg22: memref<!tpu.dma_semaphore, #tpu.memory_space<semaphore_mem>>, %arg23: memref<!tpu.dma_semaphore, #tpu.memory_space<semaphore_mem>>) attributes {dimension_semantics = [#tpu.dimension_semantics<core_parallel>, #tpu.dimension_semantics<subcore_parallel>], iteration_bounds = array<i64: 2, 16>, scalar_prefetch = 0 : i64, scratch_operands = 12 : i64, tpu.core_type = #tpu.core_type<sc_vector_subcore>, window_params = [{transform_indices = #map}, {transform_indices = #map}, {transform_indices = #map}, {transform_indices = #map}, {transform_indices = #map1}, {transform_indices = #map1}, {transform_indices = #map1}, {transform_indices = #map1}, {transform_indices = #map1}, {transform_indices = #map1}]} {
    %mul3A = arith.constant 2 : i32
    %mul3A_0 = arith.muli %arg1, %mul3A : i32
    %add3A = arith.addi %mul3A_0, %arg0 : i32
    %mul3A_1 = arith.constant 8192 : i32
    %mul3A_2 = arith.muli %add3A, %mul3A_1 : i32
    "tpu.region"() ({
      %run_scoped3A = tpu.sem_alloc : memref<!tpu.dma_semaphore, #tpu.memory_space<semaphore_mem>>
      %dma_start3A_62 = arith.constant 0 : i32
      %dma_start3A_63 = tpu.memref_slice %arg12[%dma_start3A_62] : memref<8192xi32, #tpu.memory_space<vmem>> -> memref<8192xi32, #tpu.memory_space<vmem>>
      %dma_start3A_64 = tpu.memref_slice %arg2[%mul3A_2] : memref<262144xi32, #tpu.memory_space<hbm>> -> memref<8192xi32, #tpu.memory_space<hbm>>
      %dma_start3A_65 = arith.constant 0 : i32
      %dma_start3A_66 = tpu.memref_slice %arg12[%dma_start3A_65] : memref<8192xi32, #tpu.memory_space<vmem>> -> memref<8192xi32, #tpu.memory_space<vmem>>
      %dma_start3A_67 = tpu.memref_slice %arg2[%mul3A_2] : memref<262144xi32, #tpu.memory_space<hbm>> -> memref<8192xi32, #tpu.memory_space<hbm>>
      tpu.enqueue_dma source(%dma_start3A_67 : memref<8192xi32, #tpu.memory_space<hbm>>) target(%dma_start3A_66 : memref<8192xi32, #tpu.memory_space<vmem>>) target_semaphore(%run_scoped3A : memref<!tpu.dma_semaphore, #tpu.memory_space<semaphore_mem>>)
      %dma_wait3A_68 = arith.constant 0 : i32
      %dma_wait3A_69 = tpu.memref_slice %arg12[%dma_wait3A_68] : memref<8192xi32, #tpu.memory_space<vmem>> -> memref<8192xi32, #tpu.memory_space<vmem>>
      %dma_wait3A_70 = tpu.memref_slice %arg2[%mul3A_2] : memref<262144xi32, #tpu.memory_space<hbm>> -> memref<8192xi32, #tpu.memory_space<hbm>>
      %dma_wait3A_71 = arith.constant 0 : i32
      %dma_wait3A_72 = tpu.memref_slice %arg12[%dma_wait3A_71] : memref<8192xi32, #tpu.memory_space<vmem>> -> memref<8192xi32, #tpu.memory_space<vmem>>
      %dma_wait3A_73 = tpu.memref_slice %arg2[%mul3A_2] : memref<262144xi32, #tpu.memory_space<hbm>> -> memref<8192xi32, #tpu.memory_space<hbm>>
      tpu.wait_dma2 semaphore(%run_scoped3A : memref<!tpu.dma_semaphore, #tpu.memory_space<semaphore_mem>>) src(%dma_wait3A_73 : memref<8192xi32, #tpu.memory_space<hbm>>) dst(%dma_wait3A_72 : memref<8192xi32, #tpu.memory_space<vmem>>)
      tpu.yield
    }) : () -> ()
    %scan3A = arith.constant 0 : i32
    %scan3A_3 = arith.constant 0 : i32
    %scan3A_4 = arith.constant 8 : i32
    %scan3A_5 = arith.addi %scan3A_3, %scan3A_4 : i32
    %scan3A_6 = arith.constant 1 : i32
    scf.for %scan3A_62 = %scan3A_3 to %scan3A_5 step %scan3A_6  : i32 {
      %mul3A_63 = arith.constant 1024 : i32
      %mul3A_64 = arith.muli %scan3A_62, %mul3A_63 : i32
      %add3A_65 = arith.constant 0 : i32
      %add3A_66 = arith.addi %mul3A_64, %add3A_65 : i32
      %dma_start3A_67 = tpu.memref_slice %arg12[%add3A_66] : memref<8192xi32, #tpu.memory_space<vmem>> -> memref<128xi32, #tpu.memory_space<vmem>>
      %dma_start3A_68 = arith.constant 0 : i32
      %dma_start3A_69 = arith.constant 0 : i32
      %dma_start3A_70 = tpu.memref_slice %arg6[%dma_start3A_68, %dma_start3A_69] : memref<100001x64xf32, #tpu.memory_space<hbm>> -> memref<100001x64xf32, #tpu.memory_space<hbm>>
      tpu.enqueue_indirect_dma source(%dma_start3A_70 : memref<100001x64xf32, #tpu.memory_space<hbm>>) target(%arg13 : memref<128x64xf32, #tpu.memory_space<vmem>>) offsets(%dma_start3A_67 : memref<128xi32, #tpu.memory_space<vmem>>) semaphore(%arg22 : memref<!tpu.dma_semaphore, #tpu.memory_space<semaphore_mem>>)
      %add3A_71 = arith.constant 128 : i32
      %add3A_72 = arith.addi %mul3A_64, %add3A_71 : i32
      %dma_start3A_73 = tpu.memref_slice %arg12[%add3A_72] : memref<8192xi32, #tpu.memory_space<vmem>> -> memref<128xi32, #tpu.memory_space<vmem>>
      %dma_start3A_74 = arith.constant 0 : i32
      %dma_start3A_75 = arith.constant 0 : i32
      %dma_start3A_76 = tpu.memref_slice %arg6[%dma_start3A_74, %dma_start3A_75] : memref<100001x64xf32, #tpu.memory_space<hbm>> -> memref<100001x64xf32, #tpu.memory_space<hbm>>
      tpu.enqueue_indirect_dma source(%dma_start3A_76 : memref<100001x64xf32, #tpu.memory_space<hbm>>) target(%arg14 : memref<128x64xf32, #tpu.memory_space<vmem>>) offsets(%dma_start3A_73 : memref<128xi32, #tpu.memory_space<vmem>>) semaphore(%arg22 : memref<!tpu.dma_semaphore, #tpu.memory_space<semaphore_mem>>)
      %add3A_77 = arith.constant 256 : i32
      %add3A_78 = arith.addi %mul3A_64, %add3A_77 : i32
      %dma_start3A_79 = tpu.memref_slice %arg12[%add3A_78] : memref<8192xi32, #tpu.memory_space<vmem>> -> memref<128xi32, #tpu.memory_space<vmem>>
      %dma_start3A_80 = arith.constant 0 : i32
      %dma_start3A_81 = arith.constant 0 : i32
      %dma_start3A_82 = tpu.memref_slice %arg6[%dma_start3A_80, %dma_start3A_81] : memref<100001x64xf32, #tpu.memory_space<hbm>> -> memref<100001x64xf32, #tpu.memory_space<hbm>>
      tpu.enqueue_indirect_dma source(%dma_start3A_82 : memref<100001x64xf32, #tpu.memory_space<hbm>>) target(%arg15 : memref<128x64xf32, #tpu.memory_space<vmem>>) offsets(%dma_start3A_79 : memref<128xi32, #tpu.memory_space<vmem>>) semaphore(%arg22 : memref<!tpu.dma_semaphore, #tpu.memory_space<semaphore_mem>>)
      %add3A_83 = arith.constant 384 : i32
      %add3A_84 = arith.addi %mul3A_64, %add3A_83 : i32
      %dma_start3A_85 = tpu.memref_slice %arg12[%add3A_84] : memref<8192xi32, #tpu.memory_space<vmem>> -> memref<128xi32, #tpu.memory_space<vmem>>
      %dma_start3A_86 = arith.constant 0 : i32
      %dma_start3A_87 = arith.constant 0 : i32
      %dma_start3A_88 = tpu.memref_slice %arg6[%dma_start3A_86, %dma_start3A_87] : memref<100001x64xf32, #tpu.memory_space<hbm>> -> memref<100001x64xf32, #tpu.memory_space<hbm>>
      tpu.enqueue_indirect_dma source(%dma_start3A_88 : memref<100001x64xf32, #tpu.memory_space<hbm>>) target(%arg16 : memref<128x64xf32, #tpu.memory_space<vmem>>) offsets(%dma_start3A_85 : memref<128xi32, #tpu.memory_space<vmem>>) semaphore(%arg22 : memref<!tpu.dma_semaphore, #tpu.memory_space<semaphore_mem>>)
      %add3A_89 = arith.constant 512 : i32
      %add3A_90 = arith.addi %mul3A_64, %add3A_89 : i32
      %dma_start3A_91 = tpu.memref_slice %arg12[%add3A_90] : memref<8192xi32, #tpu.memory_space<vmem>> -> memref<128xi32, #tpu.memory_space<vmem>>
      %dma_start3A_92 = arith.constant 0 : i32
      %dma_start3A_93 = arith.constant 0 : i32
      %dma_start3A_94 = tpu.memref_slice %arg6[%dma_start3A_92, %dma_start3A_93] : memref<100001x64xf32, #tpu.memory_space<hbm>> -> memref<100001x64xf32, #tpu.memory_space<hbm>>
      tpu.enqueue_indirect_dma source(%dma_start3A_94 : memref<100001x64xf32, #tpu.memory_space<hbm>>) target(%arg17 : memref<128x64xf32, #tpu.memory_space<vmem>>) offsets(%dma_start3A_91 : memref<128xi32, #tpu.memory_space<vmem>>) semaphore(%arg22 : memref<!tpu.dma_semaphore, #tpu.memory_space<semaphore_mem>>)
      %add3A_95 = arith.constant 640 : i32
      %add3A_96 = arith.addi %mul3A_64, %add3A_95 : i32
      %dma_start3A_97 = tpu.memref_slice %arg12[%add3A_96] : memref<8192xi32, #tpu.memory_space<vmem>> -> memref<128xi32, #tpu.memory_space<vmem>>
      %dma_start3A_98 = arith.constant 0 : i32
      %dma_start3A_99 = arith.constant 0 : i32
      %dma_start3A_100 = tpu.memref_slice %arg6[%dma_start3A_98, %dma_start3A_99] : memref<100001x64xf32, #tpu.memory_space<hbm>> -> memref<100001x64xf32, #tpu.memory_space<hbm>>
      tpu.enqueue_indirect_dma source(%dma_start3A_100 : memref<100001x64xf32, #tpu.memory_space<hbm>>) target(%arg18 : memref<128x64xf32, #tpu.memory_space<vmem>>) offsets(%dma_start3A_97 : memref<128xi32, #tpu.memory_space<vmem>>) semaphore(%arg22 : memref<!tpu.dma_semaphore, #tpu.memory_space<semaphore_mem>>)
      %add3A_101 = arith.constant 768 : i32
      %add3A_102 = arith.addi %mul3A_64, %add3A_101 : i32
      %dma_start3A_103 = tpu.memref_slice %arg12[%add3A_102] : memref<8192xi32, #tpu.memory_space<vmem>> -> memref<128xi32, #tpu.memory_space<vmem>>
      %dma_start3A_104 = arith.constant 0 : i32
      %dma_start3A_105 = arith.constant 0 : i32
      %dma_start3A_106 = tpu.memref_slice %arg6[%dma_start3A_104, %dma_start3A_105] : memref<100001x64xf32, #tpu.memory_space<hbm>> -> memref<100001x64xf32, #tpu.memory_space<hbm>>
      tpu.enqueue_indirect_dma source(%dma_start3A_106 : memref<100001x64xf32, #tpu.memory_space<hbm>>) target(%arg19 : memref<128x64xf32, #tpu.memory_space<vmem>>) offsets(%dma_start3A_103 : memref<128xi32, #tpu.memory_space<vmem>>) semaphore(%arg22 : memref<!tpu.dma_semaphore, #tpu.memory_space<semaphore_mem>>)
      %add3A_107 = arith.constant 896 : i32
      %add3A_108 = arith.addi %mul3A_64, %add3A_107 : i32
      %dma_start3A_109 = tpu.memref_slice %arg12[%add3A_108] : memref<8192xi32, #tpu.memory_space<vmem>> -> memref<128xi32, #tpu.memory_space<vmem>>
      %dma_start3A_110 = arith.constant 0 : i32
      %dma_start3A_111 = arith.constant 0 : i32
      %dma_start3A_112 = tpu.memref_slice %arg6[%dma_start3A_110, %dma_start3A_111] : memref<100001x64xf32, #tpu.memory_space<hbm>> -> memref<100001x64xf32, #tpu.memory_space<hbm>>
      tpu.enqueue_indirect_dma source(%dma_start3A_112 : memref<100001x64xf32, #tpu.memory_space<hbm>>) target(%arg20 : memref<128x64xf32, #tpu.memory_space<vmem>>) offsets(%dma_start3A_109 : memref<128xi32, #tpu.memory_space<vmem>>) semaphore(%arg22 : memref<!tpu.dma_semaphore, #tpu.memory_space<semaphore_mem>>)
      %add3A_113 = arith.constant 0 : i32
      %add3A_114 = arith.addi %mul3A_64, %add3A_113 : i32
      %dma_wait3A_115 = tpu.memref_slice %arg12[%add3A_66] : memref<8192xi32, #tpu.memory_space<vmem>> -> memref<128xi32, #tpu.memory_space<vmem>>
      %dma_wait3A_116 = arith.constant 0 : i32
      %dma_wait3A_117 = arith.constant 0 : i32
      %dma_wait3A_118 = tpu.memref_slice %arg6[%dma_wait3A_116, %dma_wait3A_117] : memref<100001x64xf32, #tpu.memory_space<hbm>> -> memref<100001x64xf32, #tpu.memory_space<hbm>>
      tpu.wait_indirect_dma semaphore(%arg22 : memref<!tpu.dma_semaphore, #tpu.memory_space<semaphore_mem>>) src(%dma_wait3A_118 : memref<100001x64xf32, #tpu.memory_space<hbm>>) dst(%arg13 : memref<128x64xf32, #tpu.memory_space<vmem>>)
      %add3A_119 = arith.addi %mul3A_2, %add3A_114 : i32
      %dma_start3A_120 = arith.constant 0 : i32
      %dma_start3A_121 = tpu.memref_slice %arg8[%add3A_119, %dma_start3A_120] : memref<262144x64xf32, #tpu.memory_space<hbm>> -> memref<128x64xf32, #tpu.memory_space<hbm>>
      %dma_start3A_122 = arith.constant 0 : i32
      %dma_start3A_123 = tpu.memref_slice %arg8[%add3A_119, %dma_start3A_122] : memref<262144x64xf32, #tpu.memory_space<hbm>> -> memref<128x64xf32, #tpu.memory_space<hbm>>
      tpu.enqueue_dma source(%arg13 : memref<128x64xf32, #tpu.memory_space<vmem>>) target(%dma_start3A_123 : memref<128x64xf32, #tpu.memory_space<hbm>>) target_semaphore(%arg23 : memref<!tpu.dma_semaphore, #tpu.memory_space<semaphore_mem>>)
      %add3A_124 = arith.constant 128 : i32
      %add3A_125 = arith.addi %mul3A_64, %add3A_124 : i32
      %dma_wait3A_126 = tpu.memref_slice %arg12[%add3A_72] : memref<8192xi32, #tpu.memory_space<vmem>> -> memref<128xi32, #tpu.memory_space<vmem>>
      %dma_wait3A_127 = arith.constant 0 : i32
      %dma_wait3A_128 = arith.constant 0 : i32
      %dma_wait3A_129 = tpu.memref_slice %arg6[%dma_wait3A_127, %dma_wait3A_128] : memref<100001x64xf32, #tpu.memory_space<hbm>> -> memref<100001x64xf32, #tpu.memory_space<hbm>>
      tpu.wait_indirect_dma semaphore(%arg22 : memref<!tpu.dma_semaphore, #tpu.memory_space<semaphore_mem>>) src(%dma_wait3A_129 : memref<100001x64xf32, #tpu.memory_space<hbm>>) dst(%arg14 : memref<128x64xf32, #tpu.memory_space<vmem>>)
      %add3A_130 = arith.addi %mul3A_2, %add3A_125 : i32
      %dma_start3A_131 = arith.constant 0 : i32
      %dma_start3A_132 = tpu.memref_slice %arg8[%add3A_130, %dma_start3A_131] : memref<262144x64xf32, #tpu.memory_space<hbm>> -> memref<128x64xf32, #tpu.memory_space<hbm>>
      %dma_start3A_133 = arith.constant 0 : i32
      %dma_start3A_134 = tpu.memref_slice %arg8[%add3A_130, %dma_start3A_133] : memref<262144x64xf32, #tpu.memory_space<hbm>> -> memref<128x64xf32, #tpu.memory_space<hbm>>
      tpu.enqueue_dma source(%arg14 : memref<128x64xf32, #tpu.memory_space<vmem>>) target(%dma_start3A_134 : memref<128x64xf32, #tpu.memory_space<hbm>>) target_semaphore(%arg23 : memref<!tpu.dma_semaphore, #tpu.memory_space<semaphore_mem>>)
      %add3A_135 = arith.constant 256 : i32
      %add3A_136 = arith.addi %mul3A_64, %add3A_135 : i32
      %dma_wait3A_137 = tpu.memref_slice %arg12[%add3A_78] : memref<8192xi32, #tpu.memory_space<vmem>> -> memref<128xi32, #tpu.memory_space<vmem>>
      %dma_wait3A_138 = arith.constant 0 : i32
      %dma_wait3A_139 = arith.constant 0 : i32
      %dma_wait3A_140 = tpu.memref_slice %arg6[%dma_wait3A_138, %dma_wait3A_139] : memref<100001x64xf32, #tpu.memory_space<hbm>> -> memref<100001x64xf32, #tpu.memory_space<hbm>>
      tpu.wait_indirect_dma semaphore(%arg22 : memref<!tpu.dma_semaphore, #tpu.memory_space<semaphore_mem>>) src(%dma_wait3A_140 : memref<100001x64xf32, #tpu.memory_space<hbm>>) dst(%arg15 : memref<128x64xf32, #tpu.memory_space<vmem>>)
      %add3A_141 = arith.addi %mul3A_2, %add3A_136 : i32
      %dma_start3A_142 = arith.constant 0 : i32
      %dma_start3A_143 = tpu.memref_slice %arg8[%add3A_141, %dma_start3A_142] : memref<262144x64xf32, #tpu.memory_space<hbm>> -> memref<128x64xf32, #tpu.memory_space<hbm>>
      %dma_start3A_144 = arith.constant 0 : i32
      %dma_start3A_145 = tpu.memref_slice %arg8[%add3A_141, %dma_start3A_144] : memref<262144x64xf32, #tpu.memory_space<hbm>> -> memref<128x64xf32, #tpu.memory_space<hbm>>
      tpu.enqueue_dma source(%arg15 : memref<128x64xf32, #tpu.memory_space<vmem>>) target(%dma_start3A_145 : memref<128x64xf32, #tpu.memory_space<hbm>>) target_semaphore(%arg23 : memref<!tpu.dma_semaphore, #tpu.memory_space<semaphore_mem>>)
      %add3A_146 = arith.constant 384 : i32
      %add3A_147 = arith.addi %mul3A_64, %add3A_146 : i32
      %dma_wait3A_148 = tpu.memref_slice %arg12[%add3A_84] : memref<8192xi32, #tpu.memory_space<vmem>> -> memref<128xi32, #tpu.memory_space<vmem>>
      %dma_wait3A_149 = arith.constant 0 : i32
      %dma_wait3A_150 = arith.constant 0 : i32
      %dma_wait3A_151 = tpu.memref_slice %arg6[%dma_wait3A_149, %dma_wait3A_150] : memref<100001x64xf32, #tpu.memory_space<hbm>> -> memref<100001x64xf32, #tpu.memory_space<hbm>>
      tpu.wait_indirect_dma semaphore(%arg22 : memref<!tpu.dma_semaphore, #tpu.memory_space<semaphore_mem>>) src(%dma_wait3A_151 : memref<100001x64xf32, #tpu.memory_space<hbm>>) dst(%arg16 : memref<128x64xf32, #tpu.memory_space<vmem>>)
      %add3A_152 = arith.addi %mul3A_2, %add3A_147 : i32
      %dma_start3A_153 = arith.constant 0 : i32
      %dma_start3A_154 = tpu.memref_slice %arg8[%add3A_152, %dma_start3A_153] : memref<262144x64xf32, #tpu.memory_space<hbm>> -> memref<128x64xf32, #tpu.memory_space<hbm>>
      %dma_start3A_155 = arith.constant 0 : i32
      %dma_start3A_156 = tpu.memref_slice %arg8[%add3A_152, %dma_start3A_155] : memref<262144x64xf32, #tpu.memory_space<hbm>> -> memref<128x64xf32, #tpu.memory_space<hbm>>
      tpu.enqueue_dma source(%arg16 : memref<128x64xf32, #tpu.memory_space<vmem>>) target(%dma_start3A_156 : memref<128x64xf32, #tpu.memory_space<hbm>>) target_semaphore(%arg23 : memref<!tpu.dma_semaphore, #tpu.memory_space<semaphore_mem>>)
      %add3A_157 = arith.constant 512 : i32
      %add3A_158 = arith.addi %mul3A_64, %add3A_157 : i32
      %dma_wait3A_159 = tpu.memref_slice %arg12[%add3A_90] : memref<8192xi32, #tpu.memory_space<vmem>> -> memref<128xi32, #tpu.memory_space<vmem>>
      %dma_wait3A_160 = arith.constant 0 : i32
      %dma_wait3A_161 = arith.constant 0 : i32
      %dma_wait3A_162 = tpu.memref_slice %arg6[%dma_wait3A_160, %dma_wait3A_161] : memref<100001x64xf32, #tpu.memory_space<hbm>> -> memref<100001x64xf32, #tpu.memory_space<hbm>>
      tpu.wait_indirect_dma semaphore(%arg22 : memref<!tpu.dma_semaphore, #tpu.memory_space<semaphore_mem>>) src(%dma_wait3A_162 : memref<100001x64xf32, #tpu.memory_space<hbm>>) dst(%arg17 : memref<128x64xf32, #tpu.memory_space<vmem>>)
      %add3A_163 = arith.addi %mul3A_2, %add3A_158 : i32
      %dma_start3A_164 = arith.constant 0 : i32
      %dma_start3A_165 = tpu.memref_slice %arg8[%add3A_163, %dma_start3A_164] : memref<262144x64xf32, #tpu.memory_space<hbm>> -> memref<128x64xf32, #tpu.memory_space<hbm>>
      %dma_start3A_166 = arith.constant 0 : i32
      %dma_start3A_167 = tpu.memref_slice %arg8[%add3A_163, %dma_start3A_166] : memref<262144x64xf32, #tpu.memory_space<hbm>> -> memref<128x64xf32, #tpu.memory_space<hbm>>
      tpu.enqueue_dma source(%arg17 : memref<128x64xf32, #tpu.memory_space<vmem>>) target(%dma_start3A_167 : memref<128x64xf32, #tpu.memory_space<hbm>>) target_semaphore(%arg23 : memref<!tpu.dma_semaphore, #tpu.memory_space<semaphore_mem>>)
      %add3A_168 = arith.constant 640 : i32
      %add3A_169 = arith.addi %mul3A_64, %add3A_168 : i32
      %dma_wait3A_170 = tpu.memref_slice %arg12[%add3A_96] : memref<8192xi32, #tpu.memory_space<vmem>> -> memref<128xi32, #tpu.memory_space<vmem>>
      %dma_wait3A_171 = arith.constant 0 : i32
      %dma_wait3A_172 = arith.constant 0 : i32
      %dma_wait3A_173 = tpu.memref_slice %arg6[%dma_wait3A_171, %dma_wait3A_172] : memref<100001x64xf32, #tpu.memory_space<hbm>> -> memref<100001x64xf32, #tpu.memory_space<hbm>>
      tpu.wait_indirect_dma semaphore(%arg22 : memref<!tpu.dma_semaphore, #tpu.memory_space<semaphore_mem>>) src(%dma_wait3A_173 : memref<100001x64xf32, #tpu.memory_space<hbm>>) dst(%arg18 : memref<128x64xf32, #tpu.memory_space<vmem>>)
      %add3A_174 = arith.addi %mul3A_2, %add3A_169 : i32
      %dma_start3A_175 = arith.constant 0 : i32
      %dma_start3A_176 = tpu.memref_slice %arg8[%add3A_174, %dma_start3A_175] : memref<262144x64xf32, #tpu.memory_space<hbm>> -> memref<128x64xf32, #tpu.memory_space<hbm>>
      %dma_start3A_177 = arith.constant 0 : i32
      %dma_start3A_178 = tpu.memref_slice %arg8[%add3A_174, %dma_start3A_177] : memref<262144x64xf32, #tpu.memory_space<hbm>> -> memref<128x64xf32, #tpu.memory_space<hbm>>
      tpu.enqueue_dma source(%arg18 : memref<128x64xf32, #tpu.memory_space<vmem>>) target(%dma_start3A_178 : memref<128x64xf32, #tpu.memory_space<hbm>>) target_semaphore(%arg23 : memref<!tpu.dma_semaphore, #tpu.memory_space<semaphore_mem>>)
      %add3A_179 = arith.constant 768 : i32
      %add3A_180 = arith.addi %mul3A_64, %add3A_179 : i32
      %dma_wait3A_181 = tpu.memref_slice %arg12[%add3A_102] : memref<8192xi32, #tpu.memory_space<vmem>> -> memref<128xi32, #tpu.memory_space<vmem>>
      %dma_wait3A_182 = arith.constant 0 : i32
      %dma_wait3A_183 = arith.constant 0 : i32
      %dma_wait3A_184 = tpu.memref_slice %arg6[%dma_wait3A_182, %dma_wait3A_183] : memref<100001x64xf32, #tpu.memory_space<hbm>> -> memref<100001x64xf32, #tpu.memory_space<hbm>>
      tpu.wait_indirect_dma semaphore(%arg22 : memref<!tpu.dma_semaphore, #tpu.memory_space<semaphore_mem>>) src(%dma_wait3A_184 : memref<100001x64xf32, #tpu.memory_space<hbm>>) dst(%arg19 : memref<128x64xf32, #tpu.memory_space<vmem>>)
      %add3A_185 = arith.addi %mul3A_2, %add3A_180 : i32
      %dma_start3A_186 = arith.constant 0 : i32
      %dma_start3A_187 = tpu.memref_slice %arg8[%add3A_185, %dma_start3A_186] : memref<262144x64xf32, #tpu.memory_space<hbm>> -> memref<128x64xf32, #tpu.memory_space<hbm>>
      %dma_start3A_188 = arith.constant 0 : i32
      %dma_start3A_189 = tpu.memref_slice %arg8[%add3A_185, %dma_start3A_188] : memref<262144x64xf32, #tpu.memory_space<hbm>> -> memref<128x64xf32, #tpu.memory_space<hbm>>
      tpu.enqueue_dma source(%arg19 : memref<128x64xf32, #tpu.memory_space<vmem>>) target(%dma_start3A_189 : memref<128x64xf32, #tpu.memory_space<hbm>>) target_semaphore(%arg23 : memref<!tpu.dma_semaphore, #tpu.memory_space<semaphore_mem>>)
      %add3A_190 = arith.constant 896 : i32
      %add3A_191 = arith.addi %mul3A_64, %add3A_190 : i32
      %dma_wait3A_192 = tpu.memref_slice %arg12[%add3A_108] : memref<8192xi32, #tpu.memory_space<vmem>> -> memref<128xi32, #tpu.memory_space<vmem>>
      %dma_wait3A_193 = arith.constant 0 : i32
      %dma_wait3A_194 = arith.constant 0 : i32
      %dma_wait3A_195 = tpu.memref_slice %arg6[%dma_wait3A_193, %dma_wait3A_194] : memref<100001x64xf32, #tpu.memory_space<hbm>> -> memref<100001x64xf32, #tpu.memory_space<hbm>>
      tpu.wait_indirect_dma semaphore(%arg22 : memref<!tpu.dma_semaphore, #tpu.memory_space<semaphore_mem>>) src(%dma_wait3A_195 : memref<100001x64xf32, #tpu.memory_space<hbm>>) dst(%arg20 : memref<128x64xf32, #tpu.memory_space<vmem>>)
      %add3A_196 = arith.addi %mul3A_2, %add3A_191 : i32
      %dma_start3A_197 = arith.constant 0 : i32
      %dma_start3A_198 = tpu.memref_slice %arg8[%add3A_196, %dma_start3A_197] : memref<262144x64xf32, #tpu.memory_space<hbm>> -> memref<128x64xf32, #tpu.memory_space<hbm>>
      %dma_start3A_199 = arith.constant 0 : i32
      %dma_start3A_200 = tpu.memref_slice %arg8[%add3A_196, %dma_start3A_199] : memref<262144x64xf32, #tpu.memory_space<hbm>> -> memref<128x64xf32, #tpu.memory_space<hbm>>
      tpu.enqueue_dma source(%arg20 : memref<128x64xf32, #tpu.memory_space<vmem>>) target(%dma_start3A_200 : memref<128x64xf32, #tpu.memory_space<hbm>>) target_semaphore(%arg23 : memref<!tpu.dma_semaphore, #tpu.memory_space<semaphore_mem>>)
      %dma_wait3A_201 = arith.constant 0 : i32
      %dma_wait3A_202 = tpu.memref_slice %arg8[%add3A_119, %dma_wait3A_201] : memref<262144x64xf32, #tpu.memory_space<hbm>> -> memref<128x64xf32, #tpu.memory_space<hbm>>
      %dma_wait3A_203 = arith.constant 0 : i32
      %dma_wait3A_204 = tpu.memref_slice %arg8[%add3A_119, %dma_wait3A_203] : memref<262144x64xf32, #tpu.memory_space<hbm>> -> memref<128x64xf32, #tpu.memory_space<hbm>>
      tpu.wait_dma2 semaphore(%arg23 : memref<!tpu.dma_semaphore, #tpu.memory_space<semaphore_mem>>) src(%arg13 : memref<128x64xf32, #tpu.memory_space<vmem>>) dst(%dma_wait3A_204 : memref<128x64xf32, #tpu.memory_space<hbm>>)
      %dma_wait3A_205 = arith.constant 0 : i32
      %dma_wait3A_206 = tpu.memref_slice %arg8[%add3A_130, %dma_wait3A_205] : memref<262144x64xf32, #tpu.memory_space<hbm>> -> memref<128x64xf32, #tpu.memory_space<hbm>>
      %dma_wait3A_207 = arith.constant 0 : i32
      %dma_wait3A_208 = tpu.memref_slice %arg8[%add3A_130, %dma_wait3A_207] : memref<262144x64xf32, #tpu.memory_space<hbm>> -> memref<128x64xf32, #tpu.memory_space<hbm>>
      tpu.wait_dma2 semaphore(%arg23 : memref<!tpu.dma_semaphore, #tpu.memory_space<semaphore_mem>>) src(%arg14 : memref<128x64xf32, #tpu.memory_space<vmem>>) dst(%dma_wait3A_208 : memref<128x64xf32, #tpu.memory_space<hbm>>)
      %dma_wait3A_209 = arith.constant 0 : i32
      %dma_wait3A_210 = tpu.memref_slice %arg8[%add3A_141, %dma_wait3A_209] : memref<262144x64xf32, #tpu.memory_space<hbm>> -> memref<128x64xf32, #tpu.memory_space<hbm>>
      %dma_wait3A_211 = arith.constant 0 : i32
      %dma_wait3A_212 = tpu.memref_slice %arg8[%add3A_141, %dma_wait3A_211] : memref<262144x64xf32, #tpu.memory_space<hbm>> -> memref<128x64xf32, #tpu.memory_space<hbm>>
      tpu.wait_dma2 semaphore(%arg23 : memref<!tpu.dma_semaphore, #tpu.memory_space<semaphore_mem>>) src(%arg15 : memref<128x64xf32, #tpu.memory_space<vmem>>) dst(%dma_wait3A_212 : memref<128x64xf32, #tpu.memory_space<hbm>>)
      %dma_wait3A_213 = arith.constant 0 : i32
      %dma_wait3A_214 = tpu.memref_slice %arg8[%add3A_152, %dma_wait3A_213] : memref<262144x64xf32, #tpu.memory_space<hbm>> -> memref<128x64xf32, #tpu.memory_space<hbm>>
      %dma_wait3A_215 = arith.constant 0 : i32
      %dma_wait3A_216 = tpu.memref_slice %arg8[%add3A_152, %dma_wait3A_215] : memref<262144x64xf32, #tpu.memory_space<hbm>> -> memref<128x64xf32, #tpu.memory_space<hbm>>
      tpu.wait_dma2 semaphore(%arg23 : memref<!tpu.dma_semaphore, #tpu.memory_space<semaphore_mem>>) src(%arg16 : memref<128x64xf32, #tpu.memory_space<vmem>>) dst(%dma_wait3A_216 : memref<128x64xf32, #tpu.memory_space<hbm>>)
      %dma_wait3A_217 = arith.constant 0 : i32
      %dma_wait3A_218 = tpu.memref_slice %arg8[%add3A_163, %dma_wait3A_217] : memref<262144x64xf32, #tpu.memory_space<hbm>> -> memref<128x64xf32, #tpu.memory_space<hbm>>
      %dma_wait3A_219 = arith.constant 0 : i32
      %dma_wait3A_220 = tpu.memref_slice %arg8[%add3A_163, %dma_wait3A_219] : memref<262144x64xf32, #tpu.memory_space<hbm>> -> memref<128x64xf32, #tpu.memory_space<hbm>>
      tpu.wait_dma2 semaphore(%arg23 : memref<!tpu.dma_semaphore, #tpu.memory_space<semaphore_mem>>) src(%arg17 : memref<128x64xf32, #tpu.memory_space<vmem>>) dst(%dma_wait3A_220 : memref<128x64xf32, #tpu.memory_space<hbm>>)
      %dma_wait3A_221 = arith.constant 0 : i32
      %dma_wait3A_222 = tpu.memref_slice %arg8[%add3A_174, %dma_wait3A_221] : memref<262144x64xf32, #tpu.memory_space<hbm>> -> memref<128x64xf32, #tpu.memory_space<hbm>>
      %dma_wait3A_223 = arith.constant 0 : i32
      %dma_wait3A_224 = tpu.memref_slice %arg8[%add3A_174, %dma_wait3A_223] : memref<262144x64xf32, #tpu.memory_space<hbm>> -> memref<128x64xf32, #tpu.memory_space<hbm>>
      tpu.wait_dma2 semaphore(%arg23 : memref<!tpu.dma_semaphore, #tpu.memory_space<semaphore_mem>>) src(%arg18 : memref<128x64xf32, #tpu.memory_space<vmem>>) dst(%dma_wait3A_224 : memref<128x64xf32, #tpu.memory_space<hbm>>)
      %dma_wait3A_225 = arith.constant 0 : i32
      %dma_wait3A_226 = tpu.memref_slice %arg8[%add3A_185, %dma_wait3A_225] : memref<262144x64xf32, #tpu.memory_space<hbm>> -> memref<128x64xf32, #tpu.memory_space<hbm>>
      %dma_wait3A_227 = arith.constant 0 : i32
      %dma_wait3A_228 = tpu.memref_slice %arg8[%add3A_185, %dma_wait3A_227] : memref<262144x64xf32, #tpu.memory_space<hbm>> -> memref<128x64xf32, #tpu.memory_space<hbm>>
      tpu.wait_dma2 semaphore(%arg23 : memref<!tpu.dma_semaphore, #tpu.memory_space<semaphore_mem>>) src(%arg19 : memref<128x64xf32, #tpu.memory_space<vmem>>) dst(%dma_wait3A_228 : memref<128x64xf32, #tpu.memory_space<hbm>>)
      %dma_wait3A_229 = arith.constant 0 : i32
      %dma_wait3A_230 = tpu.memref_slice %arg8[%add3A_196, %dma_wait3A_229] : memref<262144x64xf32, #tpu.memory_space<hbm>> -> memref<128x64xf32, #tpu.memory_space<hbm>>
      %dma_wait3A_231 = arith.constant 0 : i32
      %dma_wait3A_232 = tpu.memref_slice %arg8[%add3A_196, %dma_wait3A_231] : memref<262144x64xf32, #tpu.memory_space<hbm>> -> memref<128x64xf32, #tpu.memory_space<hbm>>
      tpu.wait_dma2 semaphore(%arg23 : memref<!tpu.dma_semaphore, #tpu.memory_space<semaphore_mem>>) src(%arg20 : memref<128x64xf32, #tpu.memory_space<vmem>>) dst(%dma_wait3A_232 : memref<128x64xf32, #tpu.memory_space<hbm>>)
    }
    %scan3A_7 = arith.constant 8 : i32
    %mul3A_8 = arith.constant 8192 : i32
    %mul3A_9 = arith.muli %add3A, %mul3A_8 : i32
    "tpu.region"() ({
      %run_scoped3A = tpu.sem_alloc : memref<!tpu.dma_semaphore, #tpu.memory_space<semaphore_mem>>
      %dma_start3A_62 = arith.constant 0 : i32
      %dma_start3A_63 = tpu.memref_slice %arg12[%dma_start3A_62] : memref<8192xi32, #tpu.memory_space<vmem>> -> memref<8192xi32, #tpu.memory_space<vmem>>
      %dma_start3A_64 = tpu.memref_slice %arg3[%mul3A_9] : memref<262144xi32, #tpu.memory_space<hbm>> -> memref<8192xi32, #tpu.memory_space<hbm>>
      %dma_start3A_65 = arith.constant 0 : i32
      %dma_start3A_66 = tpu.memref_slice %arg12[%dma_start3A_65] : memref<8192xi32, #tpu.memory_space<vmem>> -> memref<8192xi32, #tpu.memory_space<vmem>>
      %dma_start3A_67 = tpu.memref_slice %arg3[%mul3A_9] : memref<262144xi32, #tpu.memory_space<hbm>> -> memref<8192xi32, #tpu.memory_space<hbm>>
      tpu.enqueue_dma source(%dma_start3A_67 : memref<8192xi32, #tpu.memory_space<hbm>>) target(%dma_start3A_66 : memref<8192xi32, #tpu.memory_space<vmem>>) target_semaphore(%run_scoped3A : memref<!tpu.dma_semaphore, #tpu.memory_space<semaphore_mem>>)
      %dma_wait3A_68 = arith.constant 0 : i32
      %dma_wait3A_69 = tpu.memref_slice %arg12[%dma_wait3A_68] : memref<8192xi32, #tpu.memory_space<vmem>> -> memref<8192xi32, #tpu.memory_space<vmem>>
      %dma_wait3A_70 = tpu.memref_slice %arg3[%mul3A_9] : memref<262144xi32, #tpu.memory_space<hbm>> -> memref<8192xi32, #tpu.memory_space<hbm>>
      %dma_wait3A_71 = arith.constant 0 : i32
      %dma_wait3A_72 = tpu.memref_slice %arg12[%dma_wait3A_71] : memref<8192xi32, #tpu.memory_space<vmem>> -> memref<8192xi32, #tpu.memory_space<vmem>>
      %dma_wait3A_73 = tpu.memref_slice %arg3[%mul3A_9] : memref<262144xi32, #tpu.memory_space<hbm>> -> memref<8192xi32, #tpu.memory_space<hbm>>
      tpu.wait_dma2 semaphore(%run_scoped3A : memref<!tpu.dma_semaphore, #tpu.memory_space<semaphore_mem>>) src(%dma_wait3A_73 : memref<8192xi32, #tpu.memory_space<hbm>>) dst(%dma_wait3A_72 : memref<8192xi32, #tpu.memory_space<vmem>>)
      tpu.yield
    }) : () -> ()
    %scan3A_10 = arith.constant 0 : i32
    %scan3A_11 = arith.constant 0 : i32
    %scan3A_12 = arith.constant 8 : i32
    %scan3A_13 = arith.addi %scan3A_11, %scan3A_12 : i32
    %scan3A_14 = arith.constant 1 : i32
    scf.for %scan3A_62 = %scan3A_11 to %scan3A_13 step %scan3A_14  : i32 {
      %mul3A_63 = arith.constant 1024 : i32
      %mul3A_64 = arith.muli %scan3A_62, %mul3A_63 : i32
      %add3A_65 = arith.constant 0 : i32
      %add3A_66 = arith.addi %mul3A_64, %add3A_65 : i32
      %dma_start3A_67 = tpu.memref_slice %arg12[%add3A_66] : memref<8192xi32, #tpu.memory_space<vmem>> -> memref<128xi32, #tpu.memory_space<vmem>>
      %dma_start3A_68 = arith.constant 0 : i32
      %dma_start3A_69 = arith.constant 0 : i32
      %dma_start3A_70 = tpu.memref_slice %arg6[%dma_start3A_68, %dma_start3A_69] : memref<100001x64xf32, #tpu.memory_space<hbm>> -> memref<100001x64xf32, #tpu.memory_space<hbm>>
      tpu.enqueue_indirect_dma source(%dma_start3A_70 : memref<100001x64xf32, #tpu.memory_space<hbm>>) target(%arg13 : memref<128x64xf32, #tpu.memory_space<vmem>>) offsets(%dma_start3A_67 : memref<128xi32, #tpu.memory_space<vmem>>) semaphore(%arg22 : memref<!tpu.dma_semaphore, #tpu.memory_space<semaphore_mem>>)
      %add3A_71 = arith.constant 128 : i32
      %add3A_72 = arith.addi %mul3A_64, %add3A_71 : i32
      %dma_start3A_73 = tpu.memref_slice %arg12[%add3A_72] : memref<8192xi32, #tpu.memory_space<vmem>> -> memref<128xi32, #tpu.memory_space<vmem>>
      %dma_start3A_74 = arith.constant 0 : i32
      %dma_start3A_75 = arith.constant 0 : i32
      %dma_start3A_76 = tpu.memref_slice %arg6[%dma_start3A_74, %dma_start3A_75] : memref<100001x64xf32, #tpu.memory_space<hbm>> -> memref<100001x64xf32, #tpu.memory_space<hbm>>
      tpu.enqueue_indirect_dma source(%dma_start3A_76 : memref<100001x64xf32, #tpu.memory_space<hbm>>) target(%arg14 : memref<128x64xf32, #tpu.memory_space<vmem>>) offsets(%dma_start3A_73 : memref<128xi32, #tpu.memory_space<vmem>>) semaphore(%arg22 : memref<!tpu.dma_semaphore, #tpu.memory_space<semaphore_mem>>)
      %add3A_77 = arith.constant 256 : i32
      %add3A_78 = arith.addi %mul3A_64, %add3A_77 : i32
      %dma_start3A_79 = tpu.memref_slice %arg12[%add3A_78] : memref<8192xi32, #tpu.memory_space<vmem>> -> memref<128xi32, #tpu.memory_space<vmem>>
      %dma_start3A_80 = arith.constant 0 : i32
      %dma_start3A_81 = arith.constant 0 : i32
      %dma_start3A_82 = tpu.memref_slice %arg6[%dma_start3A_80, %dma_start3A_81] : memref<100001x64xf32, #tpu.memory_space<hbm>> -> memref<100001x64xf32, #tpu.memory_space<hbm>>
      tpu.enqueue_indirect_dma source(%dma_start3A_82 : memref<100001x64xf32, #tpu.memory_space<hbm>>) target(%arg15 : memref<128x64xf32, #tpu.memory_space<vmem>>) offsets(%dma_start3A_79 : memref<128xi32, #tpu.memory_space<vmem>>) semaphore(%arg22 : memref<!tpu.dma_semaphore, #tpu.memory_space<semaphore_mem>>)
      %add3A_83 = arith.constant 384 : i32
      %add3A_84 = arith.addi %mul3A_64, %add3A_83 : i32
      %dma_start3A_85 = tpu.memref_slice %arg12[%add3A_84] : memref<8192xi32, #tpu.memory_space<vmem>> -> memref<128xi32, #tpu.memory_space<vmem>>
      %dma_start3A_86 = arith.constant 0 : i32
      %dma_start3A_87 = arith.constant 0 : i32
      %dma_start3A_88 = tpu.memref_slice %arg6[%dma_start3A_86, %dma_start3A_87] : memref<100001x64xf32, #tpu.memory_space<hbm>> -> memref<100001x64xf32, #tpu.memory_space<hbm>>
      tpu.enqueue_indirect_dma source(%dma_start3A_88 : memref<100001x64xf32, #tpu.memory_space<hbm>>) target(%arg16 : memref<128x64xf32, #tpu.memory_space<vmem>>) offsets(%dma_start3A_85 : memref<128xi32, #tpu.memory_space<vmem>>) semaphore(%arg22 : memref<!tpu.dma_semaphore, #tpu.memory_space<semaphore_mem>>)
      %add3A_89 = arith.constant 512 : i32
      %add3A_90 = arith.addi %mul3A_64, %add3A_89 : i32
      %dma_start3A_91 = tpu.memref_slice %arg12[%add3A_90] : memref<8192xi32, #tpu.memory_space<vmem>> -> memref<128xi32, #tpu.memory_space<vmem>>
      %dma_start3A_92 = arith.constant 0 : i32
      %dma_start3A_93 = arith.constant 0 : i32
      %dma_start3A_94 = tpu.memref_slice %arg6[%dma_start3A_92, %dma_start3A_93] : memref<100001x64xf32, #tpu.memory_space<hbm>> -> memref<100001x64xf32, #tpu.memory_space<hbm>>
      tpu.enqueue_indirect_dma source(%dma_start3A_94 : memref<100001x64xf32, #tpu.memory_space<hbm>>) target(%arg17 : memref<128x64xf32, #tpu.memory_space<vmem>>) offsets(%dma_start3A_91 : memref<128xi32, #tpu.memory_space<vmem>>) semaphore(%arg22 : memref<!tpu.dma_semaphore, #tpu.memory_space<semaphore_mem>>)
      %add3A_95 = arith.constant 640 : i32
      %add3A_96 = arith.addi %mul3A_64, %add3A_95 : i32
      %dma_start3A_97 = tpu.memref_slice %arg12[%add3A_96] : memref<8192xi32, #tpu.memory_space<vmem>> -> memref<128xi32, #tpu.memory_space<vmem>>
      %dma_start3A_98 = arith.constant 0 : i32
      %dma_start3A_99 = arith.constant 0 : i32
      %dma_start3A_100 = tpu.memref_slice %arg6[%dma_start3A_98, %dma_start3A_99] : memref<100001x64xf32, #tpu.memory_space<hbm>> -> memref<100001x64xf32, #tpu.memory_space<hbm>>
      tpu.enqueue_indirect_dma source(%dma_start3A_100 : memref<100001x64xf32, #tpu.memory_space<hbm>>) target(%arg18 : memref<128x64xf32, #tpu.memory_space<vmem>>) offsets(%dma_start3A_97 : memref<128xi32, #tpu.memory_space<vmem>>) semaphore(%arg22 : memref<!tpu.dma_semaphore, #tpu.memory_space<semaphore_mem>>)
      %add3A_101 = arith.constant 768 : i32
      %add3A_102 = arith.addi %mul3A_64, %add3A_101 : i32
      %dma_start3A_103 = tpu.memref_slice %arg12[%add3A_102] : memref<8192xi32, #tpu.memory_space<vmem>> -> memref<128xi32, #tpu.memory_space<vmem>>
      %dma_start3A_104 = arith.constant 0 : i32
      %dma_start3A_105 = arith.constant 0 : i32
      %dma_start3A_106 = tpu.memref_slice %arg6[%dma_start3A_104, %dma_start3A_105] : memref<100001x64xf32, #tpu.memory_space<hbm>> -> memref<100001x64xf32, #tpu.memory_space<hbm>>
      tpu.enqueue_indirect_dma source(%dma_start3A_106 : memref<100001x64xf32, #tpu.memory_space<hbm>>) target(%arg19 : memref<128x64xf32, #tpu.memory_space<vmem>>) offsets(%dma_start3A_103 : memref<128xi32, #tpu.memory_space<vmem>>) semaphore(%arg22 : memref<!tpu.dma_semaphore, #tpu.memory_space<semaphore_mem>>)
      %add3A_107 = arith.constant 896 : i32
      %add3A_108 = arith.addi %mul3A_64, %add3A_107 : i32
      %dma_start3A_109 = tpu.memref_slice %arg12[%add3A_108] : memref<8192xi32, #tpu.memory_space<vmem>> -> memref<128xi32, #tpu.memory_space<vmem>>
      %dma_start3A_110 = arith.constant 0 : i32
      %dma_start3A_111 = arith.constant 0 : i32
      %dma_start3A_112 = tpu.memref_slice %arg6[%dma_start3A_110, %dma_start3A_111] : memref<100001x64xf32, #tpu.memory_space<hbm>> -> memref<100001x64xf32, #tpu.memory_space<hbm>>
      tpu.enqueue_indirect_dma source(%dma_start3A_112 : memref<100001x64xf32, #tpu.memory_space<hbm>>) target(%arg20 : memref<128x64xf32, #tpu.memory_space<vmem>>) offsets(%dma_start3A_109 : memref<128xi32, #tpu.memory_space<vmem>>) semaphore(%arg22 : memref<!tpu.dma_semaphore, #tpu.memory_space<semaphore_mem>>)
      %add3A_113 = arith.constant 0 : i32
      %add3A_114 = arith.addi %mul3A_64, %add3A_113 : i32
      %dma_wait3A_115 = tpu.memref_slice %arg12[%add3A_66] : memref<8192xi32, #tpu.memory_space<vmem>> -> memref<128xi32, #tpu.memory_space<vmem>>
      %dma_wait3A_116 = arith.constant 0 : i32
      %dma_wait3A_117 = arith.constant 0 : i32
      %dma_wait3A_118 = tpu.memref_slice %arg6[%dma_wait3A_116, %dma_wait3A_117] : memref<100001x64xf32, #tpu.memory_space<hbm>> -> memref<100001x64xf32, #tpu.memory_space<hbm>>
      tpu.wait_indirect_dma semaphore(%arg22 : memref<!tpu.dma_semaphore, #tpu.memory_space<semaphore_mem>>) src(%dma_wait3A_118 : memref<100001x64xf32, #tpu.memory_space<hbm>>) dst(%arg13 : memref<128x64xf32, #tpu.memory_space<vmem>>)
      %add3A_119 = arith.addi %mul3A_9, %add3A_114 : i32
      %dma_start3A_120 = arith.constant 0 : i32
      %dma_start3A_121 = tpu.memref_slice %arg9[%add3A_119, %dma_start3A_120] : memref<262144x64xf32, #tpu.memory_space<hbm>> -> memref<128x64xf32, #tpu.memory_space<hbm>>
      %dma_start3A_122 = arith.constant 0 : i32
      %dma_start3A_123 = tpu.memref_slice %arg9[%add3A_119, %dma_start3A_122] : memref<262144x64xf32, #tpu.memory_space<hbm>> -> memref<128x64xf32, #tpu.memory_space<hbm>>
      tpu.enqueue_dma source(%arg13 : memref<128x64xf32, #tpu.memory_space<vmem>>) target(%dma_start3A_123 : memref<128x64xf32, #tpu.memory_space<hbm>>) target_semaphore(%arg23 : memref<!tpu.dma_semaphore, #tpu.memory_space<semaphore_mem>>)
      %add3A_124 = arith.constant 128 : i32
      %add3A_125 = arith.addi %mul3A_64, %add3A_124 : i32
      %dma_wait3A_126 = tpu.memref_slice %arg12[%add3A_72] : memref<8192xi32, #tpu.memory_space<vmem>> -> memref<128xi32, #tpu.memory_space<vmem>>
      %dma_wait3A_127 = arith.constant 0 : i32
      %dma_wait3A_128 = arith.constant 0 : i32
      %dma_wait3A_129 = tpu.memref_slice %arg6[%dma_wait3A_127, %dma_wait3A_128] : memref<100001x64xf32, #tpu.memory_space<hbm>> -> memref<100001x64xf32, #tpu.memory_space<hbm>>
      tpu.wait_indirect_dma semaphore(%arg22 : memref<!tpu.dma_semaphore, #tpu.memory_space<semaphore_mem>>) src(%dma_wait3A_129 : memref<100001x64xf32, #tpu.memory_space<hbm>>) dst(%arg14 : memref<128x64xf32, #tpu.memory_space<vmem>>)
      %add3A_130 = arith.addi %mul3A_9, %add3A_125 : i32
      %dma_start3A_131 = arith.constant 0 : i32
      %dma_start3A_132 = tpu.memref_slice %arg9[%add3A_130, %dma_start3A_131] : memref<262144x64xf32, #tpu.memory_space<hbm>> -> memref<128x64xf32, #tpu.memory_space<hbm>>
      %dma_start3A_133 = arith.constant 0 : i32
      %dma_start3A_134 = tpu.memref_slice %arg9[%add3A_130, %dma_start3A_133] : memref<262144x64xf32, #tpu.memory_space<hbm>> -> memref<128x64xf32, #tpu.memory_space<hbm>>
      tpu.enqueue_dma source(%arg14 : memref<128x64xf32, #tpu.memory_space<vmem>>) target(%dma_start3A_134 : memref<128x64xf32, #tpu.memory_space<hbm>>) target_semaphore(%arg23 : memref<!tpu.dma_semaphore, #tpu.memory_space<semaphore_mem>>)
      %add3A_135 = arith.constant 256 : i32
      %add3A_136 = arith.addi %mul3A_64, %add3A_135 : i32
      %dma_wait3A_137 = tpu.memref_slice %arg12[%add3A_78] : memref<8192xi32, #tpu.memory_space<vmem>> -> memref<128xi32, #tpu.memory_space<vmem>>
      %dma_wait3A_138 = arith.constant 0 : i32
      %dma_wait3A_139 = arith.constant 0 : i32
      %dma_wait3A_140 = tpu.memref_slice %arg6[%dma_wait3A_138, %dma_wait3A_139] : memref<100001x64xf32, #tpu.memory_space<hbm>> -> memref<100001x64xf32, #tpu.memory_space<hbm>>
      tpu.wait_indirect_dma semaphore(%arg22 : memref<!tpu.dma_semaphore, #tpu.memory_space<semaphore_mem>>) src(%dma_wait3A_140 : memref<100001x64xf32, #tpu.memory_space<hbm>>) dst(%arg15 : memref<128x64xf32, #tpu.memory_space<vmem>>)
      %add3A_141 = arith.addi %mul3A_9, %add3A_136 : i32
      %dma_start3A_142 = arith.constant 0 : i32
      %dma_start3A_143 = tpu.memref_slice %arg9[%add3A_141, %dma_start3A_142] : memref<262144x64xf32, #tpu.memory_space<hbm>> -> memref<128x64xf32, #tpu.memory_space<hbm>>
      %dma_start3A_144 = arith.constant 0 : i32
      %dma_start3A_145 = tpu.memref_slice %arg9[%add3A_141, %dma_start3A_144] : memref<262144x64xf32, #tpu.memory_space<hbm>> -> memref<128x64xf32, #tpu.memory_space<hbm>>
      tpu.enqueue_dma source(%arg15 : memref<128x64xf32, #tpu.memory_space<vmem>>) target(%dma_start3A_145 : memref<128x64xf32, #tpu.memory_space<hbm>>) target_semaphore(%arg23 : memref<!tpu.dma_semaphore, #tpu.memory_space<semaphore_mem>>)
      %add3A_146 = arith.constant 384 : i32
      %add3A_147 = arith.addi %mul3A_64, %add3A_146 : i32
      %dma_wait3A_148 = tpu.memref_slice %arg12[%add3A_84] : memref<8192xi32, #tpu.memory_space<vmem>> -> memref<128xi32, #tpu.memory_space<vmem>>
      %dma_wait3A_149 = arith.constant 0 : i32
      %dma_wait3A_150 = arith.constant 0 : i32
      %dma_wait3A_151 = tpu.memref_slice %arg6[%dma_wait3A_149, %dma_wait3A_150] : memref<100001x64xf32, #tpu.memory_space<hbm>> -> memref<100001x64xf32, #tpu.memory_space<hbm>>
      tpu.wait_indirect_dma semaphore(%arg22 : memref<!tpu.dma_semaphore, #tpu.memory_space<semaphore_mem>>) src(%dma_wait3A_151 : memref<100001x64xf32, #tpu.memory_space<hbm>>) dst(%arg16 : memref<128x64xf32, #tpu.memory_space<vmem>>)
      %add3A_152 = arith.addi %mul3A_9, %add3A_147 : i32
      %dma_start3A_153 = arith.constant 0 : i32
      %dma_start3A_154 = tpu.memref_slice %arg9[%add3A_152, %dma_start3A_153] : memref<262144x64xf32, #tpu.memory_space<hbm>> -> memref<128x64xf32, #tpu.memory_space<hbm>>
      %dma_start3A_155 = arith.constant 0 : i32
      %dma_start3A_156 = tpu.memref_slice %arg9[%add3A_152, %dma_start3A_155] : memref<262144x64xf32, #tpu.memory_space<hbm>> -> memref<128x64xf32, #tpu.memory_space<hbm>>
      tpu.enqueue_dma source(%arg16 : memref<128x64xf32, #tpu.memory_space<vmem>>) target(%dma_start3A_156 : memref<128x64xf32, #tpu.memory_space<hbm>>) target_semaphore(%arg23 : memref<!tpu.dma_semaphore, #tpu.memory_space<semaphore_mem>>)
      %add3A_157 = arith.constant 512 : i32
      %add3A_158 = arith.addi %mul3A_64, %add3A_157 : i32
      %dma_wait3A_159 = tpu.memref_slice %arg12[%add3A_90] : memref<8192xi32, #tpu.memory_space<vmem>> -> memref<128xi32, #tpu.memory_space<vmem>>
      %dma_wait3A_160 = arith.constant 0 : i32
      %dma_wait3A_161 = arith.constant 0 : i32
      %dma_wait3A_162 = tpu.memref_slice %arg6[%dma_wait3A_160, %dma_wait3A_161] : memref<100001x64xf32, #tpu.memory_space<hbm>> -> memref<100001x64xf32, #tpu.memory_space<hbm>>
      tpu.wait_indirect_dma semaphore(%arg22 : memref<!tpu.dma_semaphore, #tpu.memory_space<semaphore_mem>>) src(%dma_wait3A_162 : memref<100001x64xf32, #tpu.memory_space<hbm>>) dst(%arg17 : memref<128x64xf32, #tpu.memory_space<vmem>>)
      %add3A_163 = arith.addi %mul3A_9, %add3A_158 : i32
      %dma_start3A_164 = arith.constant 0 : i32
      %dma_start3A_165 = tpu.memref_slice %arg9[%add3A_163, %dma_start3A_164] : memref<262144x64xf32, #tpu.memory_space<hbm>> -> memref<128x64xf32, #tpu.memory_space<hbm>>
      %dma_start3A_166 = arith.constant 0 : i32
      %dma_start3A_167 = tpu.memref_slice %arg9[%add3A_163, %dma_start3A_166] : memref<262144x64xf32, #tpu.memory_space<hbm>> -> memref<128x64xf32, #tpu.memory_space<hbm>>
      tpu.enqueue_dma source(%arg17 : memref<128x64xf32, #tpu.memory_space<vmem>>) target(%dma_start3A_167 : memref<128x64xf32, #tpu.memory_space<hbm>>) target_semaphore(%arg23 : memref<!tpu.dma_semaphore, #tpu.memory_space<semaphore_mem>>)
      %add3A_168 = arith.constant 640 : i32
      %add3A_169 = arith.addi %mul3A_64, %add3A_168 : i32
      %dma_wait3A_170 = tpu.memref_slice %arg12[%add3A_96] : memref<8192xi32, #tpu.memory_space<vmem>> -> memref<128xi32, #tpu.memory_space<vmem>>
      %dma_wait3A_171 = arith.constant 0 : i32
      %dma_wait3A_172 = arith.constant 0 : i32
      %dma_wait3A_173 = tpu.memref_slice %arg6[%dma_wait3A_171, %dma_wait3A_172] : memref<100001x64xf32, #tpu.memory_space<hbm>> -> memref<100001x64xf32, #tpu.memory_space<hbm>>
      tpu.wait_indirect_dma semaphore(%arg22 : memref<!tpu.dma_semaphore, #tpu.memory_space<semaphore_mem>>) src(%dma_wait3A_173 : memref<100001x64xf32, #tpu.memory_space<hbm>>) dst(%arg18 : memref<128x64xf32, #tpu.memory_space<vmem>>)
      %add3A_174 = arith.addi %mul3A_9, %add3A_169 : i32
      %dma_start3A_175 = arith.constant 0 : i32
      %dma_start3A_176 = tpu.memref_slice %arg9[%add3A_174, %dma_start3A_175] : memref<262144x64xf32, #tpu.memory_space<hbm>> -> memref<128x64xf32, #tpu.memory_space<hbm>>
      %dma_start3A_177 = arith.constant 0 : i32
      %dma_start3A_178 = tpu.memref_slice %arg9[%add3A_174, %dma_start3A_177] : memref<262144x64xf32, #tpu.memory_space<hbm>> -> memref<128x64xf32, #tpu.memory_space<hbm>>
      tpu.enqueue_dma source(%arg18 : memref<128x64xf32, #tpu.memory_space<vmem>>) target(%dma_start3A_178 : memref<128x64xf32, #tpu.memory_space<hbm>>) target_semaphore(%arg23 : memref<!tpu.dma_semaphore, #tpu.memory_space<semaphore_mem>>)
      %add3A_179 = arith.constant 768 : i32
      %add3A_180 = arith.addi %mul3A_64, %add3A_179 : i32
      %dma_wait3A_181 = tpu.memref_slice %arg12[%add3A_102] : memref<8192xi32, #tpu.memory_space<vmem>> -> memref<128xi32, #tpu.memory_space<vmem>>
      %dma_wait3A_182 = arith.constant 0 : i32
      %dma_wait3A_183 = arith.constant 0 : i32
      %dma_wait3A_184 = tpu.memref_slice %arg6[%dma_wait3A_182, %dma_wait3A_183] : memref<100001x64xf32, #tpu.memory_space<hbm>> -> memref<100001x64xf32, #tpu.memory_space<hbm>>
      tpu.wait_indirect_dma semaphore(%arg22 : memref<!tpu.dma_semaphore, #tpu.memory_space<semaphore_mem>>) src(%dma_wait3A_184 : memref<100001x64xf32, #tpu.memory_space<hbm>>) dst(%arg19 : memref<128x64xf32, #tpu.memory_space<vmem>>)
      %add3A_185 = arith.addi %mul3A_9, %add3A_180 : i32
      %dma_start3A_186 = arith.constant 0 : i32
      %dma_start3A_187 = tpu.memref_slice %arg9[%add3A_185, %dma_start3A_186] : memref<262144x64xf32, #tpu.memory_space<hbm>> -> memref<128x64xf32, #tpu.memory_space<hbm>>
      %dma_start3A_188 = arith.constant 0 : i32
      %dma_start3A_189 = tpu.memref_slice %arg9[%add3A_185, %dma_start3A_188] : memref<262144x64xf32, #tpu.memory_space<hbm>> -> memref<128x64xf32, #tpu.memory_space<hbm>>
      tpu.enqueue_dma source(%arg19 : memref<128x64xf32, #tpu.memory_space<vmem>>) target(%dma_start3A_189 : memref<128x64xf32, #tpu.memory_space<hbm>>) target_semaphore(%arg23 : memref<!tpu.dma_semaphore, #tpu.memory_space<semaphore_mem>>)
      %add3A_190 = arith.constant 896 : i32
      %add3A_191 = arith.addi %mul3A_64, %add3A_190 : i32
      %dma_wait3A_192 = tpu.memref_slice %arg12[%add3A_108] : memref<8192xi32, #tpu.memory_space<vmem>> -> memref<128xi32, #tpu.memory_space<vmem>>
      %dma_wait3A_193 = arith.constant 0 : i32
      %dma_wait3A_194 = arith.constant 0 : i32
      %dma_wait3A_195 = tpu.memref_slice %arg6[%dma_wait3A_193, %dma_wait3A_194] : memref<100001x64xf32, #tpu.memory_space<hbm>> -> memref<100001x64xf32, #tpu.memory_space<hbm>>
      tpu.wait_indirect_dma semaphore(%arg22 : memref<!tpu.dma_semaphore, #tpu.memory_space<semaphore_mem>>) src(%dma_wait3A_195 : memref<100001x64xf32, #tpu.memory_space<hbm>>) dst(%arg20 : memref<128x64xf32, #tpu.memory_space<vmem>>)
      %add3A_196 = arith.addi %mul3A_9, %add3A_191 : i32
      %dma_start3A_197 = arith.constant 0 : i32
      %dma_start3A_198 = tpu.memref_slice %arg9[%add3A_196, %dma_start3A_197] : memref<262144x64xf32, #tpu.memory_space<hbm>> -> memref<128x64xf32, #tpu.memory_space<hbm>>
      %dma_start3A_199 = arith.constant 0 : i32
      %dma_start3A_200 = tpu.memref_slice %arg9[%add3A_196, %dma_start3A_199] : memref<262144x64xf32, #tpu.memory_space<hbm>> -> memref<128x64xf32, #tpu.memory_space<hbm>>
      tpu.enqueue_dma source(%arg20 : memref<128x64xf32, #tpu.memory_space<vmem>>) target(%dma_start3A_200 : memref<128x64xf32, #tpu.memory_space<hbm>>) target_semaphore(%arg23 : memref<!tpu.dma_semaphore, #tpu.memory_space<semaphore_mem>>)
      %dma_wait3A_201 = arith.constant 0 : i32
      %dma_wait3A_202 = tpu.memref_slice %arg9[%add3A_119, %dma_wait3A_201] : memref<262144x64xf32, #tpu.memory_space<hbm>> -> memref<128x64xf32, #tpu.memory_space<hbm>>
      %dma_wait3A_203 = arith.constant 0 : i32
      %dma_wait3A_204 = tpu.memref_slice %arg9[%add3A_119, %dma_wait3A_203] : memref<262144x64xf32, #tpu.memory_space<hbm>> -> memref<128x64xf32, #tpu.memory_space<hbm>>
      tpu.wait_dma2 semaphore(%arg23 : memref<!tpu.dma_semaphore, #tpu.memory_space<semaphore_mem>>) src(%arg13 : memref<128x64xf32, #tpu.memory_space<vmem>>) dst(%dma_wait3A_204 : memref<128x64xf32, #tpu.memory_space<hbm>>)
      %dma_wait3A_205 = arith.constant 0 : i32
      %dma_wait3A_206 = tpu.memref_slice %arg9[%add3A_130, %dma_wait3A_205] : memref<262144x64xf32, #tpu.memory_space<hbm>> -> memref<128x64xf32, #tpu.memory_space<hbm>>
      %dma_wait3A_207 = arith.constant 0 : i32
      %dma_wait3A_208 = tpu.memref_slice %arg9[%add3A_130, %dma_wait3A_207] : memref<262144x64xf32, #tpu.memory_space<hbm>> -> memref<128x64xf32, #tpu.memory_space<hbm>>
      tpu.wait_dma2 semaphore(%arg23 : memref<!tpu.dma_semaphore, #tpu.memory_space<semaphore_mem>>) src(%arg14 : memref<128x64xf32, #tpu.memory_space<vmem>>) dst(%dma_wait3A_208 : memref<128x64xf32, #tpu.memory_space<hbm>>)
      %dma_wait3A_209 = arith.constant 0 : i32
      %dma_wait3A_210 = tpu.memref_slice %arg9[%add3A_141, %dma_wait3A_209] : memref<262144x64xf32, #tpu.memory_space<hbm>> -> memref<128x64xf32, #tpu.memory_space<hbm>>
      %dma_wait3A_211 = arith.constant 0 : i32
      %dma_wait3A_212 = tpu.memref_slice %arg9[%add3A_141, %dma_wait3A_211] : memref<262144x64xf32, #tpu.memory_space<hbm>> -> memref<128x64xf32, #tpu.memory_space<hbm>>
      tpu.wait_dma2 semaphore(%arg23 : memref<!tpu.dma_semaphore, #tpu.memory_space<semaphore_mem>>) src(%arg15 : memref<128x64xf32, #tpu.memory_space<vmem>>) dst(%dma_wait3A_212 : memref<128x64xf32, #tpu.memory_space<hbm>>)
      %dma_wait3A_213 = arith.constant 0 : i32
      %dma_wait3A_214 = tpu.memref_slice %arg9[%add3A_152, %dma_wait3A_213] : memref<262144x64xf32, #tpu.memory_space<hbm>> -> memref<128x64xf32, #tpu.memory_space<hbm>>
      %dma_wait3A_215 = arith.constant 0 : i32
      %dma_wait3A_216 = tpu.memref_slice %arg9[%add3A_152, %dma_wait3A_215] : memref<262144x64xf32, #tpu.memory_space<hbm>> -> memref<128x64xf32, #tpu.memory_space<hbm>>
      tpu.wait_dma2 semaphore(%arg23 : memref<!tpu.dma_semaphore, #tpu.memory_space<semaphore_mem>>) src(%arg16 : memref<128x64xf32, #tpu.memory_space<vmem>>) dst(%dma_wait3A_216 : memref<128x64xf32, #tpu.memory_space<hbm>>)
      %dma_wait3A_217 = arith.constant 0 : i32
      %dma_wait3A_218 = tpu.memref_slice %arg9[%add3A_163, %dma_wait3A_217] : memref<262144x64xf32, #tpu.memory_space<hbm>> -> memref<128x64xf32, #tpu.memory_space<hbm>>
      %dma_wait3A_219 = arith.constant 0 : i32
      %dma_wait3A_220 = tpu.memref_slice %arg9[%add3A_163, %dma_wait3A_219] : memref<262144x64xf32, #tpu.memory_space<hbm>> -> memref<128x64xf32, #tpu.memory_space<hbm>>
      tpu.wait_dma2 semaphore(%arg23 : memref<!tpu.dma_semaphore, #tpu.memory_space<semaphore_mem>>) src(%arg17 : memref<128x64xf32, #tpu.memory_space<vmem>>) dst(%dma_wait3A_220 : memref<128x64xf32, #tpu.memory_space<hbm>>)
      %dma_wait3A_221 = arith.constant 0 : i32
      %dma_wait3A_222 = tpu.memref_slice %arg9[%add3A_174, %dma_wait3A_221] : memref<262144x64xf32, #tpu.memory_space<hbm>> -> memref<128x64xf32, #tpu.memory_space<hbm>>
      %dma_wait3A_223 = arith.constant 0 : i32
      %dma_wait3A_224 = tpu.memref_slice %arg9[%add3A_174, %dma_wait3A_223] : memref<262144x64xf32, #tpu.memory_space<hbm>> -> memref<128x64xf32, #tpu.memory_space<hbm>>
      tpu.wait_dma2 semaphore(%arg23 : memref<!tpu.dma_semaphore, #tpu.memory_space<semaphore_mem>>) src(%arg18 : memref<128x64xf32, #tpu.memory_space<vmem>>) dst(%dma_wait3A_224 : memref<128x64xf32, #tpu.memory_space<hbm>>)
      %dma_wait3A_225 = arith.constant 0 : i32
      %dma_wait3A_226 = tpu.memref_slice %arg9[%add3A_185, %dma_wait3A_225] : memref<262144x64xf32, #tpu.memory_space<hbm>> -> memref<128x64xf32, #tpu.memory_space<hbm>>
      %dma_wait3A_227 = arith.constant 0 : i32
      %dma_wait3A_228 = tpu.memref_slice %arg9[%add3A_185, %dma_wait3A_227] : memref<262144x64xf32, #tpu.memory_space<hbm>> -> memref<128x64xf32, #tpu.memory_space<hbm>>
      tpu.wait_dma2 semaphore(%arg23 : memref<!tpu.dma_semaphore, #tpu.memory_space<semaphore_mem>>) src(%arg19 : memref<128x64xf32, #tpu.memory_space<vmem>>) dst(%dma_wait3A_228 : memref<128x64xf32, #tpu.memory_space<hbm>>)
      %dma_wait3A_229 = arith.constant 0 : i32
      %dma_wait3A_230 = tpu.memref_slice %arg9[%add3A_196, %dma_wait3A_229] : memref<262144x64xf32, #tpu.memory_space<hbm>> -> memref<128x64xf32, #tpu.memory_space<hbm>>
      %dma_wait3A_231 = arith.constant 0 : i32
      %dma_wait3A_232 = tpu.memref_slice %arg9[%add3A_196, %dma_wait3A_231] : memref<262144x64xf32, #tpu.memory_space<hbm>> -> memref<128x64xf32, #tpu.memory_space<hbm>>
      tpu.wait_dma2 semaphore(%arg23 : memref<!tpu.dma_semaphore, #tpu.memory_space<semaphore_mem>>) src(%arg20 : memref<128x64xf32, #tpu.memory_space<vmem>>) dst(%dma_wait3A_232 : memref<128x64xf32, #tpu.memory_space<hbm>>)
    }
    %scan3A_15 = arith.constant 8 : i32
    %mul3A_16 = arith.constant 2000 : i32
    %mul3A_17 = arith.muli %add3A, %mul3A_16 : i32
    "tpu.region"() ({
      %run_scoped3A = tpu.sem_alloc : memref<!tpu.dma_semaphore, #tpu.memory_space<semaphore_mem>>
      %dma_start3A_62 = arith.constant 0 : i32
      %dma_start3A_63 = tpu.memref_slice %arg12[%dma_start3A_62] : memref<8192xi32, #tpu.memory_space<vmem>> -> memref<2000xi32, #tpu.memory_space<vmem>>
      %dma_start3A_64 = tpu.memref_slice %arg4[%mul3A_17] : memref<64000xi32, #tpu.memory_space<hbm>> -> memref<2000xi32, #tpu.memory_space<hbm>>
      %dma_start3A_65 = arith.constant 0 : i32
      %dma_start3A_66 = tpu.memref_slice %arg12[%dma_start3A_65] : memref<8192xi32, #tpu.memory_space<vmem>> -> memref<2000xi32, #tpu.memory_space<vmem>>
      %dma_start3A_67 = tpu.memref_slice %arg4[%mul3A_17] : memref<64000xi32, #tpu.memory_space<hbm>> -> memref<2000xi32, #tpu.memory_space<hbm>>
      tpu.enqueue_dma source(%dma_start3A_67 : memref<2000xi32, #tpu.memory_space<hbm>>) target(%dma_start3A_66 : memref<2000xi32, #tpu.memory_space<vmem>>) target_semaphore(%run_scoped3A : memref<!tpu.dma_semaphore, #tpu.memory_space<semaphore_mem>>)
      %dma_wait3A_68 = arith.constant 0 : i32
      %dma_wait3A_69 = tpu.memref_slice %arg12[%dma_wait3A_68] : memref<8192xi32, #tpu.memory_space<vmem>> -> memref<2000xi32, #tpu.memory_space<vmem>>
      %dma_wait3A_70 = tpu.memref_slice %arg4[%mul3A_17] : memref<64000xi32, #tpu.memory_space<hbm>> -> memref<2000xi32, #tpu.memory_space<hbm>>
      %dma_wait3A_71 = arith.constant 0 : i32
      %dma_wait3A_72 = tpu.memref_slice %arg12[%dma_wait3A_71] : memref<8192xi32, #tpu.memory_space<vmem>> -> memref<2000xi32, #tpu.memory_space<vmem>>
      %dma_wait3A_73 = tpu.memref_slice %arg4[%mul3A_17] : memref<64000xi32, #tpu.memory_space<hbm>> -> memref<2000xi32, #tpu.memory_space<hbm>>
      tpu.wait_dma2 semaphore(%run_scoped3A : memref<!tpu.dma_semaphore, #tpu.memory_space<semaphore_mem>>) src(%dma_wait3A_73 : memref<2000xi32, #tpu.memory_space<hbm>>) dst(%dma_wait3A_72 : memref<2000xi32, #tpu.memory_space<vmem>>)
      tpu.yield
    }) : () -> ()
    %scan3A_18 = arith.constant 0 : i32
    %scan3A_19 = arith.constant 0 : i32
    %scan3A_20 = arith.constant 3 : i32
    %scan3A_21 = arith.addi %scan3A_19, %scan3A_20 : i32
    %scan3A_22 = arith.constant 1 : i32
    scf.for %scan3A_62 = %scan3A_19 to %scan3A_21 step %scan3A_22  : i32 {
      %mul3A_63 = arith.constant 640 : i32
      %mul3A_64 = arith.muli %scan3A_62, %mul3A_63 : i32
      %add3A_65 = arith.constant 0 : i32
      %add3A_66 = arith.addi %mul3A_64, %add3A_65 : i32
      %dma_start3A_67 = arith.constant 0 : i32
      %dma_start3A_68 = arith.constant 0 : i32
      %dma_start3A_69 = tpu.memref_slice %arg13[%dma_start3A_67, %dma_start3A_68] : memref<128x64xf32, #tpu.memory_space<vmem>> -> memref<80x64xf32, #tpu.memory_space<vmem>>
      %dma_start3A_70 = tpu.memref_slice %arg12[%add3A_66] : memref<8192xi32, #tpu.memory_space<vmem>> -> memref<80xi32, #tpu.memory_space<vmem>>
      %dma_start3A_71 = arith.constant 0 : i32
      %dma_start3A_72 = arith.constant 0 : i32
      %dma_start3A_73 = tpu.memref_slice %arg6[%dma_start3A_71, %dma_start3A_72] : memref<100001x64xf32, #tpu.memory_space<hbm>> -> memref<100001x64xf32, #tpu.memory_space<hbm>>
      tpu.enqueue_indirect_dma source(%dma_start3A_73 : memref<100001x64xf32, #tpu.memory_space<hbm>>) target(%dma_start3A_69 : memref<80x64xf32, #tpu.memory_space<vmem>>) offsets(%dma_start3A_70 : memref<80xi32, #tpu.memory_space<vmem>>) semaphore(%arg22 : memref<!tpu.dma_semaphore, #tpu.memory_space<semaphore_mem>>)
      %add3A_74 = arith.constant 80 : i32
      %add3A_75 = arith.addi %mul3A_64, %add3A_74 : i32
      %dma_start3A_76 = arith.constant 0 : i32
      %dma_start3A_77 = arith.constant 0 : i32
      %dma_start3A_78 = tpu.memref_slice %arg14[%dma_start3A_76, %dma_start3A_77] : memref<128x64xf32, #tpu.memory_space<vmem>> -> memref<80x64xf32, #tpu.memory_space<vmem>>
      %dma_start3A_79 = tpu.memref_slice %arg12[%add3A_75] : memref<8192xi32, #tpu.memory_space<vmem>> -> memref<80xi32, #tpu.memory_space<vmem>>
      %dma_start3A_80 = arith.constant 0 : i32
      %dma_start3A_81 = arith.constant 0 : i32
      %dma_start3A_82 = tpu.memref_slice %arg6[%dma_start3A_80, %dma_start3A_81] : memref<100001x64xf32, #tpu.memory_space<hbm>> -> memref<100001x64xf32, #tpu.memory_space<hbm>>
      tpu.enqueue_indirect_dma source(%dma_start3A_82 : memref<100001x64xf32, #tpu.memory_space<hbm>>) target(%dma_start3A_78 : memref<80x64xf32, #tpu.memory_space<vmem>>) offsets(%dma_start3A_79 : memref<80xi32, #tpu.memory_space<vmem>>) semaphore(%arg22 : memref<!tpu.dma_semaphore, #tpu.memory_space<semaphore_mem>>)
      %add3A_83 = arith.constant 160 : i32
      %add3A_84 = arith.addi %mul3A_64, %add3A_83 : i32
      %dma_start3A_85 = arith.constant 0 : i32
      %dma_start3A_86 = arith.constant 0 : i32
      %dma_start3A_87 = tpu.memref_slice %arg15[%dma_start3A_85, %dma_start3A_86] : memref<128x64xf32, #tpu.memory_space<vmem>> -> memref<80x64xf32, #tpu.memory_space<vmem>>
      %dma_start3A_88 = tpu.memref_slice %arg12[%add3A_84] : memref<8192xi32, #tpu.memory_space<vmem>> -> memref<80xi32, #tpu.memory_space<vmem>>
      %dma_start3A_89 = arith.constant 0 : i32
      %dma_start3A_90 = arith.constant 0 : i32
      %dma_start3A_91 = tpu.memref_slice %arg6[%dma_start3A_89, %dma_start3A_90] : memref<100001x64xf32, #tpu.memory_space<hbm>> -> memref<100001x64xf32, #tpu.memory_space<hbm>>
      tpu.enqueue_indirect_dma source(%dma_start3A_91 : memref<100001x64xf32, #tpu.memory_space<hbm>>) target(%dma_start3A_87 : memref<80x64xf32, #tpu.memory_space<vmem>>) offsets(%dma_start3A_88 : memref<80xi32, #tpu.memory_space<vmem>>) semaphore(%arg22 : memref<!tpu.dma_semaphore, #tpu.memory_space<semaphore_mem>>)
      %add3A_92 = arith.constant 240 : i32
      %add3A_93 = arith.addi %mul3A_64, %add3A_92 : i32
      %dma_start3A_94 = arith.constant 0 : i32
      %dma_start3A_95 = arith.constant 0 : i32
      %dma_start3A_96 = tpu.memref_slice %arg16[%dma_start3A_94, %dma_start3A_95] : memref<128x64xf32, #tpu.memory_space<vmem>> -> memref<80x64xf32, #tpu.memory_space<vmem>>
      %dma_start3A_97 = tpu.memref_slice %arg12[%add3A_93] : memref<8192xi32, #tpu.memory_space<vmem>> -> memref<80xi32, #tpu.memory_space<vmem>>
      %dma_start3A_98 = arith.constant 0 : i32
      %dma_start3A_99 = arith.constant 0 : i32
      %dma_start3A_100 = tpu.memref_slice %arg6[%dma_start3A_98, %dma_start3A_99] : memref<100001x64xf32, #tpu.memory_space<hbm>> -> memref<100001x64xf32, #tpu.memory_space<hbm>>
      tpu.enqueue_indirect_dma source(%dma_start3A_100 : memref<100001x64xf32, #tpu.memory_space<hbm>>) target(%dma_start3A_96 : memref<80x64xf32, #tpu.memory_space<vmem>>) offsets(%dma_start3A_97 : memref<80xi32, #tpu.memory_space<vmem>>) semaphore(%arg22 : memref<!tpu.dma_semaphore, #tpu.memory_space<semaphore_mem>>)
      %add3A_101 = arith.constant 320 : i32
      %add3A_102 = arith.addi %mul3A_64, %add3A_101 : i32
      %dma_start3A_103 = arith.constant 0 : i32
      %dma_start3A_104 = arith.constant 0 : i32
      %dma_start3A_105 = tpu.memref_slice %arg17[%dma_start3A_103, %dma_start3A_104] : memref<128x64xf32, #tpu.memory_space<vmem>> -> memref<80x64xf32, #tpu.memory_space<vmem>>
      %dma_start3A_106 = tpu.memref_slice %arg12[%add3A_102] : memref<8192xi32, #tpu.memory_space<vmem>> -> memref<80xi32, #tpu.memory_space<vmem>>
      %dma_start3A_107 = arith.constant 0 : i32
      %dma_start3A_108 = arith.constant 0 : i32
      %dma_start3A_109 = tpu.memref_slice %arg6[%dma_start3A_107, %dma_start3A_108] : memref<100001x64xf32, #tpu.memory_space<hbm>> -> memref<100001x64xf32, #tpu.memory_space<hbm>>
      tpu.enqueue_indirect_dma source(%dma_start3A_109 : memref<100001x64xf32, #tpu.memory_space<hbm>>) target(%dma_start3A_105 : memref<80x64xf32, #tpu.memory_space<vmem>>) offsets(%dma_start3A_106 : memref<80xi32, #tpu.memory_space<vmem>>) semaphore(%arg22 : memref<!tpu.dma_semaphore, #tpu.memory_space<semaphore_mem>>)
      %add3A_110 = arith.constant 400 : i32
      %add3A_111 = arith.addi %mul3A_64, %add3A_110 : i32
      %dma_start3A_112 = arith.constant 0 : i32
      %dma_start3A_113 = arith.constant 0 : i32
      %dma_start3A_114 = tpu.memref_slice %arg18[%dma_start3A_112, %dma_start3A_113] : memref<128x64xf32, #tpu.memory_space<vmem>> -> memref<80x64xf32, #tpu.memory_space<vmem>>
      %dma_start3A_115 = tpu.memref_slice %arg12[%add3A_111] : memref<8192xi32, #tpu.memory_space<vmem>> -> memref<80xi32, #tpu.memory_space<vmem>>
      %dma_start3A_116 = arith.constant 0 : i32
      %dma_start3A_117 = arith.constant 0 : i32
      %dma_start3A_118 = tpu.memref_slice %arg6[%dma_start3A_116, %dma_start3A_117] : memref<100001x64xf32, #tpu.memory_space<hbm>> -> memref<100001x64xf32, #tpu.memory_space<hbm>>
      tpu.enqueue_indirect_dma source(%dma_start3A_118 : memref<100001x64xf32, #tpu.memory_space<hbm>>) target(%dma_start3A_114 : memref<80x64xf32, #tpu.memory_space<vmem>>) offsets(%dma_start3A_115 : memref<80xi32, #tpu.memory_space<vmem>>) semaphore(%arg22 : memref<!tpu.dma_semaphore, #tpu.memory_space<semaphore_mem>>)
      %add3A_119 = arith.constant 480 : i32
      %add3A_120 = arith.addi %mul3A_64, %add3A_119 : i32
      %dma_start3A_121 = arith.constant 0 : i32
      %dma_start3A_122 = arith.constant 0 : i32
      %dma_start3A_123 = tpu.memref_slice %arg19[%dma_start3A_121, %dma_start3A_122] : memref<128x64xf32, #tpu.memory_space<vmem>> -> memref<80x64xf32, #tpu.memory_space<vmem>>
      %dma_start3A_124 = tpu.memref_slice %arg12[%add3A_120] : memref<8192xi32, #tpu.memory_space<vmem>> -> memref<80xi32, #tpu.memory_space<vmem>>
      %dma_start3A_125 = arith.constant 0 : i32
      %dma_start3A_126 = arith.constant 0 : i32
      %dma_start3A_127 = tpu.memref_slice %arg6[%dma_start3A_125, %dma_start3A_126] : memref<100001x64xf32, #tpu.memory_space<hbm>> -> memref<100001x64xf32, #tpu.memory_space<hbm>>
      tpu.enqueue_indirect_dma source(%dma_start3A_127 : memref<100001x64xf32, #tpu.memory_space<hbm>>) target(%dma_start3A_123 : memref<80x64xf32, #tpu.memory_space<vmem>>) offsets(%dma_start3A_124 : memref<80xi32, #tpu.memory_space<vmem>>) semaphore(%arg22 : memref<!tpu.dma_semaphore, #tpu.memory_space<semaphore_mem>>)
      %add3A_128 = arith.constant 560 : i32
      %add3A_129 = arith.addi %mul3A_64, %add3A_128 : i32
      %dma_start3A_130 = arith.constant 0 : i32
      %dma_start3A_131 = arith.constant 0 : i32
      %dma_start3A_132 = tpu.memref_slice %arg20[%dma_start3A_130, %dma_start3A_131] : memref<128x64xf32, #tpu.memory_space<vmem>> -> memref<80x64xf32, #tpu.memory_space<vmem>>
      %dma_start3A_133 = tpu.memref_slice %arg12[%add3A_129] : memref<8192xi32, #tpu.memory_space<vmem>> -> memref<80xi32, #tpu.memory_space<vmem>>
      %dma_start3A_134 = arith.constant 0 : i32
      %dma_start3A_135 = arith.constant 0 : i32
      %dma_start3A_136 = tpu.memref_slice %arg6[%dma_start3A_134, %dma_start3A_135] : memref<100001x64xf32, #tpu.memory_space<hbm>> -> memref<100001x64xf32, #tpu.memory_space<hbm>>
      tpu.enqueue_indirect_dma source(%dma_start3A_136 : memref<100001x64xf32, #tpu.memory_space<hbm>>) target(%dma_start3A_132 : memref<80x64xf32, #tpu.memory_space<vmem>>) offsets(%dma_start3A_133 : memref<80xi32, #tpu.memory_space<vmem>>) semaphore(%arg22 : memref<!tpu.dma_semaphore, #tpu.memory_space<semaphore_mem>>)
      %add3A_137 = arith.constant 0 : i32
      %add3A_138 = arith.addi %mul3A_64, %add3A_137 : i32
      %dma_wait3A_139 = arith.constant 0 : i32
      %dma_wait3A_140 = arith.constant 0 : i32
      %dma_wait3A_141 = tpu.memref_slice %arg13[%dma_wait3A_139, %dma_wait3A_140] : memref<128x64xf32, #tpu.memory_space<vmem>> -> memref<80x64xf32, #tpu.memory_space<vmem>>
      %dma_wait3A_142 = tpu.memref_slice %arg12[%add3A_66] : memref<8192xi32, #tpu.memory_space<vmem>> -> memref<80xi32, #tpu.memory_space<vmem>>
      %dma_wait3A_143 = arith.constant 0 : i32
      %dma_wait3A_144 = arith.constant 0 : i32
      %dma_wait3A_145 = tpu.memref_slice %arg6[%dma_wait3A_143, %dma_wait3A_144] : memref<100001x64xf32, #tpu.memory_space<hbm>> -> memref<100001x64xf32, #tpu.memory_space<hbm>>
      tpu.wait_indirect_dma semaphore(%arg22 : memref<!tpu.dma_semaphore, #tpu.memory_space<semaphore_mem>>) src(%dma_wait3A_145 : memref<100001x64xf32, #tpu.memory_space<hbm>>) dst(%dma_wait3A_141 : memref<80x64xf32, #tpu.memory_space<vmem>>)
      %add3A_146 = arith.addi %mul3A_17, %add3A_138 : i32
      %dma_start3A_147 = arith.constant 0 : i32
      %dma_start3A_148 = arith.constant 0 : i32
      %dma_start3A_149 = tpu.memref_slice %arg13[%dma_start3A_147, %dma_start3A_148] : memref<128x64xf32, #tpu.memory_space<vmem>> -> memref<80x64xf32, #tpu.memory_space<vmem>>
      %dma_start3A_150 = arith.constant 0 : i32
      %dma_start3A_151 = tpu.memref_slice %arg10[%add3A_146, %dma_start3A_150] : memref<64000x64xf32, #tpu.memory_space<hbm>> -> memref<80x64xf32, #tpu.memory_space<hbm>>
      %dma_start3A_152 = arith.constant 0 : i32
      %dma_start3A_153 = tpu.memref_slice %arg10[%add3A_146, %dma_start3A_152] : memref<64000x64xf32, #tpu.memory_space<hbm>> -> memref<80x64xf32, #tpu.memory_space<hbm>>
      %dma_start3A_154 = arith.constant 0 : i32
      %dma_start3A_155 = arith.constant 0 : i32
      %dma_start3A_156 = tpu.memref_slice %arg13[%dma_start3A_154, %dma_start3A_155] : memref<128x64xf32, #tpu.memory_space<vmem>> -> memref<80x64xf32, #tpu.memory_space<vmem>>
      tpu.enqueue_dma source(%dma_start3A_156 : memref<80x64xf32, #tpu.memory_space<vmem>>) target(%dma_start3A_153 : memref<80x64xf32, #tpu.memory_space<hbm>>) target_semaphore(%arg23 : memref<!tpu.dma_semaphore, #tpu.memory_space<semaphore_mem>>)
      %add3A_157 = arith.constant 80 : i32
      %add3A_158 = arith.addi %mul3A_64, %add3A_157 : i32
      %dma_wait3A_159 = arith.constant 0 : i32
      %dma_wait3A_160 = arith.constant 0 : i32
      %dma_wait3A_161 = tpu.memref_slice %arg14[%dma_wait3A_159, %dma_wait3A_160] : memref<128x64xf32, #tpu.memory_space<vmem>> -> memref<80x64xf32, #tpu.memory_space<vmem>>
      %dma_wait3A_162 = tpu.memref_slice %arg12[%add3A_75] : memref<8192xi32, #tpu.memory_space<vmem>> -> memref<80xi32, #tpu.memory_space<vmem>>
      %dma_wait3A_163 = arith.constant 0 : i32
      %dma_wait3A_164 = arith.constant 0 : i32
      %dma_wait3A_165 = tpu.memref_slice %arg6[%dma_wait3A_163, %dma_wait3A_164] : memref<100001x64xf32, #tpu.memory_space<hbm>> -> memref<100001x64xf32, #tpu.memory_space<hbm>>
      tpu.wait_indirect_dma semaphore(%arg22 : memref<!tpu.dma_semaphore, #tpu.memory_space<semaphore_mem>>) src(%dma_wait3A_165 : memref<100001x64xf32, #tpu.memory_space<hbm>>) dst(%dma_wait3A_161 : memref<80x64xf32, #tpu.memory_space<vmem>>)
      %add3A_166 = arith.addi %mul3A_17, %add3A_158 : i32
      %dma_start3A_167 = arith.constant 0 : i32
      %dma_start3A_168 = arith.constant 0 : i32
      %dma_start3A_169 = tpu.memref_slice %arg14[%dma_start3A_167, %dma_start3A_168] : memref<128x64xf32, #tpu.memory_space<vmem>> -> memref<80x64xf32, #tpu.memory_space<vmem>>
      %dma_start3A_170 = arith.constant 0 : i32
      %dma_start3A_171 = tpu.memref_slice %arg10[%add3A_166, %dma_start3A_170] : memref<64000x64xf32, #tpu.memory_space<hbm>> -> memref<80x64xf32, #tpu.memory_space<hbm>>
      %dma_start3A_172 = arith.constant 0 : i32
      %dma_start3A_173 = tpu.memref_slice %arg10[%add3A_166, %dma_start3A_172] : memref<64000x64xf32, #tpu.memory_space<hbm>> -> memref<80x64xf32, #tpu.memory_space<hbm>>
      %dma_start3A_174 = arith.constant 0 : i32
      %dma_start3A_175 = arith.constant 0 : i32
      %dma_start3A_176 = tpu.memref_slice %arg14[%dma_start3A_174, %dma_start3A_175] : memref<128x64xf32, #tpu.memory_space<vmem>> -> memref<80x64xf32, #tpu.memory_space<vmem>>
      tpu.enqueue_dma source(%dma_start3A_176 : memref<80x64xf32, #tpu.memory_space<vmem>>) target(%dma_start3A_173 : memref<80x64xf32, #tpu.memory_space<hbm>>) target_semaphore(%arg23 : memref<!tpu.dma_semaphore, #tpu.memory_space<semaphore_mem>>)
      %add3A_177 = arith.constant 160 : i32
      %add3A_178 = arith.addi %mul3A_64, %add3A_177 : i32
      %dma_wait3A_179 = arith.constant 0 : i32
      %dma_wait3A_180 = arith.constant 0 : i32
      %dma_wait3A_181 = tpu.memref_slice %arg15[%dma_wait3A_179, %dma_wait3A_180] : memref<128x64xf32, #tpu.memory_space<vmem>> -> memref<80x64xf32, #tpu.memory_space<vmem>>
      %dma_wait3A_182 = tpu.memref_slice %arg12[%add3A_84] : memref<8192xi32, #tpu.memory_space<vmem>> -> memref<80xi32, #tpu.memory_space<vmem>>
      %dma_wait3A_183 = arith.constant 0 : i32
      %dma_wait3A_184 = arith.constant 0 : i32
      %dma_wait3A_185 = tpu.memref_slice %arg6[%dma_wait3A_183, %dma_wait3A_184] : memref<100001x64xf32, #tpu.memory_space<hbm>> -> memref<100001x64xf32, #tpu.memory_space<hbm>>
      tpu.wait_indirect_dma semaphore(%arg22 : memref<!tpu.dma_semaphore, #tpu.memory_space<semaphore_mem>>) src(%dma_wait3A_185 : memref<100001x64xf32, #tpu.memory_space<hbm>>) dst(%dma_wait3A_181 : memref<80x64xf32, #tpu.memory_space<vmem>>)
      %add3A_186 = arith.addi %mul3A_17, %add3A_178 : i32
      %dma_start3A_187 = arith.constant 0 : i32
      %dma_start3A_188 = arith.constant 0 : i32
      %dma_start3A_189 = tpu.memref_slice %arg15[%dma_start3A_187, %dma_start3A_188] : memref<128x64xf32, #tpu.memory_space<vmem>> -> memref<80x64xf32, #tpu.memory_space<vmem>>
      %dma_start3A_190 = arith.constant 0 : i32
      %dma_start3A_191 = tpu.memref_slice %arg10[%add3A_186, %dma_start3A_190] : memref<64000x64xf32, #tpu.memory_space<hbm>> -> memref<80x64xf32, #tpu.memory_space<hbm>>
      %dma_start3A_192 = arith.constant 0 : i32
      %dma_start3A_193 = tpu.memref_slice %arg10[%add3A_186, %dma_start3A_192] : memref<64000x64xf32, #tpu.memory_space<hbm>> -> memref<80x64xf32, #tpu.memory_space<hbm>>
      %dma_start3A_194 = arith.constant 0 : i32
      %dma_start3A_195 = arith.constant 0 : i32
      %dma_start3A_196 = tpu.memref_slice %arg15[%dma_start3A_194, %dma_start3A_195] : memref<128x64xf32, #tpu.memory_space<vmem>> -> memref<80x64xf32, #tpu.memory_space<vmem>>
      tpu.enqueue_dma source(%dma_start3A_196 : memref<80x64xf32, #tpu.memory_space<vmem>>) target(%dma_start3A_193 : memref<80x64xf32, #tpu.memory_space<hbm>>) target_semaphore(%arg23 : memref<!tpu.dma_semaphore, #tpu.memory_space<semaphore_mem>>)
      %add3A_197 = arith.constant 240 : i32
      %add3A_198 = arith.addi %mul3A_64, %add3A_197 : i32
      %dma_wait3A_199 = arith.constant 0 : i32
      %dma_wait3A_200 = arith.constant 0 : i32
      %dma_wait3A_201 = tpu.memref_slice %arg16[%dma_wait3A_199, %dma_wait3A_200] : memref<128x64xf32, #tpu.memory_space<vmem>> -> memref<80x64xf32, #tpu.memory_space<vmem>>
      %dma_wait3A_202 = tpu.memref_slice %arg12[%add3A_93] : memref<8192xi32, #tpu.memory_space<vmem>> -> memref<80xi32, #tpu.memory_space<vmem>>
      %dma_wait3A_203 = arith.constant 0 : i32
      %dma_wait3A_204 = arith.constant 0 : i32
      %dma_wait3A_205 = tpu.memref_slice %arg6[%dma_wait3A_203, %dma_wait3A_204] : memref<100001x64xf32, #tpu.memory_space<hbm>> -> memref<100001x64xf32, #tpu.memory_space<hbm>>
      tpu.wait_indirect_dma semaphore(%arg22 : memref<!tpu.dma_semaphore, #tpu.memory_space<semaphore_mem>>) src(%dma_wait3A_205 : memref<100001x64xf32, #tpu.memory_space<hbm>>) dst(%dma_wait3A_201 : memref<80x64xf32, #tpu.memory_space<vmem>>)
      %add3A_206 = arith.addi %mul3A_17, %add3A_198 : i32
      %dma_start3A_207 = arith.constant 0 : i32
      %dma_start3A_208 = arith.constant 0 : i32
      %dma_start3A_209 = tpu.memref_slice %arg16[%dma_start3A_207, %dma_start3A_208] : memref<128x64xf32, #tpu.memory_space<vmem>> -> memref<80x64xf32, #tpu.memory_space<vmem>>
      %dma_start3A_210 = arith.constant 0 : i32
      %dma_start3A_211 = tpu.memref_slice %arg10[%add3A_206, %dma_start3A_210] : memref<64000x64xf32, #tpu.memory_space<hbm>> -> memref<80x64xf32, #tpu.memory_space<hbm>>
      %dma_start3A_212 = arith.constant 0 : i32
      %dma_start3A_213 = tpu.memref_slice %arg10[%add3A_206, %dma_start3A_212] : memref<64000x64xf32, #tpu.memory_space<hbm>> -> memref<80x64xf32, #tpu.memory_space<hbm>>
      %dma_start3A_214 = arith.constant 0 : i32
      %dma_start3A_215 = arith.constant 0 : i32
      %dma_start3A_216 = tpu.memref_slice %arg16[%dma_start3A_214, %dma_start3A_215] : memref<128x64xf32, #tpu.memory_space<vmem>> -> memref<80x64xf32, #tpu.memory_space<vmem>>
      tpu.enqueue_dma source(%dma_start3A_216 : memref<80x64xf32, #tpu.memory_space<vmem>>) target(%dma_start3A_213 : memref<80x64xf32, #tpu.memory_space<hbm>>) target_semaphore(%arg23 : memref<!tpu.dma_semaphore, #tpu.memory_space<semaphore_mem>>)
      %add3A_217 = arith.constant 320 : i32
      %add3A_218 = arith.addi %mul3A_64, %add3A_217 : i32
      %dma_wait3A_219 = arith.constant 0 : i32
      %dma_wait3A_220 = arith.constant 0 : i32
      %dma_wait3A_221 = tpu.memref_slice %arg17[%dma_wait3A_219, %dma_wait3A_220] : memref<128x64xf32, #tpu.memory_space<vmem>> -> memref<80x64xf32, #tpu.memory_space<vmem>>
      %dma_wait3A_222 = tpu.memref_slice %arg12[%add3A_102] : memref<8192xi32, #tpu.memory_space<vmem>> -> memref<80xi32, #tpu.memory_space<vmem>>
      %dma_wait3A_223 = arith.constant 0 : i32
      %dma_wait3A_224 = arith.constant 0 : i32
      %dma_wait3A_225 = tpu.memref_slice %arg6[%dma_wait3A_223, %dma_wait3A_224] : memref<100001x64xf32, #tpu.memory_space<hbm>> -> memref<100001x64xf32, #tpu.memory_space<hbm>>
      tpu.wait_indirect_dma semaphore(%arg22 : memref<!tpu.dma_semaphore, #tpu.memory_space<semaphore_mem>>) src(%dma_wait3A_225 : memref<100001x64xf32, #tpu.memory_space<hbm>>) dst(%dma_wait3A_221 : memref<80x64xf32, #tpu.memory_space<vmem>>)
      %add3A_226 = arith.addi %mul3A_17, %add3A_218 : i32
      %dma_start3A_227 = arith.constant 0 : i32
      %dma_start3A_228 = arith.constant 0 : i32
      %dma_start3A_229 = tpu.memref_slice %arg17[%dma_start3A_227, %dma_start3A_228] : memref<128x64xf32, #tpu.memory_space<vmem>> -> memref<80x64xf32, #tpu.memory_space<vmem>>
      %dma_start3A_230 = arith.constant 0 : i32
      %dma_start3A_231 = tpu.memref_slice %arg10[%add3A_226, %dma_start3A_230] : memref<64000x64xf32, #tpu.memory_space<hbm>> -> memref<80x64xf32, #tpu.memory_space<hbm>>
      %dma_start3A_232 = arith.constant 0 : i32
      %dma_start3A_233 = tpu.memref_slice %arg10[%add3A_226, %dma_start3A_232] : memref<64000x64xf32, #tpu.memory_space<hbm>> -> memref<80x64xf32, #tpu.memory_space<hbm>>
      %dma_start3A_234 = arith.constant 0 : i32
      %dma_start3A_235 = arith.constant 0 : i32
      %dma_start3A_236 = tpu.memref_slice %arg17[%dma_start3A_234, %dma_start3A_235] : memref<128x64xf32, #tpu.memory_space<vmem>> -> memref<80x64xf32, #tpu.memory_space<vmem>>
      tpu.enqueue_dma source(%dma_start3A_236 : memref<80x64xf32, #tpu.memory_space<vmem>>) target(%dma_start3A_233 : memref<80x64xf32, #tpu.memory_space<hbm>>) target_semaphore(%arg23 : memref<!tpu.dma_semaphore, #tpu.memory_space<semaphore_mem>>)
      %add3A_237 = arith.constant 400 : i32
      %add3A_238 = arith.addi %mul3A_64, %add3A_237 : i32
      %dma_wait3A_239 = arith.constant 0 : i32
      %dma_wait3A_240 = arith.constant 0 : i32
      %dma_wait3A_241 = tpu.memref_slice %arg18[%dma_wait3A_239, %dma_wait3A_240] : memref<128x64xf32, #tpu.memory_space<vmem>> -> memref<80x64xf32, #tpu.memory_space<vmem>>
      %dma_wait3A_242 = tpu.memref_slice %arg12[%add3A_111] : memref<8192xi32, #tpu.memory_space<vmem>> -> memref<80xi32, #tpu.memory_space<vmem>>
      %dma_wait3A_243 = arith.constant 0 : i32
      %dma_wait3A_244 = arith.constant 0 : i32
      %dma_wait3A_245 = tpu.memref_slice %arg6[%dma_wait3A_243, %dma_wait3A_244] : memref<100001x64xf32, #tpu.memory_space<hbm>> -> memref<100001x64xf32, #tpu.memory_space<hbm>>
      tpu.wait_indirect_dma semaphore(%arg22 : memref<!tpu.dma_semaphore, #tpu.memory_space<semaphore_mem>>) src(%dma_wait3A_245 : memref<100001x64xf32, #tpu.memory_space<hbm>>) dst(%dma_wait3A_241 : memref<80x64xf32, #tpu.memory_space<vmem>>)
      %add3A_246 = arith.addi %mul3A_17, %add3A_238 : i32
      %dma_start3A_247 = arith.constant 0 : i32
      %dma_start3A_248 = arith.constant 0 : i32
      %dma_start3A_249 = tpu.memref_slice %arg18[%dma_start3A_247, %dma_start3A_248] : memref<128x64xf32, #tpu.memory_space<vmem>> -> memref<80x64xf32, #tpu.memory_space<vmem>>
      %dma_start3A_250 = arith.constant 0 : i32
      %dma_start3A_251 = tpu.memref_slice %arg10[%add3A_246, %dma_start3A_250] : memref<64000x64xf32, #tpu.memory_space<hbm>> -> memref<80x64xf32, #tpu.memory_space<hbm>>
      %dma_start3A_252 = arith.constant 0 : i32
      %dma_start3A_253 = tpu.memref_slice %arg10[%add3A_246, %dma_start3A_252] : memref<64000x64xf32, #tpu.memory_space<hbm>> -> memref<80x64xf32, #tpu.memory_space<hbm>>
      %dma_start3A_254 = arith.constant 0 : i32
      %dma_start3A_255 = arith.constant 0 : i32
      %dma_start3A_256 = tpu.memref_slice %arg18[%dma_start3A_254, %dma_start3A_255] : memref<128x64xf32, #tpu.memory_space<vmem>> -> memref<80x64xf32, #tpu.memory_space<vmem>>
      tpu.enqueue_dma source(%dma_start3A_256 : memref<80x64xf32, #tpu.memory_space<vmem>>) target(%dma_start3A_253 : memref<80x64xf32, #tpu.memory_space<hbm>>) target_semaphore(%arg23 : memref<!tpu.dma_semaphore, #tpu.memory_space<semaphore_mem>>)
      %add3A_257 = arith.constant 480 : i32
      %add3A_258 = arith.addi %mul3A_64, %add3A_257 : i32
      %dma_wait3A_259 = arith.constant 0 : i32
      %dma_wait3A_260 = arith.constant 0 : i32
      %dma_wait3A_261 = tpu.memref_slice %arg19[%dma_wait3A_259, %dma_wait3A_260] : memref<128x64xf32, #tpu.memory_space<vmem>> -> memref<80x64xf32, #tpu.memory_space<vmem>>
      %dma_wait3A_262 = tpu.memref_slice %arg12[%add3A_120] : memref<8192xi32, #tpu.memory_space<vmem>> -> memref<80xi32, #tpu.memory_space<vmem>>
      %dma_wait3A_263 = arith.constant 0 : i32
      %dma_wait3A_264 = arith.constant 0 : i32
      %dma_wait3A_265 = tpu.memref_slice %arg6[%dma_wait3A_263, %dma_wait3A_264] : memref<100001x64xf32, #tpu.memory_space<hbm>> -> memref<100001x64xf32, #tpu.memory_space<hbm>>
      tpu.wait_indirect_dma semaphore(%arg22 : memref<!tpu.dma_semaphore, #tpu.memory_space<semaphore_mem>>) src(%dma_wait3A_265 : memref<100001x64xf32, #tpu.memory_space<hbm>>) dst(%dma_wait3A_261 : memref<80x64xf32, #tpu.memory_space<vmem>>)
      %add3A_266 = arith.addi %mul3A_17, %add3A_258 : i32
      %dma_start3A_267 = arith.constant 0 : i32
      %dma_start3A_268 = arith.constant 0 : i32
      %dma_start3A_269 = tpu.memref_slice %arg19[%dma_start3A_267, %dma_start3A_268] : memref<128x64xf32, #tpu.memory_space<vmem>> -> memref<80x64xf32, #tpu.memory_space<vmem>>
      %dma_start3A_270 = arith.constant 0 : i32
      %dma_start3A_271 = tpu.memref_slice %arg10[%add3A_266, %dma_start3A_270] : memref<64000x64xf32, #tpu.memory_space<hbm>> -> memref<80x64xf32, #tpu.memory_space<hbm>>
      %dma_start3A_272 = arith.constant 0 : i32
      %dma_start3A_273 = tpu.memref_slice %arg10[%add3A_266, %dma_start3A_272] : memref<64000x64xf32, #tpu.memory_space<hbm>> -> memref<80x64xf32, #tpu.memory_space<hbm>>
      %dma_start3A_274 = arith.constant 0 : i32
      %dma_start3A_275 = arith.constant 0 : i32
      %dma_start3A_276 = tpu.memref_slice %arg19[%dma_start3A_274, %dma_start3A_275] : memref<128x64xf32, #tpu.memory_space<vmem>> -> memref<80x64xf32, #tpu.memory_space<vmem>>
      tpu.enqueue_dma source(%dma_start3A_276 : memref<80x64xf32, #tpu.memory_space<vmem>>) target(%dma_start3A_273 : memref<80x64xf32, #tpu.memory_space<hbm>>) target_semaphore(%arg23 : memref<!tpu.dma_semaphore, #tpu.memory_space<semaphore_mem>>)
      %add3A_277 = arith.constant 560 : i32
      %add3A_278 = arith.addi %mul3A_64, %add3A_277 : i32
      %dma_wait3A_279 = arith.constant 0 : i32
      %dma_wait3A_280 = arith.constant 0 : i32
      %dma_wait3A_281 = tpu.memref_slice %arg20[%dma_wait3A_279, %dma_wait3A_280] : memref<128x64xf32, #tpu.memory_space<vmem>> -> memref<80x64xf32, #tpu.memory_space<vmem>>
      %dma_wait3A_282 = tpu.memref_slice %arg12[%add3A_129] : memref<8192xi32, #tpu.memory_space<vmem>> -> memref<80xi32, #tpu.memory_space<vmem>>
      %dma_wait3A_283 = arith.constant 0 : i32
      %dma_wait3A_284 = arith.constant 0 : i32
      %dma_wait3A_285 = tpu.memref_slice %arg6[%dma_wait3A_283, %dma_wait3A_284] : memref<100001x64xf32, #tpu.memory_space<hbm>> -> memref<100001x64xf32, #tpu.memory_space<hbm>>
      tpu.wait_indirect_dma semaphore(%arg22 : memref<!tpu.dma_semaphore, #tpu.memory_space<semaphore_mem>>) src(%dma_wait3A_285 : memref<100001x64xf32, #tpu.memory_space<hbm>>) dst(%dma_wait3A_281 : memref<80x64xf32, #tpu.memory_space<vmem>>)
      %add3A_286 = arith.addi %mul3A_17, %add3A_278 : i32
      %dma_start3A_287 = arith.constant 0 : i32
      %dma_start3A_288 = arith.constant 0 : i32
      %dma_start3A_289 = tpu.memref_slice %arg20[%dma_start3A_287, %dma_start3A_288] : memref<128x64xf32, #tpu.memory_space<vmem>> -> memref<80x64xf32, #tpu.memory_space<vmem>>
      %dma_start3A_290 = arith.constant 0 : i32
      %dma_start3A_291 = tpu.memref_slice %arg10[%add3A_286, %dma_start3A_290] : memref<64000x64xf32, #tpu.memory_space<hbm>> -> memref<80x64xf32, #tpu.memory_space<hbm>>
      %dma_start3A_292 = arith.constant 0 : i32
      %dma_start3A_293 = tpu.memref_slice %arg10[%add3A_286, %dma_start3A_292] : memref<64000x64xf32, #tpu.memory_space<hbm>> -> memref<80x64xf32, #tpu.memory_space<hbm>>
      %dma_start3A_294 = arith.constant 0 : i32
      %dma_start3A_295 = arith.constant 0 : i32
      %dma_start3A_296 = tpu.memref_slice %arg20[%dma_start3A_294, %dma_start3A_295] : memref<128x64xf32, #tpu.memory_space<vmem>> -> memref<80x64xf32, #tpu.memory_space<vmem>>
      tpu.enqueue_dma source(%dma_start3A_296 : memref<80x64xf32, #tpu.memory_space<vmem>>) target(%dma_start3A_293 : memref<80x64xf32, #tpu.memory_space<hbm>>) target_semaphore(%arg23 : memref<!tpu.dma_semaphore, #tpu.memory_space<semaphore_mem>>)
      %dma_wait3A_297 = arith.constant 0 : i32
      %dma_wait3A_298 = arith.constant 0 : i32
      %dma_wait3A_299 = tpu.memref_slice %arg13[%dma_wait3A_297, %dma_wait3A_298] : memref<128x64xf32, #tpu.memory_space<vmem>> -> memref<80x64xf32, #tpu.memory_space<vmem>>
      %dma_wait3A_300 = arith.constant 0 : i32
      %dma_wait3A_301 = tpu.memref_slice %arg10[%add3A_146, %dma_wait3A_300] : memref<64000x64xf32, #tpu.memory_space<hbm>> -> memref<80x64xf32, #tpu.memory_space<hbm>>
      %dma_wait3A_302 = arith.constant 0 : i32
      %dma_wait3A_303 = tpu.memref_slice %arg10[%add3A_146, %dma_wait3A_302] : memref<64000x64xf32, #tpu.memory_space<hbm>> -> memref<80x64xf32, #tpu.memory_space<hbm>>
      %dma_wait3A_304 = arith.constant 0 : i32
      %dma_wait3A_305 = arith.constant 0 : i32
      %dma_wait3A_306 = tpu.memref_slice %arg13[%dma_wait3A_304, %dma_wait3A_305] : memref<128x64xf32, #tpu.memory_space<vmem>> -> memref<80x64xf32, #tpu.memory_space<vmem>>
      tpu.wait_dma2 semaphore(%arg23 : memref<!tpu.dma_semaphore, #tpu.memory_space<semaphore_mem>>) src(%dma_wait3A_306 : memref<80x64xf32, #tpu.memory_space<vmem>>) dst(%dma_wait3A_303 : memref<80x64xf32, #tpu.memory_space<hbm>>)
      %dma_wait3A_307 = arith.constant 0 : i32
      %dma_wait3A_308 = arith.constant 0 : i32
      %dma_wait3A_309 = tpu.memref_slice %arg14[%dma_wait3A_307, %dma_wait3A_308] : memref<128x64xf32, #tpu.memory_space<vmem>> -> memref<80x64xf32, #tpu.memory_space<vmem>>
      %dma_wait3A_310 = arith.constant 0 : i32
      %dma_wait3A_311 = tpu.memref_slice %arg10[%add3A_166, %dma_wait3A_310] : memref<64000x64xf32, #tpu.memory_space<hbm>> -> memref<80x64xf32, #tpu.memory_space<hbm>>
      %dma_wait3A_312 = arith.constant 0 : i32
      %dma_wait3A_313 = tpu.memref_slice %arg10[%add3A_166, %dma_wait3A_312] : memref<64000x64xf32, #tpu.memory_space<hbm>> -> memref<80x64xf32, #tpu.memory_space<hbm>>
      %dma_wait3A_314 = arith.constant 0 : i32
      %dma_wait3A_315 = arith.constant 0 : i32
      %dma_wait3A_316 = tpu.memref_slice %arg14[%dma_wait3A_314, %dma_wait3A_315] : memref<128x64xf32, #tpu.memory_space<vmem>> -> memref<80x64xf32, #tpu.memory_space<vmem>>
      tpu.wait_dma2 semaphore(%arg23 : memref<!tpu.dma_semaphore, #tpu.memory_space<semaphore_mem>>) src(%dma_wait3A_316 : memref<80x64xf32, #tpu.memory_space<vmem>>) dst(%dma_wait3A_313 : memref<80x64xf32, #tpu.memory_space<hbm>>)
      %dma_wait3A_317 = arith.constant 0 : i32
      %dma_wait3A_318 = arith.constant 0 : i32
      %dma_wait3A_319 = tpu.memref_slice %arg15[%dma_wait3A_317, %dma_wait3A_318] : memref<128x64xf32, #tpu.memory_space<vmem>> -> memref<80x64xf32, #tpu.memory_space<vmem>>
      %dma_wait3A_320 = arith.constant 0 : i32
      %dma_wait3A_321 = tpu.memref_slice %arg10[%add3A_186, %dma_wait3A_320] : memref<64000x64xf32, #tpu.memory_space<hbm>> -> memref<80x64xf32, #tpu.memory_space<hbm>>
      %dma_wait3A_322 = arith.constant 0 : i32
      %dma_wait3A_323 = tpu.memref_slice %arg10[%add3A_186, %dma_wait3A_322] : memref<64000x64xf32, #tpu.memory_space<hbm>> -> memref<80x64xf32, #tpu.memory_space<hbm>>
      %dma_wait3A_324 = arith.constant 0 : i32
      %dma_wait3A_325 = arith.constant 0 : i32
      %dma_wait3A_326 = tpu.memref_slice %arg15[%dma_wait3A_324, %dma_wait3A_325] : memref<128x64xf32, #tpu.memory_space<vmem>> -> memref<80x64xf32, #tpu.memory_space<vmem>>
      tpu.wait_dma2 semaphore(%arg23 : memref<!tpu.dma_semaphore, #tpu.memory_space<semaphore_mem>>) src(%dma_wait3A_326 : memref<80x64xf32, #tpu.memory_space<vmem>>) dst(%dma_wait3A_323 : memref<80x64xf32, #tpu.memory_space<hbm>>)
      %dma_wait3A_327 = arith.constant 0 : i32
      %dma_wait3A_328 = arith.constant 0 : i32
      %dma_wait3A_329 = tpu.memref_slice %arg16[%dma_wait3A_327, %dma_wait3A_328] : memref<128x64xf32, #tpu.memory_space<vmem>> -> memref<80x64xf32, #tpu.memory_space<vmem>>
      %dma_wait3A_330 = arith.constant 0 : i32
      %dma_wait3A_331 = tpu.memref_slice %arg10[%add3A_206, %dma_wait3A_330] : memref<64000x64xf32, #tpu.memory_space<hbm>> -> memref<80x64xf32, #tpu.memory_space<hbm>>
      %dma_wait3A_332 = arith.constant 0 : i32
      %dma_wait3A_333 = tpu.memref_slice %arg10[%add3A_206, %dma_wait3A_332] : memref<64000x64xf32, #tpu.memory_space<hbm>> -> memref<80x64xf32, #tpu.memory_space<hbm>>
      %dma_wait3A_334 = arith.constant 0 : i32
      %dma_wait3A_335 = arith.constant 0 : i32
      %dma_wait3A_336 = tpu.memref_slice %arg16[%dma_wait3A_334, %dma_wait3A_335] : memref<128x64xf32, #tpu.memory_space<vmem>> -> memref<80x64xf32, #tpu.memory_space<vmem>>
      tpu.wait_dma2 semaphore(%arg23 : memref<!tpu.dma_semaphore, #tpu.memory_space<semaphore_mem>>) src(%dma_wait3A_336 : memref<80x64xf32, #tpu.memory_space<vmem>>) dst(%dma_wait3A_333 : memref<80x64xf32, #tpu.memory_space<hbm>>)
      %dma_wait3A_337 = arith.constant 0 : i32
      %dma_wait3A_338 = arith.constant 0 : i32
      %dma_wait3A_339 = tpu.memref_slice %arg17[%dma_wait3A_337, %dma_wait3A_338] : memref<128x64xf32, #tpu.memory_space<vmem>> -> memref<80x64xf32, #tpu.memory_space<vmem>>
      %dma_wait3A_340 = arith.constant 0 : i32
      %dma_wait3A_341 = tpu.memref_slice %arg10[%add3A_226, %dma_wait3A_340] : memref<64000x64xf32, #tpu.memory_space<hbm>> -> memref<80x64xf32, #tpu.memory_space<hbm>>
      %dma_wait3A_342 = arith.constant 0 : i32
      %dma_wait3A_343 = tpu.memref_slice %arg10[%add3A_226, %dma_wait3A_342] : memref<64000x64xf32, #tpu.memory_space<hbm>> -> memref<80x64xf32, #tpu.memory_space<hbm>>
      %dma_wait3A_344 = arith.constant 0 : i32
      %dma_wait3A_345 = arith.constant 0 : i32
      %dma_wait3A_346 = tpu.memref_slice %arg17[%dma_wait3A_344, %dma_wait3A_345] : memref<128x64xf32, #tpu.memory_space<vmem>> -> memref<80x64xf32, #tpu.memory_space<vmem>>
      tpu.wait_dma2 semaphore(%arg23 : memref<!tpu.dma_semaphore, #tpu.memory_space<semaphore_mem>>) src(%dma_wait3A_346 : memref<80x64xf32, #tpu.memory_space<vmem>>) dst(%dma_wait3A_343 : memref<80x64xf32, #tpu.memory_space<hbm>>)
      %dma_wait3A_347 = arith.constant 0 : i32
      %dma_wait3A_348 = arith.constant 0 : i32
      %dma_wait3A_349 = tpu.memref_slice %arg18[%dma_wait3A_347, %dma_wait3A_348] : memref<128x64xf32, #tpu.memory_space<vmem>> -> memref<80x64xf32, #tpu.memory_space<vmem>>
      %dma_wait3A_350 = arith.constant 0 : i32
      %dma_wait3A_351 = tpu.memref_slice %arg10[%add3A_246, %dma_wait3A_350] : memref<64000x64xf32, #tpu.memory_space<hbm>> -> memref<80x64xf32, #tpu.memory_space<hbm>>
      %dma_wait3A_352 = arith.constant 0 : i32
      %dma_wait3A_353 = tpu.memref_slice %arg10[%add3A_246, %dma_wait3A_352] : memref<64000x64xf32, #tpu.memory_space<hbm>> -> memref<80x64xf32, #tpu.memory_space<hbm>>
      %dma_wait3A_354 = arith.constant 0 : i32
      %dma_wait3A_355 = arith.constant 0 : i32
      %dma_wait3A_356 = tpu.memref_slice %arg18[%dma_wait3A_354, %dma_wait3A_355] : memref<128x64xf32, #tpu.memory_space<vmem>> -> memref<80x64xf32, #tpu.memory_space<vmem>>
      tpu.wait_dma2 semaphore(%arg23 : memref<!tpu.dma_semaphore, #tpu.memory_space<semaphore_mem>>) src(%dma_wait3A_356 : memref<80x64xf32, #tpu.memory_space<vmem>>) dst(%dma_wait3A_353 : memref<80x64xf32, #tpu.memory_space<hbm>>)
      %dma_wait3A_357 = arith.constant 0 : i32
      %dma_wait3A_358 = arith.constant 0 : i32
      %dma_wait3A_359 = tpu.memref_slice %arg19[%dma_wait3A_357, %dma_wait3A_358] : memref<128x64xf32, #tpu.memory_space<vmem>> -> memref<80x64xf32, #tpu.memory_space<vmem>>
      %dma_wait3A_360 = arith.constant 0 : i32
      %dma_wait3A_361 = tpu.memref_slice %arg10[%add3A_266, %dma_wait3A_360] : memref<64000x64xf32, #tpu.memory_space<hbm>> -> memref<80x64xf32, #tpu.memory_space<hbm>>
      %dma_wait3A_362 = arith.constant 0 : i32
      %dma_wait3A_363 = tpu.memref_slice %arg10[%add3A_266, %dma_wait3A_362] : memref<64000x64xf32, #tpu.memory_space<hbm>> -> memref<80x64xf32, #tpu.memory_space<hbm>>
      %dma_wait3A_364 = arith.constant 0 : i32
      %dma_wait3A_365 = arith.constant 0 : i32
      %dma_wait3A_366 = tpu.memref_slice %arg19[%dma_wait3A_364, %dma_wait3A_365] : memref<128x64xf32, #tpu.memory_space<vmem>> -> memref<80x64xf32, #tpu.memory_space<vmem>>
      tpu.wait_dma2 semaphore(%arg23 : memref<!tpu.dma_semaphore, #tpu.memory_space<semaphore_mem>>) src(%dma_wait3A_366 : memref<80x64xf32, #tpu.memory_space<vmem>>) dst(%dma_wait3A_363 : memref<80x64xf32, #tpu.memory_space<hbm>>)
      %dma_wait3A_367 = arith.constant 0 : i32
      %dma_wait3A_368 = arith.constant 0 : i32
      %dma_wait3A_369 = tpu.memref_slice %arg20[%dma_wait3A_367, %dma_wait3A_368] : memref<128x64xf32, #tpu.memory_space<vmem>> -> memref<80x64xf32, #tpu.memory_space<vmem>>
      %dma_wait3A_370 = arith.constant 0 : i32
      %dma_wait3A_371 = tpu.memref_slice %arg10[%add3A_286, %dma_wait3A_370] : memref<64000x64xf32, #tpu.memory_space<hbm>> -> memref<80x64xf32, #tpu.memory_space<hbm>>
      %dma_wait3A_372 = arith.constant 0 : i32
      %dma_wait3A_373 = tpu.memref_slice %arg10[%add3A_286, %dma_wait3A_372] : memref<64000x64xf32, #tpu.memory_space<hbm>> -> memref<80x64xf32, #tpu.memory_space<hbm>>
      %dma_wait3A_374 = arith.constant 0 : i32
      %dma_wait3A_375 = arith.constant 0 : i32
      %dma_wait3A_376 = tpu.memref_slice %arg20[%dma_wait3A_374, %dma_wait3A_375] : memref<128x64xf32, #tpu.memory_space<vmem>> -> memref<80x64xf32, #tpu.memory_space<vmem>>
      tpu.wait_dma2 semaphore(%arg23 : memref<!tpu.dma_semaphore, #tpu.memory_space<semaphore_mem>>) src(%dma_wait3A_376 : memref<80x64xf32, #tpu.memory_space<vmem>>) dst(%dma_wait3A_373 : memref<80x64xf32, #tpu.memory_space<hbm>>)
    }
    %scan3A_23 = arith.constant 3 : i32
    %dma_start3A = arith.constant 0 : i32
    %dma_start3A_24 = arith.constant 0 : i32
    %dma_start3A_25 = tpu.memref_slice %arg13[%dma_start3A, %dma_start3A_24] : memref<128x64xf32, #tpu.memory_space<vmem>> -> memref<80x64xf32, #tpu.memory_space<vmem>>
    %dma_start3A_26 = arith.constant 1920 : i32
    %dma_start3A_27 = tpu.memref_slice %arg12[%dma_start3A_26] : memref<8192xi32, #tpu.memory_space<vmem>> -> memref<80xi32, #tpu.memory_space<vmem>>
    %dma_start3A_28 = arith.constant 0 : i32
    %dma_start3A_29 = arith.constant 0 : i32
    %dma_start3A_30 = tpu.memref_slice %arg6[%dma_start3A_28, %dma_start3A_29] : memref<100001x64xf32, #tpu.memory_space<hbm>> -> memref<100001x64xf32, #tpu.memory_space<hbm>>
    tpu.enqueue_indirect_dma source(%dma_start3A_30 : memref<100001x64xf32, #tpu.memory_space<hbm>>) target(%dma_start3A_25 : memref<80x64xf32, #tpu.memory_space<vmem>>) offsets(%dma_start3A_27 : memref<80xi32, #tpu.memory_space<vmem>>) semaphore(%arg22 : memref<!tpu.dma_semaphore, #tpu.memory_space<semaphore_mem>>)
    %dma_wait3A = arith.constant 0 : i32
    %dma_wait3A_31 = arith.constant 0 : i32
    %dma_wait3A_32 = tpu.memref_slice %arg13[%dma_wait3A, %dma_wait3A_31] : memref<128x64xf32, #tpu.memory_space<vmem>> -> memref<80x64xf32, #tpu.memory_space<vmem>>
    %dma_wait3A_33 = arith.constant 1920 : i32
    %dma_wait3A_34 = tpu.memref_slice %arg12[%dma_wait3A_33] : memref<8192xi32, #tpu.memory_space<vmem>> -> memref<80xi32, #tpu.memory_space<vmem>>
    %dma_wait3A_35 = arith.constant 0 : i32
    %dma_wait3A_36 = arith.constant 0 : i32
    %dma_wait3A_37 = tpu.memref_slice %arg6[%dma_wait3A_35, %dma_wait3A_36] : memref<100001x64xf32, #tpu.memory_space<hbm>> -> memref<100001x64xf32, #tpu.memory_space<hbm>>
    tpu.wait_indirect_dma semaphore(%arg22 : memref<!tpu.dma_semaphore, #tpu.memory_space<semaphore_mem>>) src(%dma_wait3A_37 : memref<100001x64xf32, #tpu.memory_space<hbm>>) dst(%dma_wait3A_32 : memref<80x64xf32, #tpu.memory_space<vmem>>)
    %add3A_38 = arith.constant 1920 : i32
    %add3A_39 = arith.addi %mul3A_17, %add3A_38 : i32
    %dma_start3A_40 = arith.constant 0 : i32
    %dma_start3A_41 = arith.constant 0 : i32
    %dma_start3A_42 = tpu.memref_slice %arg13[%dma_start3A_40, %dma_start3A_41] : memref<128x64xf32, #tpu.memory_space<vmem>> -> memref<80x64xf32, #tpu.memory_space<vmem>>
    %dma_start3A_43 = arith.constant 0 : i32
    %dma_start3A_44 = tpu.memref_slice %arg10[%add3A_39, %dma_start3A_43] : memref<64000x64xf32, #tpu.memory_space<hbm>> -> memref<80x64xf32, #tpu.memory_space<hbm>>
    %dma_start3A_45 = arith.constant 0 : i32
    %dma_start3A_46 = tpu.memref_slice %arg10[%add3A_39, %dma_start3A_45] : memref<64000x64xf32, #tpu.memory_space<hbm>> -> memref<80x64xf32, #tpu.memory_space<hbm>>
    %dma_start3A_47 = arith.constant 0 : i32
    %dma_start3A_48 = arith.constant 0 : i32
    %dma_start3A_49 = tpu.memref_slice %arg13[%dma_start3A_47, %dma_start3A_48] : memref<128x64xf32, #tpu.memory_space<vmem>> -> memref<80x64xf32, #tpu.memory_space<vmem>>
    tpu.enqueue_dma source(%dma_start3A_49 : memref<80x64xf32, #tpu.memory_space<vmem>>) target(%dma_start3A_46 : memref<80x64xf32, #tpu.memory_space<hbm>>) target_semaphore(%arg23 : memref<!tpu.dma_semaphore, #tpu.memory_space<semaphore_mem>>)
    %dma_wait3A_50 = arith.constant 0 : i32
    %dma_wait3A_51 = arith.constant 0 : i32
    %dma_wait3A_52 = tpu.memref_slice %arg13[%dma_wait3A_50, %dma_wait3A_51] : memref<128x64xf32, #tpu.memory_space<vmem>> -> memref<80x64xf32, #tpu.memory_space<vmem>>
    %dma_wait3A_53 = arith.constant 0 : i32
    %dma_wait3A_54 = tpu.memref_slice %arg10[%add3A_39, %dma_wait3A_53] : memref<64000x64xf32, #tpu.memory_space<hbm>> -> memref<80x64xf32, #tpu.memory_space<hbm>>
    %dma_wait3A_55 = arith.constant 0 : i32
    %dma_wait3A_56 = tpu.memref_slice %arg10[%add3A_39, %dma_wait3A_55] : memref<64000x64xf32, #tpu.memory_space<hbm>> -> memref<80x64xf32, #tpu.memory_space<hbm>>
    %dma_wait3A_57 = arith.constant 0 : i32
    %dma_wait3A_58 = arith.constant 0 : i32
    %dma_wait3A_59 = tpu.memref_slice %arg13[%dma_wait3A_57, %dma_wait3A_58] : memref<128x64xf32, #tpu.memory_space<vmem>> -> memref<80x64xf32, #tpu.memory_space<vmem>>
    tpu.wait_dma2 semaphore(%arg23 : memref<!tpu.dma_semaphore, #tpu.memory_space<semaphore_mem>>) src(%dma_wait3A_59 : memref<80x64xf32, #tpu.memory_space<vmem>>) dst(%dma_wait3A_56 : memref<80x64xf32, #tpu.memory_space<hbm>>)
    %lt3A = arith.constant 16 : i32
    %lt3A_60 = arith.cmpi slt, %add3A, %lt3A : i32
    %convert_element_type3A = arith.extui %lt3A_60 : i1 to i32
    %cond3A = arith.constant 0 : i32
    %cond3A_61 = arith.cmpi ne, %convert_element_type3A, %cond3A : i32
    scf.if %cond3A_61 {
      %mul3A_62 = arith.constant 40 : i32
      %mul3A_63 = arith.muli %add3A, %mul3A_62 : i32
      "tpu.region"() ({
        %run_scoped3A = tpu.sem_alloc : memref<!tpu.dma_semaphore, #tpu.memory_space<semaphore_mem>>
        %dma_start3A_74 = arith.constant 0 : i32
        %dma_start3A_75 = tpu.memref_slice %arg12[%dma_start3A_74] : memref<8192xi32, #tpu.memory_space<vmem>> -> memref<40xi32, #tpu.memory_space<vmem>>
        %dma_start3A_76 = tpu.memref_slice %arg5[%mul3A_63] : memref<640xi32, #tpu.memory_space<hbm>> -> memref<40xi32, #tpu.memory_space<hbm>>
        %dma_start3A_77 = arith.constant 0 : i32
        %dma_start3A_78 = tpu.memref_slice %arg12[%dma_start3A_77] : memref<8192xi32, #tpu.memory_space<vmem>> -> memref<40xi32, #tpu.memory_space<vmem>>
        %dma_start3A_79 = tpu.memref_slice %arg5[%mul3A_63] : memref<640xi32, #tpu.memory_space<hbm>> -> memref<40xi32, #tpu.memory_space<hbm>>
        tpu.enqueue_dma source(%dma_start3A_79 : memref<40xi32, #tpu.memory_space<hbm>>) target(%dma_start3A_78 : memref<40xi32, #tpu.memory_space<vmem>>) target_semaphore(%run_scoped3A : memref<!tpu.dma_semaphore, #tpu.memory_space<semaphore_mem>>)
        %dma_wait3A_80 = arith.constant 0 : i32
        %dma_wait3A_81 = tpu.memref_slice %arg12[%dma_wait3A_80] : memref<8192xi32, #tpu.memory_space<vmem>> -> memref<40xi32, #tpu.memory_space<vmem>>
        %dma_wait3A_82 = tpu.memref_slice %arg5[%mul3A_63] : memref<640xi32, #tpu.memory_space<hbm>> -> memref<40xi32, #tpu.memory_space<hbm>>
        %dma_wait3A_83 = arith.constant 0 : i32
        %dma_wait3A_84 = tpu.memref_slice %arg12[%dma_wait3A_83] : memref<8192xi32, #tpu.memory_space<vmem>> -> memref<40xi32, #tpu.memory_space<vmem>>
        %dma_wait3A_85 = tpu.memref_slice %arg5[%mul3A_63] : memref<640xi32, #tpu.memory_space<hbm>> -> memref<40xi32, #tpu.memory_space<hbm>>
        tpu.wait_dma2 semaphore(%run_scoped3A : memref<!tpu.dma_semaphore, #tpu.memory_space<semaphore_mem>>) src(%dma_wait3A_85 : memref<40xi32, #tpu.memory_space<hbm>>) dst(%dma_wait3A_84 : memref<40xi32, #tpu.memory_space<vmem>>)
        tpu.yield
      }) : () -> ()
      %dma_start3A_64 = arith.constant 0 : i32
      %dma_start3A_65 = tpu.memref_slice %arg12[%dma_start3A_64] : memref<8192xi32, #tpu.memory_space<vmem>> -> memref<40xi32, #tpu.memory_space<vmem>>
      %dma_start3A_66 = arith.constant 0 : i32
      %dma_start3A_67 = arith.constant 0 : i32
      %dma_start3A_68 = tpu.memref_slice %arg7[%dma_start3A_66, %dma_start3A_67] : memref<50001x64xf32, #tpu.memory_space<hbm>> -> memref<50001x64xf32, #tpu.memory_space<hbm>>
      tpu.enqueue_indirect_dma source(%dma_start3A_68 : memref<50001x64xf32, #tpu.memory_space<hbm>>) target(%arg21 : memref<40x64xf32, #tpu.memory_space<vmem>>) offsets(%dma_start3A_65 : memref<40xi32, #tpu.memory_space<vmem>>) semaphore(%arg22 : memref<!tpu.dma_semaphore, #tpu.memory_space<semaphore_mem>>)
      %dma_wait3A_69 = arith.constant 0 : i32
      %dma_wait3A_70 = tpu.memref_slice %arg12[%dma_wait3A_69] : memref<8192xi32, #tpu.memory_space<vmem>> -> memref<40xi32, #tpu.memory_space<vmem>>
      %dma_wait3A_71 = arith.constant 0 : i32
      %dma_wait3A_72 = arith.constant 0 : i32
      %dma_wait3A_73 = tpu.memref_slice %arg7[%dma_wait3A_71, %dma_wait3A_72] : memref<50001x64xf32, #tpu.memory_space<hbm>> -> memref<50001x64xf32, #tpu.memory_space<hbm>>
      tpu.wait_indirect_dma semaphore(%arg22 : memref<!tpu.dma_semaphore, #tpu.memory_space<semaphore_mem>>) src(%dma_wait3A_73 : memref<50001x64xf32, #tpu.memory_space<hbm>>) dst(%arg21 : memref<40x64xf32, #tpu.memory_space<vmem>>)
      "tpu.region"() ({
        %run_scoped3A = tpu.sem_alloc : memref<!tpu.dma_semaphore, #tpu.memory_space<semaphore_mem>>
        %dma_start3A_74 = arith.constant 0 : i32
        %dma_start3A_75 = tpu.memref_slice %arg11[%mul3A_63, %dma_start3A_74] : memref<640x64xf32, #tpu.memory_space<hbm>> -> memref<40x64xf32, #tpu.memory_space<hbm>>
        %dma_start3A_76 = arith.constant 0 : i32
        %dma_start3A_77 = tpu.memref_slice %arg11[%mul3A_63, %dma_start3A_76] : memref<640x64xf32, #tpu.memory_space<hbm>> -> memref<40x64xf32, #tpu.memory_space<hbm>>
        tpu.enqueue_dma source(%arg21 : memref<40x64xf32, #tpu.memory_space<vmem>>) target(%dma_start3A_77 : memref<40x64xf32, #tpu.memory_space<hbm>>) target_semaphore(%run_scoped3A : memref<!tpu.dma_semaphore, #tpu.memory_space<semaphore_mem>>)
        %dma_wait3A_78 = arith.constant 0 : i32
        %dma_wait3A_79 = tpu.memref_slice %arg11[%mul3A_63, %dma_wait3A_78] : memref<640x64xf32, #tpu.memory_space<hbm>> -> memref<40x64xf32, #tpu.memory_space<hbm>>
        %dma_wait3A_80 = arith.constant 0 : i32
        %dma_wait3A_81 = tpu.memref_slice %arg11[%mul3A_63, %dma_wait3A_80] : memref<640x64xf32, #tpu.memory_space<hbm>> -> memref<40x64xf32, #tpu.memory_space<hbm>>
        tpu.wait_dma2 semaphore(%run_scoped3A : memref<!tpu.dma_semaphore, #tpu.memory_space<semaphore_mem>>) src(%arg21 : memref<40x64xf32, #tpu.memory_space<vmem>>) dst(%dma_wait3A_81 : memref<40x64xf32, #tpu.memory_space<hbm>>)
        tpu.yield
      }) : () -> ()
    } else {
    }
    return
  }
}

#map = affine_map<(d0, d1) -> (0)>
module attributes {stable_mosaic.version = 14 : i64} {
  func.func @k(%arg0: i32, %arg1: i32, %arg2: memref<262144xi32, #tpu.memory_space<hbm>>, %arg3: memref<32256xf32, #tpu.memory_space<hbm>>, %arg4: memref<262144xf32, #tpu.memory_space<hbm>>, %arg5: memref<8192xi32, #tpu.memory_space<vmem>>, %arg6: memref<1008xf32, #tpu.memory_space<vmem>>, %arg7: memref<8192xf32, #tpu.memory_space<vmem>>) attributes {dimension_semantics = [#tpu.dimension_semantics<core_parallel>, #tpu.dimension_semantics<subcore_parallel>], iteration_bounds = array<i64: 2, 16>, scalar_prefetch = 0 : i64, scratch_operands = 3 : i64, tpu.core_type = #tpu.core_type<sc_vector_subcore>, window_params = [{transform_indices = #map}, {transform_indices = #map}, {transform_indices = #map}]} {
    %mul3A = arith.constant 2 : i32
    %mul3A_0 = arith.muli %arg1, %mul3A : i32
    %add3A = arith.addi %mul3A_0, %arg0 : i32
    %mul3A_1 = arith.constant 8192 : i32
    %mul3A_2 = arith.muli %add3A, %mul3A_1 : i32
    %jit3A = arith.constant 8192 : i32
    %div3A = arith.divsi %mul3A_2, %jit3A : i32
    %sign3A = arith.constant 0 : i32
    %sign3A_3 = arith.cmpi sgt, %mul3A_2, %sign3A : i32
    %sign3A_4 = arith.extui %sign3A_3 : i1 to i32
    %sign3A_5 = arith.constant 0 : i32
    %sign3A_6 = arith.cmpi slt, %mul3A_2, %sign3A_5 : i32
    %sign3A_7 = arith.extui %sign3A_6 : i1 to i32
    %sign3A_8 = arith.subi %sign3A_4, %sign3A_7 : i32
    %sign3A_9 = arith.constant 0 : i32
    %sign3A_10 = arith.cmpi sgt, %jit3A, %sign3A_9 : i32
    %sign3A_11 = arith.extui %sign3A_10 : i1 to i32
    %sign3A_12 = arith.constant 0 : i32
    %sign3A_13 = arith.cmpi slt, %jit3A, %sign3A_12 : i32
    %sign3A_14 = arith.extui %sign3A_13 : i1 to i32
    %sign3A_15 = arith.subi %sign3A_11, %sign3A_14 : i32
    %ne3A = arith.cmpi ne, %sign3A_8, %sign3A_15 : i32
    %rem3A = arith.remsi %mul3A_2, %jit3A : i32
    %ne3A_16 = arith.constant 0 : i32
    %ne3A_17 = arith.cmpi ne, %rem3A, %ne3A_16 : i32
    %and3A = arith.andi %ne3A, %ne3A_17 : i1
    %sub3A = arith.constant 1 : i32
    %sub3A_18 = arith.subi %div3A, %sub3A : i32
    %select_n3A = arith.select %and3A, %sub3A_18, %div3A : i32
    "tpu.region"() ({
      %run_scoped3A = tpu.sem_alloc : memref<!tpu.dma_semaphore, #tpu.memory_space<semaphore_mem>>
      %dma_start3A = tpu.memref_slice %arg2[%mul3A_2] : memref<262144xi32, #tpu.memory_space<hbm>> -> memref<8192xi32, #tpu.memory_space<hbm>>
      %dma_start3A_26 = tpu.memref_slice %arg2[%mul3A_2] : memref<262144xi32, #tpu.memory_space<hbm>> -> memref<8192xi32, #tpu.memory_space<hbm>>
      tpu.enqueue_dma source(%dma_start3A_26 : memref<8192xi32, #tpu.memory_space<hbm>>) target(%arg5 : memref<8192xi32, #tpu.memory_space<vmem>>) target_semaphore(%run_scoped3A : memref<!tpu.dma_semaphore, #tpu.memory_space<semaphore_mem>>)
      %dma_wait3A = tpu.memref_slice %arg2[%mul3A_2] : memref<262144xi32, #tpu.memory_space<hbm>> -> memref<8192xi32, #tpu.memory_space<hbm>>
      %dma_wait3A_27 = tpu.memref_slice %arg2[%mul3A_2] : memref<262144xi32, #tpu.memory_space<hbm>> -> memref<8192xi32, #tpu.memory_space<hbm>>
      tpu.wait_dma2 semaphore(%run_scoped3A : memref<!tpu.dma_semaphore, #tpu.memory_space<semaphore_mem>>) src(%dma_wait3A_27 : memref<8192xi32, #tpu.memory_space<hbm>>) dst(%arg5 : memref<8192xi32, #tpu.memory_space<vmem>>)
      tpu.yield
    }) : () -> ()
    %mul3A_19 = arith.constant 1008 : i32
    %mul3A_20 = arith.muli %select_n3A, %mul3A_19 : i32
    %multiple_of3A = tpu.assume_multiple %mul3A_20, 8 : i32
    "tpu.region"() ({
      %run_scoped3A = tpu.sem_alloc : memref<!tpu.dma_semaphore, #tpu.memory_space<semaphore_mem>>
      %dma_start3A = tpu.memref_slice %arg3[%multiple_of3A] : memref<32256xf32, #tpu.memory_space<hbm>> -> memref<1008xf32, #tpu.memory_space<hbm>>
      %dma_start3A_26 = tpu.memref_slice %arg3[%multiple_of3A] : memref<32256xf32, #tpu.memory_space<hbm>> -> memref<1008xf32, #tpu.memory_space<hbm>>
      tpu.enqueue_dma source(%dma_start3A_26 : memref<1008xf32, #tpu.memory_space<hbm>>) target(%arg6 : memref<1008xf32, #tpu.memory_space<vmem>>) target_semaphore(%run_scoped3A : memref<!tpu.dma_semaphore, #tpu.memory_space<semaphore_mem>>)
      %dma_wait3A = tpu.memref_slice %arg3[%multiple_of3A] : memref<32256xf32, #tpu.memory_space<hbm>> -> memref<1008xf32, #tpu.memory_space<hbm>>
      %dma_wait3A_27 = tpu.memref_slice %arg3[%multiple_of3A] : memref<32256xf32, #tpu.memory_space<hbm>> -> memref<1008xf32, #tpu.memory_space<hbm>>
      tpu.wait_dma2 semaphore(%run_scoped3A : memref<!tpu.dma_semaphore, #tpu.memory_space<semaphore_mem>>) src(%dma_wait3A_27 : memref<1008xf32, #tpu.memory_space<hbm>>) dst(%arg6 : memref<1008xf32, #tpu.memory_space<vmem>>)
      tpu.yield
    }) : () -> ()
    %scan3A = arith.constant 0 : i32
    %scan3A_21 = arith.constant 0 : i32
    %scan3A_22 = arith.constant 512 : i32
    %scan3A_23 = arith.addi %scan3A_21, %scan3A_22 : i32
    %scan3A_24 = arith.constant 1 : i32
    scf.for %scan3A_26 = %scan3A_21 to %scan3A_23 step %scan3A_24  : i32 {
      %mul3A_27 = arith.constant 16 : i32
      %mul3A_28 = arith.muli %scan3A_26, %mul3A_27 : i32
      %get3A = arith.index_cast %mul3A_28 : i32 to index
      %get3A_29 = tpu.vector_load %arg5[%get3A] {strides = array<i32>} : memref<8192xi32, #tpu.memory_space<vmem>>, vector<16xi32>,
      %gather3A = tpu.vector_load_idx %arg6[%get3A_29] : memref<1008xf32, #tpu.memory_space<vmem>>[vector<16xi32>], vector<16xf32>,
      %mul3A_30 = arith.constant 16 : i32
      %mul3A_31 = arith.muli %scan3A_26, %mul3A_30 : i32
      %swap3A = arith.index_cast %mul3A_31 : i32 to index
      %swap3A_32 = tpu.vector_load %arg7[%swap3A] {strides = array<i32>} : memref<8192xf32, #tpu.memory_space<vmem>>, vector<16xf32>,
      tpu.vector_store %arg7[%swap3A], %gather3A {strides = array<i32>} : memref<8192xf32, #tpu.memory_space<vmem>>, vector<16xf32>,
    }
    %scan3A_25 = arith.constant 512 : i32
    "tpu.region"() ({
      %run_scoped3A = tpu.sem_alloc : memref<!tpu.dma_semaphore, #tpu.memory_space<semaphore_mem>>
      %dma_start3A = tpu.memref_slice %arg4[%mul3A_2] : memref<262144xf32, #tpu.memory_space<hbm>> -> memref<8192xf32, #tpu.memory_space<hbm>>
      %dma_start3A_26 = tpu.memref_slice %arg4[%mul3A_2] : memref<262144xf32, #tpu.memory_space<hbm>> -> memref<8192xf32, #tpu.memory_space<hbm>>
      tpu.enqueue_dma source(%arg7 : memref<8192xf32, #tpu.memory_space<vmem>>) target(%dma_start3A_26 : memref<8192xf32, #tpu.memory_space<hbm>>) target_semaphore(%run_scoped3A : memref<!tpu.dma_semaphore, #tpu.memory_space<semaphore_mem>>)
      %dma_wait3A = tpu.memref_slice %arg4[%mul3A_2] : memref<262144xf32, #tpu.memory_space<hbm>> -> memref<8192xf32, #tpu.memory_space<hbm>>
      %dma_wait3A_27 = tpu.memref_slice %arg4[%mul3A_2] : memref<262144xf32, #tpu.memory_space<hbm>> -> memref<8192xf32, #tpu.memory_space<hbm>>
      tpu.wait_dma2 semaphore(%run_scoped3A : memref<!tpu.dma_semaphore, #tpu.memory_space<semaphore_mem>>) src(%arg7 : memref<8192xf32, #tpu.memory_space<vmem>>) dst(%dma_wait3A_27 : memref<8192xf32, #tpu.memory_space<hbm>>)
      tpu.yield
    }) : () -> ()
    return
  }
}

module attributes {stable_mosaic.version = 14 : i64} {
  func.func @body(%arg0: memref<20x32x64xf32, #tpu.memory_space<vmem>>, %arg1: memref<512x64xf32, #tpu.memory_space<vmem>>, %arg2: memref<512x128xf32, #tpu.memory_space<vmem>>, %arg3: memref<1x512xf32, #tpu.memory_space<vmem>>, %arg4: memref<128x64xf32, #tpu.memory_space<vmem>>, %arg5: memref<128x128xf32, #tpu.memory_space<vmem>>, %arg6: memref<1008x128xf32, #tpu.memory_space<vmem>>, %arg7: memref<32x128xf32, #tpu.memory_space<vmem>>, %arg8: memref<32x64xf32, #tpu.memory_space<vmem>>, %arg9: memref<32x1008xf32, #tpu.memory_space<vmem>>) attributes {dimension_semantics = [], scalar_prefetch = 0 : i64, scratch_operands = 0 : i64, tpu.core_type = #tpu.core_type<tc>} {
    %broadcast_in_dim3A = arith.constant 0.000000e+00 : f32
    %broadcast_in_dim3A_0 = vector.broadcast %broadcast_in_dim3A : f32 to vector<32x128xf32>
    %scan3A = arith.constant 0 : i32
    %scan3A_1 = arith.constant 20 : i32
    %scan3A_2 = arith.addi %scan3A, %scan3A_1 : i32
    %scan3A_3 = arith.constant 1 : i32
    %scan3A_4:2 = scf.for %scan3A_27 = %scan3A to %scan3A_2 step %scan3A_3 iter_args(%scan3A_28 = %broadcast_in_dim3A_0, %scan3A_29 = %broadcast_in_dim3A_0) -> (vector<32x128xf32>, vector<32x128xf32>)  : i32 {
      %get3A_30 = arith.index_cast %scan3A_27 : i32 to index
      %get3A_31 = arith.constant 0 : index
      %get3A_32 = arith.constant 0 : index
      %get3A_33 = vector.load %arg0[%get3A_30, %get3A_31, %get3A_32] : memref<20x32x64xf32, #tpu.memory_space<vmem>>, vector<1x32x64xf32>
      %get3A_34 = vector.shape_cast %get3A_33 : vector<1x32x64xf32> to vector<32x64xf32>
      %get3A_35 = arith.constant 0 : index
      %get3A_36 = arith.constant 0 : index
      %get3A_37 = vector.load %arg1[%get3A_35, %get3A_36] : memref<512x64xf32, #tpu.memory_space<vmem>>, vector<512x64xf32>
      %dot_general3A_38 = arith.constant dense<0.000000e+00> : vector<32x512xf32>
      %dot_general3A_39 = tpu.matmul %get3A_34, %get3A_37, %dot_general3A_38 {dimension_numbers = #tpu.dot_dimension_numbers<[1], [1], [0], [0], [0, 0, 1, 0], [], []>, transpose_lhs_hint = false} : vector<32x64xf32>, vector<512x64xf32>, vector<32x512xf32> -> vector<32x512xf32>
      %get3A_40 = arith.constant 0 : index
      %get3A_41 = arith.constant 0 : index
      %get3A_42 = vector.load %arg2[%get3A_40, %get3A_41] : memref<512x128xf32, #tpu.memory_space<vmem>>, vector<512x128xf32>
      %dot_general3A_43 = arith.constant dense<0.000000e+00> : vector<32x512xf32>
      %dot_general3A_44 = tpu.matmul %scan3A_28, %get3A_42, %dot_general3A_43 {dimension_numbers = #tpu.dot_dimension_numbers<[1], [1], [0], [0], [0, 0, 1, 0], [], []>, transpose_lhs_hint = false} : vector<32x128xf32>, vector<512x128xf32>, vector<32x512xf32> -> vector<32x512xf32>
      %add3A = arith.addf %dot_general3A_39, %dot_general3A_44 : vector<32x512xf32>
      %get3A_45 = arith.constant 0 : index
      %get3A_46 = arith.constant 0 : index
      %get3A_47 = vector.load %arg3[%get3A_45, %get3A_46] : memref<1x512xf32, #tpu.memory_space<vmem>>, vector<1x512xf32>
      %add3A_48 = vector.broadcast %get3A_47 : vector<1x512xf32> to vector<32x512xf32>
      %add3A_49 = arith.addf %add3A, %add3A_48 : vector<32x512xf32>
      %slice3A = vector.extract_strided_slice %add3A_49 {offsets = [0, 0], sizes = [32, 128], strides = [1, 1]} : vector<32x512xf32> to vector<32x128xf32>
      %neg3A = arith.constant 0.000000e+00 : f32
      %neg3A_50 = vector.broadcast %neg3A : f32 to vector<32x128xf32>
      %neg3A_51 = arith.subf %neg3A_50, %slice3A : vector<32x128xf32>
      %exp3A = math.exp %neg3A_51 : vector<32x128xf32>
      %add3A_52 = arith.constant 1.000000e+00 : f32
      %add3A_53 = vector.broadcast %add3A_52 : f32 to vector<32x128xf32>
      %add3A_54 = arith.addf %add3A_53, %exp3A : vector<32x128xf32>
      %div3A = arith.constant 1.000000e+00 : f32
      %div3A_55 = vector.broadcast %div3A : f32 to vector<32x128xf32>
      %div3A_56 = arith.divf %div3A_55, %add3A_54 : vector<32x128xf32>
      %slice3A_57 = vector.extract_strided_slice %add3A_49 {offsets = [0, 128], sizes = [32, 128], strides = [1, 1]} : vector<32x512xf32> to vector<32x128xf32>
      %neg3A_58 = arith.constant 0.000000e+00 : f32
      %neg3A_59 = vector.broadcast %neg3A_58 : f32 to vector<32x128xf32>
      %neg3A_60 = arith.subf %neg3A_59, %slice3A_57 : vector<32x128xf32>
      %exp3A_61 = math.exp %neg3A_60 : vector<32x128xf32>
      %add3A_62 = arith.constant 1.000000e+00 : f32
      %add3A_63 = vector.broadcast %add3A_62 : f32 to vector<32x128xf32>
      %add3A_64 = arith.addf %add3A_63, %exp3A_61 : vector<32x128xf32>
      %div3A_65 = arith.constant 1.000000e+00 : f32
      %div3A_66 = vector.broadcast %div3A_65 : f32 to vector<32x128xf32>
      %div3A_67 = arith.divf %div3A_66, %add3A_64 : vector<32x128xf32>
      %slice3A_68 = vector.extract_strided_slice %add3A_49 {offsets = [0, 256], sizes = [32, 128], strides = [1, 1]} : vector<32x512xf32> to vector<32x128xf32>
      %tanh3A = math.tanh %slice3A_68 : vector<32x128xf32>
      %slice3A_69 = vector.extract_strided_slice %add3A_49 {offsets = [0, 384], sizes = [32, 128], strides = [1, 1]} : vector<32x512xf32> to vector<32x128xf32>
      %neg3A_70 = arith.constant 0.000000e+00 : f32
      %neg3A_71 = vector.broadcast %neg3A_70 : f32 to vector<32x128xf32>
      %neg3A_72 = arith.subf %neg3A_71, %slice3A_69 : vector<32x128xf32>
      %exp3A_73 = math.exp %neg3A_72 : vector<32x128xf32>
      %add3A_74 = arith.constant 1.000000e+00 : f32
      %add3A_75 = vector.broadcast %add3A_74 : f32 to vector<32x128xf32>
      %add3A_76 = arith.addf %add3A_75, %exp3A_73 : vector<32x128xf32>
      %div3A_77 = arith.constant 1.000000e+00 : f32
      %div3A_78 = vector.broadcast %div3A_77 : f32 to vector<32x128xf32>
      %div3A_79 = arith.divf %div3A_78, %add3A_76 : vector<32x128xf32>
      %mul3A = arith.mulf %div3A_67, %scan3A_29 : vector<32x128xf32>
      %mul3A_80 = arith.mulf %div3A_56, %tanh3A : vector<32x128xf32>
      %add3A_81 = arith.addf %mul3A, %mul3A_80 : vector<32x128xf32>
      %tanh3A_82 = math.tanh %add3A_81 : vector<32x128xf32>
      %mul3A_83 = arith.mulf %div3A_79, %tanh3A_82 : vector<32x128xf32>
      scf.yield %mul3A_83, %add3A_81 : vector<32x128xf32>, vector<32x128xf32>
    }
    %scan3A_5 = arith.constant 20 : i32
    %swap3A = arith.constant 0 : index
    %swap3A_6 = arith.constant 0 : index
    %swap3A_7 = vector.load %arg7[%swap3A, %swap3A_6] : memref<32x128xf32, #tpu.memory_space<vmem>>, vector<32x128xf32>
    tpu.vector_store %arg7[%swap3A, %swap3A_6], %scan3A_4#0 {strides = array<i32>} : memref<32x128xf32, #tpu.memory_space<vmem>>, vector<32x128xf32>,
    %get3A = arith.constant 0 : index
    %get3A_8 = arith.constant 0 : index
    %get3A_9 = vector.load %arg4[%get3A, %get3A_8] : memref<128x64xf32, #tpu.memory_space<vmem>>, vector<128x64xf32>
    %dot_general3A = arith.constant dense<0.000000e+00> : vector<32x64xf32>
    %dot_general3A_10 = tpu.matmul %scan3A_4#0, %get3A_9, %dot_general3A {dimension_numbers = #tpu.dot_dimension_numbers<[1], [0], [0], [1], [0, 0, 1, 1], [], []>, transpose_lhs_hint = false} : vector<32x128xf32>, vector<128x64xf32>, vector<32x64xf32> -> vector<32x64xf32>
    %swap3A_11 = arith.constant 0 : index
    %swap3A_12 = arith.constant 0 : index
    %swap3A_13 = vector.load %arg8[%swap3A_11, %swap3A_12] : memref<32x64xf32, #tpu.memory_space<vmem>>, vector<32x64xf32>
    tpu.vector_store %arg8[%swap3A_11, %swap3A_12], %dot_general3A_10 {strides = array<i32>} : memref<32x64xf32, #tpu.memory_space<vmem>>, vector<32x64xf32>,
    %get3A_14 = arith.constant 0 : index
    %get3A_15 = arith.constant 0 : index
    %get3A_16 = vector.load %arg5[%get3A_14, %get3A_15] : memref<128x128xf32, #tpu.memory_space<vmem>>, vector<128x128xf32>
    %dot_general3A_17 = arith.constant dense<0.000000e+00> : vector<32x128xf32>
    %dot_general3A_18 = tpu.matmul %scan3A_4#0, %get3A_16, %dot_general3A_17 {dimension_numbers = #tpu.dot_dimension_numbers<[1], [0], [0], [1], [0, 0, 1, 1], [], []>, transpose_lhs_hint = false} : vector<32x128xf32>, vector<128x128xf32>, vector<32x128xf32> -> vector<32x128xf32>
    %get3A_19 = arith.constant 0 : index
    %get3A_20 = arith.constant 0 : index
    %get3A_21 = vector.load %arg6[%get3A_19, %get3A_20] : memref<1008x128xf32, #tpu.memory_space<vmem>>, vector<1008x128xf32>
    %dot_general3A_22 = arith.constant dense<0.000000e+00> : vector<32x1008xf32>
    %dot_general3A_23 = tpu.matmul %dot_general3A_18, %get3A_21, %dot_general3A_22 {dimension_numbers = #tpu.dot_dimension_numbers<[1], [1], [0], [0], [0, 0, 1, 0], [], []>, transpose_lhs_hint = false} : vector<32x128xf32>, vector<1008x128xf32>, vector<32x1008xf32> -> vector<32x1008xf32>
    %swap3A_24 = arith.constant 0 : index
    %swap3A_25 = arith.constant 0 : index
    %swap3A_26 = vector.load %arg9[%swap3A_24, %swap3A_25] : memref<32x1008xf32, #tpu.memory_space<vmem>>, vector<32x1008xf32>
    tpu.vector_store %arg9[%swap3A_24, %swap3A_25], %dot_general3A_23 {strides = array<i32>} : memref<32x1008xf32, #tpu.memory_space<vmem>>, vector<32x1008xf32>,
    return
  }
}

module attributes {stable_mosaic.version = 14 : i64} {
  func.func @body(%arg0: i32, %arg1: memref<1x1x64xf32, #tpu.memory_space<vmem>>, %arg2: memref<1x1x4096xf32, #tpu.memory_space<vmem>>, %arg3: memref<1x1x4096xf32, #tpu.memory_space<vmem>>, %arg4: memref<1x4096x128xf32, #tpu.memory_space<vmem>>, %arg5: memref<1x4096x128xf32, #tpu.memory_space<vmem>>, %arg6: memref<1x1x4096xf32, #tpu.memory_space<vmem>>, %arg7: memref<1x1x4096xf32, #tpu.memory_space<vmem>>, %arg8: memref<1x1x64xf32, #tpu.memory_space<vmem>>) attributes {dimension_semantics = [#tpu.dimension_semantics<arbitrary>], iteration_bounds = array<i64: 32>, scalar_prefetch = 0 : i64, scratch_operands = 0 : i64, tpu.core_type = #tpu.core_type<tc>, window_params = [{transform_indices = @transform_0, window_bounds = array<i64: 1, 1, 64>}, {transform_indices = @transform_1, window_bounds = array<i64: 1, 1, 4096>}, {transform_indices = @transform_2, window_bounds = array<i64: 1, 1, 4096>}, {transform_indices = @transform_3, window_bounds = array<i64: 1, 4096, 128>}, {transform_indices = @transform_4, window_bounds = array<i64: 1, 4096, 128>}, {transform_indices = @transform_5, window_bounds = array<i64: 1, 1, 4096>}, {transform_indices = @transform_6, window_bounds = array<i64: 1, 1, 4096>}, {transform_indices = @transform_7, window_bounds = array<i64: 1, 1, 64>}]} {
    %get3A = arith.constant 0 : index
    %get3A_0 = arith.constant 0 : index
    %get3A_1 = arith.constant 0 : index
    %get3A_2 = vector.load %arg1[%get3A, %get3A_0, %get3A_1] : memref<1x1x64xf32, #tpu.memory_space<vmem>>, vector<1x1x64xf32>
    %get3A_3 = vector.shape_cast %get3A_2 : vector<1x1x64xf32> to vector<1x64xf32>
    %broadcast_in_dim3A = arith.constant 0.000000e+00 : f32
    %broadcast_in_dim3A_4 = vector.broadcast %broadcast_in_dim3A : f32 to vector<1x64xf32>
    %concatenate3A = tpu.concatenate %get3A_3, %broadcast_in_dim3A_4 in 1 : vector<1x64xf32>, vector<1x64xf32> -> vector<1x128xf32>
    %concatenate3A_5 = tpu.concatenate %broadcast_in_dim3A_4, %get3A_3 in 1 : vector<1x64xf32>, vector<1x64xf32> -> vector<1x128xf32>
    %get3A_6 = arith.constant 0 : index
    %get3A_7 = arith.constant 0 : index
    %get3A_8 = arith.constant 0 : index
    %get3A_9 = vector.load %arg4[%get3A_6, %get3A_7, %get3A_8] : memref<1x4096x128xf32, #tpu.memory_space<vmem>>, vector<1x4096x128xf32>
    %get3A_10 = vector.shape_cast %get3A_9 : vector<1x4096x128xf32> to vector<4096x128xf32>
    %dot_general3A = arith.constant dense<0.000000e+00> : vector<1x4096xf32>
    %dot_general3A_11 = tpu.matmul %concatenate3A, %get3A_10, %dot_general3A {dimension_numbers = #tpu.dot_dimension_numbers<[1], [1], [0], [0], [0, 0, 1, 0], [], []>, transpose_lhs_hint = false} : vector<1x128xf32>, vector<4096x128xf32>, vector<1x4096xf32> -> vector<1x4096xf32>
    %get3A_12 = arith.constant 0 : index
    %get3A_13 = arith.constant 0 : index
    %get3A_14 = arith.constant 0 : index
    %get3A_15 = vector.load %arg2[%get3A_12, %get3A_13, %get3A_14] : memref<1x1x4096xf32, #tpu.memory_space<vmem>>, vector<1x1x4096xf32>
    %get3A_16 = vector.shape_cast %get3A_15 : vector<1x1x4096xf32> to vector<1x4096xf32>
    %add3A = arith.addf %dot_general3A_11, %get3A_16 : vector<1x4096xf32>
    %get3A_17 = arith.constant 0 : index
    %get3A_18 = arith.constant 0 : index
    %get3A_19 = arith.constant 0 : index
    %get3A_20 = vector.load %arg4[%get3A_17, %get3A_18, %get3A_19] : memref<1x4096x128xf32, #tpu.memory_space<vmem>>, vector<1x4096x128xf32>
    %get3A_21 = vector.shape_cast %get3A_20 : vector<1x4096x128xf32> to vector<4096x128xf32>
    %dot_general3A_22 = arith.constant dense<0.000000e+00> : vector<1x4096xf32>
    %dot_general3A_23 = tpu.matmul %concatenate3A_5, %get3A_21, %dot_general3A_22 {dimension_numbers = #tpu.dot_dimension_numbers<[1], [1], [0], [0], [0, 0, 1, 0], [], []>, transpose_lhs_hint = false} : vector<1x128xf32>, vector<4096x128xf32>, vector<1x4096xf32> -> vector<1x4096xf32>
    %get3A_24 = arith.constant 0 : index
    %get3A_25 = arith.constant 0 : index
    %get3A_26 = arith.constant 0 : index
    %get3A_27 = vector.load %arg3[%get3A_24, %get3A_25, %get3A_26] : memref<1x1x4096xf32, #tpu.memory_space<vmem>>, vector<1x1x4096xf32>
    %get3A_28 = vector.shape_cast %get3A_27 : vector<1x1x4096xf32> to vector<1x4096xf32>
    %add3A_29 = arith.addf %dot_general3A_23, %get3A_28 : vector<1x4096xf32>
    %get3A_30 = arith.constant 0 : index
    %get3A_31 = arith.constant 0 : index
    %get3A_32 = arith.constant 0 : index
    %get3A_33 = vector.load %arg6[%get3A_30, %get3A_31, %get3A_32] : memref<1x1x4096xf32, #tpu.memory_space<vmem>>, vector<1x1x4096xf32>
    %get3A_34 = vector.shape_cast %get3A_33 : vector<1x1x4096xf32> to vector<1x4096xf32>
    %sub3A = arith.constant 1.000000e+00 : f32
    %sub3A_35 = vector.broadcast %sub3A : f32 to vector<1x4096xf32>
    %sub3A_36 = arith.subf %sub3A_35, %get3A_34 : vector<1x4096xf32>
    %mul3A = arith.constant -1.000000e+10 : f32
    %mul3A_37 = vector.broadcast %mul3A : f32 to vector<1x4096xf32>
    %mul3A_38 = arith.mulf %sub3A_36, %mul3A_37 : vector<1x4096xf32>
    %add3A_39 = arith.addf %add3A, %mul3A_38 : vector<1x4096xf32>
    %mul3A_40 = arith.constant 0.0883883461 : f32
    %mul3A_41 = vector.broadcast %mul3A_40 : f32 to vector<1x4096xf32>
    %mul3A_42 = arith.mulf %add3A_39, %mul3A_41 : vector<1x4096xf32>
    %get3A_43 = arith.constant 0 : index
    %get3A_44 = arith.constant 0 : index
    %get3A_45 = arith.constant 0 : index
    %get3A_46 = vector.load %arg7[%get3A_43, %get3A_44, %get3A_45] : memref<1x1x4096xf32, #tpu.memory_space<vmem>>, vector<1x1x4096xf32>
    %get3A_47 = vector.shape_cast %get3A_46 : vector<1x1x4096xf32> to vector<1x4096xf32>
    %sub3A_48 = arith.constant 1.000000e+00 : f32
    %sub3A_49 = vector.broadcast %sub3A_48 : f32 to vector<1x4096xf32>
    %sub3A_50 = arith.subf %sub3A_49, %get3A_47 : vector<1x4096xf32>
    %mul3A_51 = arith.constant -1.000000e+10 : f32
    %mul3A_52 = vector.broadcast %mul3A_51 : f32 to vector<1x4096xf32>
    %mul3A_53 = arith.mulf %sub3A_50, %mul3A_52 : vector<1x4096xf32>
    %add3A_54 = arith.addf %add3A_29, %mul3A_53 : vector<1x4096xf32>
    %mul3A_55 = arith.constant 0.0883883461 : f32
    %mul3A_56 = vector.broadcast %mul3A_55 : f32 to vector<1x4096xf32>
    %mul3A_57 = arith.mulf %add3A_54, %mul3A_56 : vector<1x4096xf32>
    %reduce_max3A = arith.constant dense<0xFF800000> : vector<1xf32>
    %reduce_max3A_58 = vector.multi_reduction <maximumf>, %mul3A_42, %reduce_max3A [1] : vector<1x4096xf32> to vector<1xf32>
    %broadcast_in_dim3A_59 = vector.shape_cast %reduce_max3A_58 : vector<1xf32> to vector<1x1xf32>
    %reduce_max3A_60 = arith.constant dense<0xFF800000> : vector<1xf32>
    %reduce_max3A_61 = vector.multi_reduction <maximumf>, %mul3A_57, %reduce_max3A_60 [1] : vector<1x4096xf32> to vector<1xf32>
    %broadcast_in_dim3A_62 = vector.shape_cast %reduce_max3A_61 : vector<1xf32> to vector<1x1xf32>
    %max3A = arith.maximumf %broadcast_in_dim3A_59, %broadcast_in_dim3A_62 : vector<1x1xf32>
    %sub3A_63 = vector.broadcast %max3A : vector<1x1xf32> to vector<1x4096xf32>
    %sub3A_64 = arith.subf %mul3A_42, %sub3A_63 : vector<1x4096xf32>
    %exp3A = math.exp %sub3A_64 : vector<1x4096xf32>
    %sub3A_65 = vector.broadcast %max3A : vector<1x1xf32> to vector<1x4096xf32>
    %sub3A_66 = arith.subf %mul3A_57, %sub3A_65 : vector<1x4096xf32>
    %exp3A_67 = math.exp %sub3A_66 : vector<1x4096xf32>
    %reduce_sum3A = arith.constant dense<0.000000e+00> : vector<1xf32>
    %reduce_sum3A_68 = vector.multi_reduction <add>, %exp3A, %reduce_sum3A [1] : vector<1x4096xf32> to vector<1xf32>
    %broadcast_in_dim3A_69 = vector.shape_cast %reduce_sum3A_68 : vector<1xf32> to vector<1x1xf32>
    %reduce_sum3A_70 = arith.constant dense<0.000000e+00> : vector<1xf32>
    %reduce_sum3A_71 = vector.multi_reduction <add>, %exp3A_67, %reduce_sum3A_70 [1] : vector<1x4096xf32> to vector<1xf32>
    %broadcast_in_dim3A_72 = vector.shape_cast %reduce_sum3A_71 : vector<1xf32> to vector<1x1xf32>
    %add3A_73 = arith.addf %broadcast_in_dim3A_69, %broadcast_in_dim3A_72 : vector<1x1xf32>
    %div3A = vector.broadcast %add3A_73 : vector<1x1xf32> to vector<1x4096xf32>
    %div3A_74 = arith.divf %exp3A, %div3A : vector<1x4096xf32>
    %div3A_75 = vector.broadcast %add3A_73 : vector<1x1xf32> to vector<1x4096xf32>
    %div3A_76 = arith.divf %exp3A_67, %div3A_75 : vector<1x4096xf32>
    %get3A_77 = arith.constant 0 : index
    %get3A_78 = arith.constant 0 : index
    %get3A_79 = arith.constant 0 : index
    %get3A_80 = vector.load %arg5[%get3A_77, %get3A_78, %get3A_79] : memref<1x4096x128xf32, #tpu.memory_space<vmem>>, vector<1x4096x128xf32>
    %get3A_81 = vector.shape_cast %get3A_80 : vector<1x4096x128xf32> to vector<4096x128xf32>
    %dot_general3A_82 = arith.constant dense<0.000000e+00> : vector<1x128xf32>
    %dot_general3A_83 = tpu.matmul %div3A_74, %get3A_81, %dot_general3A_82 {dimension_numbers = #tpu.dot_dimension_numbers<[1], [0], [0], [1], [0, 0, 1, 1], [], []>, transpose_lhs_hint = false} : vector<1x4096xf32>, vector<4096x128xf32>, vector<1x128xf32> -> vector<1x128xf32>
    %get3A_84 = arith.constant 0 : index
    %get3A_85 = arith.constant 0 : index
    %get3A_86 = arith.constant 0 : index
    %get3A_87 = vector.load %arg5[%get3A_84, %get3A_85, %get3A_86] : memref<1x4096x128xf32, #tpu.memory_space<vmem>>, vector<1x4096x128xf32>
    %get3A_88 = vector.shape_cast %get3A_87 : vector<1x4096x128xf32> to vector<4096x128xf32>
    %dot_general3A_89 = arith.constant dense<0.000000e+00> : vector<1x128xf32>
    %dot_general3A_90 = tpu.matmul %div3A_76, %get3A_88, %dot_general3A_89 {dimension_numbers = #tpu.dot_dimension_numbers<[1], [0], [0], [1], [0, 0, 1, 1], [], []>, transpose_lhs_hint = false} : vector<1x4096xf32>, vector<4096x128xf32>, vector<1x128xf32> -> vector<1x128xf32>
    %slice3A = vector.extract_strided_slice %dot_general3A_83 {offsets = [0, 0], sizes = [1, 64], strides = [1, 1]} : vector<1x128xf32> to vector<1x64xf32>
    %slice3A_91 = vector.extract_strided_slice %dot_general3A_90 {offsets = [0, 64], sizes = [1, 64], strides = [1, 1]} : vector<1x128xf32> to vector<1x64xf32>
    %add3A_92 = arith.addf %slice3A, %slice3A_91 : vector<1x64xf32>
    %swap3A = arith.constant 0 : index
    %swap3A_93 = arith.constant 0 : index
    %swap3A_94 = arith.constant 0 : index
    %swap3A_95 = vector.load %arg8[%swap3A, %swap3A_93, %swap3A_94] : memref<1x1x64xf32, #tpu.memory_space<vmem>>, vector<1x1x64xf32>
    %swap3A_96 = vector.shape_cast %swap3A_95 : vector<1x1x64xf32> to vector<1x64xf32>
    %swap3A_97 = vector.shape_cast %add3A_92 : vector<1x64xf32> to vector<1x1x64xf32>
    tpu.vector_store %arg8[%swap3A, %swap3A_93, %swap3A_94], %swap3A_97 {strides = array<i32>} : memref<1x1x64xf32, #tpu.memory_space<vmem>>, vector<1x1x64xf32>,
    return
  }
  func.func @transform_0(%arg0: i32) -> (i32, i32, i32) {
    %c0_i32 = arith.constant 0 : i32
    %c0_i32_0 = arith.constant 0 : i32
    %c0_i32_1 = arith.constant 0 : i32
    return %arg0, %c0_i32, %c0_i32_0 : i32, i32, i32
  }
  func.func @transform_1(%arg0: i32) -> (i32, i32, i32) {
    %c0_i32 = arith.constant 0 : i32
    %c0_i32_0 = arith.constant 0 : i32
    %c0_i32_1 = arith.constant 0 : i32
    return %arg0, %c0_i32, %c0_i32_0 : i32, i32, i32
  }
  func.func @transform_2(%arg0: i32) -> (i32, i32, i32) {
    %c0_i32 = arith.constant 0 : i32
    %c0_i32_0 = arith.constant 0 : i32
    %c0_i32_1 = arith.constant 0 : i32
    return %arg0, %c0_i32, %c0_i32_0 : i32, i32, i32
  }
  func.func @transform_3(%arg0: i32) -> (i32, i32, i32) {
    %c0_i32 = arith.constant 0 : i32
    %c0_i32_0 = arith.constant 0 : i32
    %c0_i32_1 = arith.constant 0 : i32
    return %arg0, %c0_i32, %c0_i32_0 : i32, i32, i32
  }
  func.func @transform_4(%arg0: i32) -> (i32, i32, i32) {
    %c0_i32 = arith.constant 0 : i32
    %c0_i32_0 = arith.constant 0 : i32
    %c0_i32_1 = arith.constant 0 : i32
    return %arg0, %c0_i32, %c0_i32_0 : i32, i32, i32
  }
  func.func @transform_5(%arg0: i32) -> (i32, i32, i32) {
    %c0_i32 = arith.constant 0 : i32
    %c0_i32_0 = arith.constant 0 : i32
    %c0_i32_1 = arith.constant 0 : i32
    return %arg0, %c0_i32, %c0_i32_0 : i32, i32, i32
  }
  func.func @transform_6(%arg0: i32) -> (i32, i32, i32) {
    %c0_i32 = arith.constant 0 : i32
    %c0_i32_0 = arith.constant 0 : i32
    %c0_i32_1 = arith.constant 0 : i32
    return %arg0, %c0_i32, %c0_i32_0 : i32, i32, i32
  }
  func.func @transform_7(%arg0: i32) -> (i32, i32, i32) {
    %c0_i32 = arith.constant 0 : i32
    %c0_i32_0 = arith.constant 0 : i32
    %c0_i32_1 = arith.constant 0 : i32
    return %arg0, %c0_i32, %c0_i32_0 : i32, i32, i32
  }
}

module attributes {stable_mosaic.version = 14 : i64} {
  func.func @body(%arg0: memref<32x128xf32, #tpu.memory_space<vmem>>, %arg1: memref<32x64xf32, #tpu.memory_space<vmem>>, %arg2: memref<1x128xf32, #tpu.memory_space<vmem>>, %arg3: memref<128x128xf32, #tpu.memory_space<vmem>>, %arg4: memref<1x128xf32, #tpu.memory_space<vmem>>, %arg5: memref<128x64xf32, #tpu.memory_space<vmem>>, %arg6: memref<128x128xf32, #tpu.memory_space<vmem>>, %arg7: memref<1008x128xf32, #tpu.memory_space<vmem>>, %arg8: memref<32x128xf32, #tpu.memory_space<vmem>>, %arg9: memref<32x64xf32, #tpu.memory_space<vmem>>, %arg10: memref<32x1008xf32, #tpu.memory_space<vmem>>, %arg11: memref<32x1xf32, #tpu.memory_space<vmem>>) attributes {dimension_semantics = [], scalar_prefetch = 0 : i64, scratch_operands = 0 : i64, tpu.core_type = #tpu.core_type<tc>} {
    %get3A = arith.constant 0 : index
    %get3A_0 = arith.constant 0 : index
    %get3A_1 = vector.load %arg1[%get3A, %get3A_0] : memref<32x64xf32, #tpu.memory_space<vmem>>, vector<32x64xf32>
    %get3A_2 = arith.constant 0 : index
    %get3A_3 = arith.constant 0 : index
    %get3A_4 = vector.load %arg5[%get3A_2, %get3A_3] : memref<128x64xf32, #tpu.memory_space<vmem>>, vector<128x64xf32>
    %dot_general3A = arith.constant dense<0.000000e+00> : vector<32x128xf32>
    %dot_general3A_5 = tpu.matmul %get3A_1, %get3A_4, %dot_general3A {dimension_numbers = #tpu.dot_dimension_numbers<[1], [1], [0], [0], [0, 0, 1, 0], [], []>, transpose_lhs_hint = false} : vector<32x64xf32>, vector<128x64xf32>, vector<32x128xf32> -> vector<32x128xf32>
    %get3A_6 = arith.constant 0 : index
    %get3A_7 = arith.constant 0 : index
    %get3A_8 = vector.load %arg2[%get3A_6, %get3A_7] : memref<1x128xf32, #tpu.memory_space<vmem>>, vector<1x128xf32>
    %add3A = vector.broadcast %get3A_8 : vector<1x128xf32> to vector<32x128xf32>
    %add3A_9 = arith.addf %dot_general3A_5, %add3A : vector<32x128xf32>
    %get3A_10 = arith.constant 0 : index
    %get3A_11 = arith.constant 0 : index
    %get3A_12 = vector.load %arg0[%get3A_10, %get3A_11] : memref<32x128xf32, #tpu.memory_space<vmem>>, vector<32x128xf32>
    %add3A_13 = arith.addf %get3A_12, %add3A_9 : vector<32x128xf32>
    %get3A_14 = arith.constant 0 : index
    %get3A_15 = arith.constant 0 : index
    %get3A_16 = vector.load %arg3[%get3A_14, %get3A_15] : memref<128x128xf32, #tpu.memory_space<vmem>>, vector<128x128xf32>
    %dot_general3A_17 = arith.constant dense<0.000000e+00> : vector<32x128xf32>
    %dot_general3A_18 = tpu.matmul %add3A_13, %get3A_16, %dot_general3A_17 {dimension_numbers = #tpu.dot_dimension_numbers<[1], [1], [0], [0], [0, 0, 1, 0], [], []>, transpose_lhs_hint = false} : vector<32x128xf32>, vector<128x128xf32>, vector<32x128xf32> -> vector<32x128xf32>
    %get3A_19 = arith.constant 0 : index
    %get3A_20 = arith.constant 0 : index
    %get3A_21 = vector.load %arg4[%get3A_19, %get3A_20] : memref<1x128xf32, #tpu.memory_space<vmem>>, vector<1x128xf32>
    %add3A_22 = vector.broadcast %get3A_21 : vector<1x128xf32> to vector<32x128xf32>
    %add3A_23 = arith.addf %dot_general3A_18, %add3A_22 : vector<32x128xf32>
    %swap3A = arith.constant 0 : index
    %swap3A_24 = arith.constant 0 : index
    %swap3A_25 = vector.load %arg8[%swap3A, %swap3A_24] : memref<32x128xf32, #tpu.memory_space<vmem>>, vector<32x128xf32>
    tpu.vector_store %arg8[%swap3A, %swap3A_24], %add3A_23 {strides = array<i32>} : memref<32x128xf32, #tpu.memory_space<vmem>>, vector<32x128xf32>,
    %get3A_26 = arith.constant 0 : index
    %get3A_27 = arith.constant 0 : index
    %get3A_28 = vector.load %arg5[%get3A_26, %get3A_27] : memref<128x64xf32, #tpu.memory_space<vmem>>, vector<128x64xf32>
    %dot_general3A_29 = arith.constant dense<0.000000e+00> : vector<32x64xf32>
    %dot_general3A_30 = tpu.matmul %add3A_23, %get3A_28, %dot_general3A_29 {dimension_numbers = #tpu.dot_dimension_numbers<[1], [0], [0], [1], [0, 0, 1, 1], [], []>, transpose_lhs_hint = false} : vector<32x128xf32>, vector<128x64xf32>, vector<32x64xf32> -> vector<32x64xf32>
    %swap3A_31 = arith.constant 0 : index
    %swap3A_32 = arith.constant 0 : index
    %swap3A_33 = vector.load %arg9[%swap3A_31, %swap3A_32] : memref<32x64xf32, #tpu.memory_space<vmem>>, vector<32x64xf32>
    tpu.vector_store %arg9[%swap3A_31, %swap3A_32], %dot_general3A_30 {strides = array<i32>} : memref<32x64xf32, #tpu.memory_space<vmem>>, vector<32x64xf32>,
    %get3A_34 = arith.constant 0 : index
    %get3A_35 = arith.constant 0 : index
    %get3A_36 = vector.load %arg6[%get3A_34, %get3A_35] : memref<128x128xf32, #tpu.memory_space<vmem>>, vector<128x128xf32>
    %dot_general3A_37 = arith.constant dense<0.000000e+00> : vector<32x128xf32>
    %dot_general3A_38 = tpu.matmul %add3A_23, %get3A_36, %dot_general3A_37 {dimension_numbers = #tpu.dot_dimension_numbers<[1], [0], [0], [1], [0, 0, 1, 1], [], []>, transpose_lhs_hint = false} : vector<32x128xf32>, vector<128x128xf32>, vector<32x128xf32> -> vector<32x128xf32>
    %get3A_39 = arith.constant 0 : index
    %get3A_40 = arith.constant 0 : index
    %get3A_41 = vector.load %arg7[%get3A_39, %get3A_40] : memref<1008x128xf32, #tpu.memory_space<vmem>>, vector<1008x128xf32>
    %dot_general3A_42 = arith.constant dense<0.000000e+00> : vector<32x1008xf32>
    %dot_general3A_43 = tpu.matmul %dot_general3A_38, %get3A_41, %dot_general3A_42 {dimension_numbers = #tpu.dot_dimension_numbers<[1], [1], [0], [0], [0, 0, 1, 0], [], []>, transpose_lhs_hint = false} : vector<32x128xf32>, vector<1008x128xf32>, vector<32x1008xf32> -> vector<32x1008xf32>
    %swap3A_44 = arith.constant 0 : index
    %swap3A_45 = arith.constant 0 : index
    %swap3A_46 = vector.load %arg10[%swap3A_44, %swap3A_45] : memref<32x1008xf32, #tpu.memory_space<vmem>>, vector<32x1008xf32>
    tpu.vector_store %arg10[%swap3A_44, %swap3A_45], %dot_general3A_43 {strides = array<i32>} : memref<32x1008xf32, #tpu.memory_space<vmem>>, vector<32x1008xf32>,
    %get3A_47 = arith.constant 0 : index
    %get3A_48 = arith.constant 0 : index
    %get3A_49 = vector.load %arg2[%get3A_47, %get3A_48] : memref<1x128xf32, #tpu.memory_space<vmem>>, vector<1x128xf32>
    %mul3A = vector.broadcast %get3A_49 : vector<1x128xf32> to vector<32x128xf32>
    %mul3A_50 = arith.mulf %add3A_23, %mul3A : vector<32x128xf32>
    %reduce_sum3A = arith.constant dense<0.000000e+00> : vector<32xf32>
    %reduce_sum3A_51 = vector.multi_reduction <add>, %mul3A_50, %reduce_sum3A [1] : vector<32x128xf32> to vector<32xf32>
    %broadcast_in_dim3A = vector.shape_cast %reduce_sum3A_51 : vector<32xf32> to vector<32x1xf32>
    %swap3A_52 = arith.constant 0 : index
    %swap3A_53 = arith.constant 0 : index
    %swap3A_54 = vector.load %arg11[%swap3A_52, %swap3A_53] : memref<32x1xf32, #tpu.memory_space<vmem>>, vector<32x1xf32>
    tpu.vector_store %arg11[%swap3A_52, %swap3A_53], %broadcast_in_dim3A {strides = array<i32>} : memref<32x1xf32, #tpu.memory_space<vmem>>, vector<32x1xf32>,
    return
  }
}

module attributes {stable_mosaic.version = 14 : i64} {
  func.func @body(%arg0: i32, %arg1: memref<1x1x128xf32, #tpu.memory_space<vmem>>, %arg2: memref<1x1x64xf32, #tpu.memory_space<vmem>>, %arg3: memref<1x128xf32, #tpu.memory_space<vmem>>, %arg4: memref<128x128xf32, #tpu.memory_space<vmem>>, %arg5: memref<1x128xf32, #tpu.memory_space<vmem>>, %arg6: memref<128x64xf32, #tpu.memory_space<vmem>>, %arg7: memref<1x1000x128xf32, #tpu.memory_space<vmem>>, %arg8: memref<1x1x2000xi32, #tpu.memory_space<vmem>>, %arg9: memref<1x1x2000xf32, #tpu.memory_space<vmem>>) attributes {dimension_semantics = [#tpu.dimension_semantics<arbitrary>], iteration_bounds = array<i64: 32>, scalar_prefetch = 0 : i64, scratch_operands = 0 : i64, tpu.core_type = #tpu.core_type<tc>, window_params = [{transform_indices = @transform_0, window_bounds = array<i64: 1, 1, 128>}, {transform_indices = @transform_1, window_bounds = array<i64: 1, 1, 64>}, {pipeline_mode = #tpu.pipeline_mode<synchronous>, transform_indices = @transform_2, window_bounds = array<i64: 1, 128>}, {pipeline_mode = #tpu.pipeline_mode<synchronous>, transform_indices = @transform_3, window_bounds = array<i64: 128, 128>}, {pipeline_mode = #tpu.pipeline_mode<synchronous>, transform_indices = @transform_4, window_bounds = array<i64: 1, 128>}, {pipeline_mode = #tpu.pipeline_mode<synchronous>, transform_indices = @transform_5, window_bounds = array<i64: 128, 64>}, {transform_indices = @transform_6, window_bounds = array<i64: 1, 1000, 128>}, {transform_indices = @transform_7, window_bounds = array<i64: 1, 1, 2000>}, {transform_indices = @transform_8, window_bounds = array<i64: 1, 1, 2000>}]} {
    %get3A = arith.constant 0 : index
    %get3A_0 = arith.constant 0 : index
    %get3A_1 = arith.constant 0 : index
    %get3A_2 = vector.load %arg2[%get3A, %get3A_0, %get3A_1] : memref<1x1x64xf32, #tpu.memory_space<vmem>>, vector<1x1x64xf32>
    %get3A_3 = vector.shape_cast %get3A_2 : vector<1x1x64xf32> to vector<1x64xf32>
    %get3A_4 = arith.constant 0 : index
    %get3A_5 = arith.constant 0 : index
    %get3A_6 = vector.load %arg6[%get3A_4, %get3A_5] : memref<128x64xf32, #tpu.memory_space<vmem>>, vector<128x64xf32>
    %dot_general3A = arith.constant dense<0.000000e+00> : vector<1x128xf32>
    %dot_general3A_7 = tpu.matmul %get3A_3, %get3A_6, %dot_general3A {dimension_numbers = #tpu.dot_dimension_numbers<[1], [1], [0], [0], [0, 0, 1, 0], [], []>, transpose_lhs_hint = false} : vector<1x64xf32>, vector<128x64xf32>, vector<1x128xf32> -> vector<1x128xf32>
    %get3A_8 = arith.constant 0 : index
    %get3A_9 = arith.constant 0 : index
    %get3A_10 = vector.load %arg3[%get3A_8, %get3A_9] : memref<1x128xf32, #tpu.memory_space<vmem>>, vector<1x128xf32>
    %add3A = arith.addf %dot_general3A_7, %get3A_10 : vector<1x128xf32>
    %get3A_11 = arith.constant 0 : index
    %get3A_12 = arith.constant 0 : index
    %get3A_13 = arith.constant 0 : index
    %get3A_14 = vector.load %arg1[%get3A_11, %get3A_12, %get3A_13] : memref<1x1x128xf32, #tpu.memory_space<vmem>>, vector<1x1x128xf32>
    %get3A_15 = vector.shape_cast %get3A_14 : vector<1x1x128xf32> to vector<1x128xf32>
    %add3A_16 = arith.addf %get3A_15, %add3A : vector<1x128xf32>
    %get3A_17 = arith.constant 0 : index
    %get3A_18 = arith.constant 0 : index
    %get3A_19 = vector.load %arg4[%get3A_17, %get3A_18] : memref<128x128xf32, #tpu.memory_space<vmem>>, vector<128x128xf32>
    %dot_general3A_20 = arith.constant dense<0.000000e+00> : vector<1x128xf32>
    %dot_general3A_21 = tpu.matmul %add3A_16, %get3A_19, %dot_general3A_20 {dimension_numbers = #tpu.dot_dimension_numbers<[1], [1], [0], [0], [0, 0, 1, 0], [], []>, transpose_lhs_hint = false} : vector<1x128xf32>, vector<128x128xf32>, vector<1x128xf32> -> vector<1x128xf32>
    %get3A_22 = arith.constant 0 : index
    %get3A_23 = arith.constant 0 : index
    %get3A_24 = vector.load %arg5[%get3A_22, %get3A_23] : memref<1x128xf32, #tpu.memory_space<vmem>>, vector<1x128xf32>
    %add3A_25 = arith.addf %dot_general3A_21, %get3A_24 : vector<1x128xf32>
    %get3A_26 = arith.constant 0 : index
    %get3A_27 = arith.constant 0 : index
    %get3A_28 = vector.load %arg6[%get3A_26, %get3A_27] : memref<128x64xf32, #tpu.memory_space<vmem>>, vector<128x64xf32>
    %dot_general3A_29 = arith.constant dense<0.000000e+00> : vector<1x64xf32>
    %dot_general3A_30 = tpu.matmul %add3A_25, %get3A_28, %dot_general3A_29 {dimension_numbers = #tpu.dot_dimension_numbers<[1], [0], [0], [1], [0, 0, 1, 1], [], []>, transpose_lhs_hint = false} : vector<1x128xf32>, vector<128x64xf32>, vector<1x64xf32> -> vector<1x64xf32>
    %get3A_31 = arith.constant 0 : index
    %get3A_32 = arith.constant 0 : index
    %get3A_33 = vector.load %arg3[%get3A_31, %get3A_32] : memref<1x128xf32, #tpu.memory_space<vmem>>, vector<1x128xf32>
    %mul3A = arith.mulf %add3A_25, %get3A_33 : vector<1x128xf32>
    %reduce_sum3A = arith.constant dense<0.000000e+00> : vector<1xf32>
    %reduce_sum3A_34 = vector.multi_reduction <add>, %mul3A, %reduce_sum3A [1] : vector<1x128xf32> to vector<1xf32>
    %broadcast_in_dim3A = vector.shape_cast %reduce_sum3A_34 : vector<1xf32> to vector<1x1xf32>
    %broadcast_in_dim3A_35 = arith.constant 0.000000e+00 : f32
    %broadcast_in_dim3A_36 = vector.broadcast %broadcast_in_dim3A_35 : f32 to vector<1x64xf32>
    %concatenate3A = tpu.concatenate %dot_general3A_30, %broadcast_in_dim3A_36 in 1 : vector<1x64xf32>, vector<1x64xf32> -> vector<1x128xf32>
    %concatenate3A_37 = tpu.concatenate %broadcast_in_dim3A_36, %dot_general3A_30 in 1 : vector<1x64xf32>, vector<1x64xf32> -> vector<1x128xf32>
    %get3A_38 = arith.constant 0 : index
    %get3A_39 = arith.constant 0 : index
    %get3A_40 = arith.constant 0 : index
    %get3A_41 = vector.load %arg7[%get3A_38, %get3A_39, %get3A_40] : memref<1x1000x128xf32, #tpu.memory_space<vmem>>, vector<1x1000x128xf32>
    %get3A_42 = vector.shape_cast %get3A_41 : vector<1x1000x128xf32> to vector<1000x128xf32>
    %dot_general3A_43 = arith.constant dense<0.000000e+00> : vector<1x1000xf32>
    %dot_general3A_44 = tpu.matmul %concatenate3A, %get3A_42, %dot_general3A_43 {dimension_numbers = #tpu.dot_dimension_numbers<[1], [1], [0], [0], [0, 0, 1, 0], [], []>, transpose_lhs_hint = false} : vector<1x128xf32>, vector<1000x128xf32>, vector<1x1000xf32> -> vector<1x1000xf32>
    %get3A_45 = arith.constant 0 : index
    %get3A_46 = arith.constant 0 : index
    %get3A_47 = arith.constant 0 : index
    %get3A_48 = vector.load %arg7[%get3A_45, %get3A_46, %get3A_47] : memref<1x1000x128xf32, #tpu.memory_space<vmem>>, vector<1x1000x128xf32>
    %get3A_49 = vector.shape_cast %get3A_48 : vector<1x1000x128xf32> to vector<1000x128xf32>
    %dot_general3A_50 = arith.constant dense<0.000000e+00> : vector<1x1000xf32>
    %dot_general3A_51 = tpu.matmul %concatenate3A_37, %get3A_49, %dot_general3A_50 {dimension_numbers = #tpu.dot_dimension_numbers<[1], [1], [0], [0], [0, 0, 1, 0], [], []>, transpose_lhs_hint = false} : vector<1x128xf32>, vector<1000x128xf32>, vector<1x1000xf32> -> vector<1x1000xf32>
    %concatenate3A_52 = tpu.concatenate %dot_general3A_44, %dot_general3A_51 in 1 : vector<1x1000xf32>, vector<1x1000xf32> -> vector<1x2000xf32>
    %add3A_53 = vector.broadcast %broadcast_in_dim3A : vector<1x1xf32> to vector<1x2000xf32>
    %add3A_54 = arith.addf %concatenate3A_52, %add3A_53 : vector<1x2000xf32>
    %get3A_55 = arith.constant 0 : index
    %get3A_56 = arith.constant 0 : index
    %get3A_57 = arith.constant 0 : index
    %get3A_58 = vector.load %arg8[%get3A_55, %get3A_56, %get3A_57] : memref<1x1x2000xi32, #tpu.memory_space<vmem>>, vector<1x1x2000xi32>
    %get3A_59 = vector.shape_cast %get3A_58 : vector<1x1x2000xi32> to vector<1x2000xi32>
    %ne3A = arith.constant 100000 : i32
    %ne3A_60 = vector.broadcast %ne3A : i32 to vector<1x2000xi32>
    %ne3A_61 = arith.cmpi ne, %get3A_59, %ne3A_60 : vector<1x2000xi32>
    %convert_element_type3A = arith.extui %ne3A_61 : vector<1x2000xi1> to vector<1x2000xi32>
    %convert_element_type3A_62 = arith.sitofp %convert_element_type3A : vector<1x2000xi32> to vector<1x2000xf32>
    %sub3A = arith.constant 1.000000e+00 : f32
    %sub3A_63 = vector.broadcast %sub3A : f32 to vector<1x2000xf32>
    %sub3A_64 = arith.subf %sub3A_63, %convert_element_type3A_62 : vector<1x2000xf32>
    %mul3A_65 = arith.constant -9.99999979E+10 : f32
    %mul3A_66 = vector.broadcast %mul3A_65 : f32 to vector<1x2000xf32>
    %mul3A_67 = arith.mulf %sub3A_64, %mul3A_66 : vector<1x2000xf32>
    %add3A_68 = arith.addf %add3A_54, %mul3A_67 : vector<1x2000xf32>
    %swap3A = arith.constant 0 : index
    %swap3A_69 = arith.constant 0 : index
    %swap3A_70 = arith.constant 0 : index
    %swap3A_71 = vector.load %arg9[%swap3A, %swap3A_69, %swap3A_70] : memref<1x1x2000xf32, #tpu.memory_space<vmem>>, vector<1x1x2000xf32>
    %swap3A_72 = vector.shape_cast %swap3A_71 : vector<1x1x2000xf32> to vector<1x2000xf32>
    %swap3A_73 = vector.shape_cast %add3A_68 : vector<1x2000xf32> to vector<1x1x2000xf32>
    tpu.vector_store %arg9[%swap3A, %swap3A_69, %swap3A_70], %swap3A_73 {strides = array<i32>} : memref<1x1x2000xf32, #tpu.memory_space<vmem>>, vector<1x1x2000xf32>,
    return
  }
  func.func @transform_0(%arg0: i32) -> (i32, i32, i32) {
    %c0_i32 = arith.constant 0 : i32
    %c0_i32_0 = arith.constant 0 : i32
    %c0_i32_1 = arith.constant 0 : i32
    return %arg0, %c0_i32, %c0_i32_0 : i32, i32, i32
  }
  func.func @transform_1(%arg0: i32) -> (i32, i32, i32) {
    %c0_i32 = arith.constant 0 : i32
    %c0_i32_0 = arith.constant 0 : i32
    %c0_i32_1 = arith.constant 0 : i32
    return %arg0, %c0_i32, %c0_i32_0 : i32, i32, i32
  }
  func.func @transform_2(%arg0: i32) -> (i32, i32) {
    %c0_i32 = arith.constant 0 : i32
    %c0_i32_0 = arith.constant 0 : i32
    %c0_i32_1 = arith.constant 0 : i32
    return %c0_i32, %c0_i32_0 : i32, i32
  }
  func.func @transform_3(%arg0: i32) -> (i32, i32) {
    %c0_i32 = arith.constant 0 : i32
    %c0_i32_0 = arith.constant 0 : i32
    %c0_i32_1 = arith.constant 0 : i32
    return %c0_i32, %c0_i32_0 : i32, i32
  }
  func.func @transform_4(%arg0: i32) -> (i32, i32) {
    %c0_i32 = arith.constant 0 : i32
    %c0_i32_0 = arith.constant 0 : i32
    %c0_i32_1 = arith.constant 0 : i32
    return %c0_i32, %c0_i32_0 : i32, i32
  }
  func.func @transform_5(%arg0: i32) -> (i32, i32) {
    %c0_i32 = arith.constant 0 : i32
    %c0_i32_0 = arith.constant 0 : i32
    %c0_i32_1 = arith.constant 0 : i32
    return %c0_i32, %c0_i32_0 : i32, i32
  }
  func.func @transform_6(%arg0: i32) -> (i32, i32, i32) {
    %c0_i32 = arith.constant 0 : i32
    %c0_i32_0 = arith.constant 0 : i32
    %c0_i32_1 = arith.constant 0 : i32
    return %arg0, %c0_i32, %c0_i32_0 : i32, i32, i32
  }
  func.func @transform_7(%arg0: i32) -> (i32, i32, i32) {
    %c0_i32 = arith.constant 0 : i32
    %c0_i32_0 = arith.constant 0 : i32
    %c0_i32_1 = arith.constant 0 : i32
    return %arg0, %c0_i32, %c0_i32_0 : i32, i32, i32
  }
  func.func @transform_8(%arg0: i32) -> (i32, i32, i32) {
    %c0_i32 = arith.constant 0 : i32
    %c0_i32_0 = arith.constant 0 : i32
    %c0_i32_1 = arith.constant 0 : i32
    return %arg0, %c0_i32, %c0_i32_0 : i32, i32, i32
  }
}

</mosaic_0001>

<sc_bundles>
// kernel: kernel.10.cloned.1.call-start
scs
__scs_entry_jumppad:
0x0: {  	(pc) =	sbr.rel $0x88, $3  }
0x1: {  	(tag) =	ssettag $0x0;
	lr =	simm.s32 $0x1  }
0x2: {  	[smem:$0x3F8F] =	sst lr;
	_ =	strace $0xD0000000  }
0x3: {  	_ = 	snop  }
0x4: {  	_ = 	snop  }
0x5: {  	_ = 	snop  }
0x6: {  	_ = 	snop  }
0x7: {  	_ = 	snop  }
__scs_overlays_trampoline_lowered:
0x8: {  	[smem:$0x3F9E] =	sst s0  }
0x9: {  	[smem:$0x3F9F] =	sst s1  }
0xa: {  	[smem:$0x3FA0] =	sst s2  }
0xb: {  	[smem:$0x3FA1] =	sst s3  }
0xc: {  	[smem:$0x3FA2] =	sst s4  }
0xd: {  	[smem:$0x3FA3] =	sst s5  }
0xe: {  	[smem:$0x3FA4] =	sst s6  }
0xf: {  	[smem:$0x3FA5] =	sst s7  }
0x10: {  	[smem:$0x3FA6] =	sst s8  }
0x11: {  	[smem:$0x3FA7] =	sst s9;
	s0 =	simm.s32 @!p0 $0x0  }
0x12: {  	s1 =	sld [smem:$0x3F8D];
	s0 =	simm.s32 @p0 $0x1  }
0x13: {  	[smem:$0x3FA8] =	sst s0;
	s0 =	simm.s32 @!p1 $0x0  }
0x14: {  	s2 =	sld [smem:$0x3F8C];
	s0 =	simm.s32 @p1 $0x1  }
0x15: {  	[smem:$0x3FA9] =	sst s0;
	s0 =	simm.s32 @!p2 $0x0  }
0x16: {  	s3 =	sld [smem:$0x3FDB];
	s0 =	simm.s32 @p2 $0x1  }
0x17: {  	s4 =	simm.s32 $0x1BF5;
	[smem:$0x3FAB] =	sst s0  }
0x18: {  	s0 =	sld [smem:$0x3F8E];
	_ =	swait.ge [sflag:s4], $0x0  }
0x19: {  	s7 =	sld [smem:$0x3F8F]  }
0x1a: {  	s8 =	sadd.s32 $0xFFFFE003, lr  }
0x1b: {  	s9 =	sadd.s32 $0xFFFFFEF7, lr;
	s5 =	simm.s32 $0xFFFFFFFF;
	p2 =	slt.u32 s8, $0xFFFFF086  }
0x1c: {  	p1 =	slt.u32 s9, $0xF7A;
	s5 =	simm.s32 @!p2 $0x0  }
0x1d: {  	s5 =	simm.s32 @p1 $0x1;
	p0 =	seq.s32 s7, s2  }
0x1e: {  	s7 =	smul.u32 @!p0 $0xF7A, s2;
	p2 =	seq.s32 @!p0 s5, $0x0  }
0x1f: {  	s9 =	smul.u32 $0xF7A, s1;
	s8 =	simm.s32 @!p0 $0x1BF5;
	p2 =	por !p2, p0  }
0x20: {  	[sflag:s8] =	ssyncset.s32 @!p0 $0xFFFFF086;
	s6 =	sadd.s32 @!p0 s3, s7;
	s7 =	simm.s32 @!p0 $0x108  }
0x21: {  	s3 =	sadd.s32 s3, s9;
	s6 =	sadd.s32 @!p0 $0x88, s6;
	s7 =	simm.s32 @p2 $0x1082  }
0x22: {  	[simem:s7], [sflag:s8] =	dma.local @!p0 [hbm:s6], $0xF7A  }
0x23: {  	s9 =	sor.u32 $0xD0000000, s2;
	s6 =	simm.s32 $0x108;
	_ =	swait.ge @!p0 [sflag:s8], $0x0  }
0x24: {  	s3 =	sadd.s32 $0x88, s3;
	s6 =	simm.s32 @!p1 $0x1082;
	[sflag:s4] =	ssyncset.s32 $0xFFFFF086  }
0x25: {  	[simem:s6], [sflag:s4] =	dma.local [hbm:s3], $0xF7A  }
0x26: {  	[smem:$0x3F8F] =	sst s1;
	(tag) =	ssettag s2;
	_ =	strace s9  }
0x27: {  	s1 =	sld [smem:$0x3F9F]  }
0x28: {  	s2 =	sld [smem:$0x3FA0]  }
0x29: {  	s4 =	sld [smem:$0x3FA2]  }
0x2a: {  	p0 =	seq.s32 s5, $0x0;
	s5 =	sld [smem:$0x3FA3]  }
0x2b: {  	s6 =	sld [smem:$0x3FA4]  }
0x2c: {  	s7 =	sld [smem:$0x3FA5]  }
0x2d: {  	s3 =	simm.s32 $0x108;
	s8 =	sld [smem:$0x3FA6]  }
0x2e: {  	s3 =	simm.s32 @!p0 $0x1082;
	s9 =	sld [smem:$0x3FA7]  }
0x2f: {  	lr =	sadd.s32 s0, s3;
	s0 =	sld [smem:$0x3F9E]  }
0x30: {  	s3 =	sld [smem:$0x3FA1]  }
0x31: {  	[smem:$0x3FAA] =	sst s10  }
0x32: {  	s10 =	sld [smem:$0x3FA8];
	_ =	sdelay $0x3  }
0x33: {  	p0 =	seq.s32 s10, $0x1;
	s10 =	sld [smem:$0x3FAA];
	_ =	sdelay $0x3  }
0x34: {  	[smem:$0x3FAA] =	sst s10  }
0x35: {  	s10 =	sld [smem:$0x3FA9];
	_ =	sdelay $0x3  }
0x36: {  	p1 =	seq.s32 s10, $0x1;
	s10 =	sld [smem:$0x3FAA];
	_ =	sdelay $0x3  }
0x37: {  	[smem:$0x3FAA] =	sst s10  }
0x38: {  	s10 =	sld [smem:$0x3FAB]  }
0x39: {  	_ = 	snop;
	(pc) =	sbr.ind lr, $3  }
0x3a: {  	_ = 	snop  }
0x3b: {  	_ = 	snop  }
0x3c: {  	p2 =	seq.s32 s10, $0x1;
	s10 =	sld [smem:$0x3FAA]  }
0x3d: {  	_ =	shalt  }
0x3e: {  	_ =	shalt  }
0x3f: {  	_ =	shalt  }
0x40: {  	_ =	shalt  }
0x41: {  	_ =	shalt  }
0x42: {  	_ =	shalt  }
0x43: {  	_ =	shalt  }
0x44: {  	_ =	shalt  }
0x45: {  	_ =	shalt  }
0x46: {  	_ =	shalt  }
0x47: {  	_ =	shalt  }
0x48: {  	_ =	shalt  }
0x49: {  	_ =	shalt  }
0x4a: {  	_ =	shalt  }
0x4b: {  	_ =	shalt  }
0x4c: {  	_ =	shalt  }
0x4d: {  	_ =	shalt  }
0x4e: {  	_ =	shalt  }
0x4f: {  	_ =	shalt  }
0x50: {  	_ =	shalt  }
0x51: {  	_ =	shalt  }
0x52: {  	_ =	shalt  }
0x53: {  	_ =	shalt  }
0x54: {  	_ =	shalt  }
0x55: {  	_ =	shalt  }
0x56: {  	_ =	shalt  }
0x57: {  	_ =	shalt  }
0x58: {  	_ =	shalt  }
0x59: {  	_ =	shalt  }
0x5a: {  	_ =	shalt  }
0x5b: {  	_ =	shalt  }
0x5c: {  	_ =	shalt  }
0x5d: {  	_ =	shalt  }
0x5e: {  	_ =	shalt  }
0x5f: {  	_ =	shalt  }
0x60: {  	_ =	shalt  }
0x61: {  	_ =	shalt  }
0x62: {  	_ =	shalt  }
0x63: {  	_ =	shalt  }
0x64: {  	_ =	shalt  }
0x65: {  	_ =	shalt  }
0x66: {  	_ =	shalt  }
0x67: {  	_ =	shalt  }
0x68: {  	_ =	shalt  }
0x69: {  	_ =	shalt  }
0x6a: {  	_ =	shalt  }
0x6b: {  	_ =	shalt  }
0x6c: {  	_ =	shalt  }
0x6d: {  	_ =	shalt  }
0x6e: {  	_ =	shalt  }
0x6f: {  	_ =	shalt  }
0x70: {  	_ =	shalt  }
0x71: {  	_ =	shalt  }
0x72: {  	_ =	shalt  }
0x73: {  	_ =	shalt  }
0x74: {  	_ =	shalt  }
0x75: {  	_ =	shalt  }
0x76: {  	_ =	shalt  }
0x77: {  	_ =	shalt  }
0x78: {  	_ =	shalt  }
0x79: {  	_ =	shalt  }
0x7a: {  	_ =	shalt  }
0x7b: {  	_ =	shalt  }
0x7c: {  	_ =	shalt  }
0x7d: {  	_ =	shalt  }
0x7e: {  	_ =	shalt  }
0x7f: {  	_ =	shalt  }
0x80: {  	_ =	shalt  }
0x81: {  	_ =	shalt  }
0x82: {  	_ =	shalt  }
0x83: {  	_ =	shalt  }
0x84: {  	_ =	shalt  }
0x85: {  	_ =	shalt  }
0x86: {  	_ =	shalt  }
0x87: {  	_ =	shalt  }
.Lfunc_end0:
.L_simem_size_0:
called_computation_lowered:
.L_overlay_start_0:
0x88: {  	s2 =	sld [smem:$0x3FD9]  }
0x89: {  	s3 =	sld [smem:$0x3FFE];
	_ =	sdelay $0x1  }
0x8a: {  	s1 =	srdreg.scid  }
0x8b: {  	s0 =	sand.u32 $0x1, s1  }
0x8c: {  	s17 =	sshll.u32 s0, $0xA;
	s2 =	sadd.s32 s3, s2  }
0x8d: {  	s2 =	sadd.s32 s2, s17  }
0x8e: {  	[smem:$0x3FB6] =	sst s2  }
0x8f: {  	_ = 	snop  }
0x90: {  	s2 =	sld [smem:$0x3FD0];
	(tm) =	ssettm $0x1  }
0x91: {  	s18 =	sld [smem:$0x3FFB];
	_ =	sdelay $0x3  }
0x92: {  	_ =	strace s18  }
0x93: {  	s3 =	sld [smem:$0x3FFC];
	_ =	sdelay $0x3  }
0x94: {  	_ =	strace s3  }
0x95: {  	s3 =	sld [smem:$0x3FFD];
	_ =	sdelay $0x3  }
0x96: {  	_ =	strace s3  }
0x97: {  	_ =	strace $0x8FFFFFFF  }
0x98: {  	s19 =	sld [smem:$0x3FDB];
	_ =	sdelay $0x1  }
0x99: {  	s4 =	simm.s32 $_scs_section_size  }
0x9a: {  	s5 =	simm.s32 $_size__tile_overlayer_lowered;
	s6 =	simm.s32 $_tile_overlayer_lowered  }
0x9b: {  	s22 =	simm.s32 $0x1BFF;
	s21 =	sshll.u32 s6, $0x1;
	s3 =	sadd.s32 s4, s19  }
0x9c: {  	s7 =	simm.s32 $0x0;
	s20 =	sshll.u32 s5, $0x1;
	s5 =	sadd.s32 s21, s3  }
0x9d: {  	[timem:s7], [sflag:s22] =	dma.local [hbm:s5], s20  }
0x9e: {  	_ =	swait.ge [sflag:s22], s20  }
0x9f: {  	s4 =	ssub.s32 $0x0, s20;
	[sflag:s22] =	ssyncset.done $0x0  }
0xa0: {  	[sflag:s22] =	ssyncadd.s32 s4;
	_ =	sdelay $0x1  }
0xa1: {  	s23 =	simm.s32 $0x1B8B  }
0xa2: {  	_ =	swait.ge [sflag:s23], $0x1  }
0xa3: {  	[sflag:s23] =	ssyncset.done $0x0  }
0xa4: {  	s25 =	simm.s32 $0x1B8E;
	s24 =	sld [smem:$0x3FFE];
	[sflag:s23] =	ssyncadd.s32 $0xFFFFFFFF  }
0xa5: {  	s26 =	simm.s32 $execute0_lowered;
	[smem:$0x3FD2] =	sst s25  }
0xa6: {  	s5 =	sshll.u32 s26, $0x1;
	_ =	strace $0x80000046;
	[dreg:$0x1] =	wrdreg $0xFFFFFFFF  }
0xa7: {  	s28 =	simm.s32 $_size_execute0_lowered;
	s3 =	sadd.s32 s3, s5;
	[dreg:$0x0] =	wrdreg $0x0  }
0xa8: {  	s5 =	sshll.u32 s28, $0x1;
	[dreg:$0x2] =	wrdreg s3  }
0xa9: {  	[dreg:$0x3] =	wrdreg s5  }
0xaa: {  	[dreg:$0x4] =	wrdreg $0xC0  }
0xab: {  	_ =	task [dreg:s7], $0x5FFFF  }
0xac: {  	[dreg:$0x1] =	wrdreg $0xFFFFFFFF  }
0xad: {  	[dreg:$0x0] =	wrdreg $0x60  }
0xae: {  	[dreg:$0x2] =	wrdreg s24  }
0xaf: {  	[dreg:$0x3] =	wrdreg s2  }
0xb0: {  	[dreg:$0x4] =	wrdreg $0x9  }
0xb1: {  	_ =	task.clear_ibuf [dreg:s7], $0x5FFFF;
	_ =	strace $0x90000046  }
0xb2: {  	s29 =	simm.s32 $0x9;
	_ =	strace $0x80000048  }
0xb3: {  	_ =	swait.ge [sflag:s29], $0x1  }
0xb4: {  	[sflag:s29] =	ssyncadd.s32 $0xFFFFFFFF  }
0xb5: {  	_ =	strace $0x90000048  }
0xb6: {  	_ =	sfence  }
0xb7: {  	s30 =	sld [smem:$0x0];
	_ =	sdelay $0x2  }
0xb8: {  	s31 =	sshll.u32 s1, $0xD;
	s1 =	sshrl.u32 s1, $0x2  }
0xb9: {  	s3 =	sand.u32 $0x4000, s31;
	s1 =	sadd.s32 s1, s30  }
0xba: {  	s0 =	sor.u32 s3, s0;
	s1 =	sshll.u32 s1, $0x11  }
0xbb: {  	s0 =	sor.u32 s1, s0  }
0xbc: {  	s0 =	sadd.s32 $0x8F2B, s0  }
0xbd: {  	[sflag:s0] =	ssyncadd.remote.s32 $0x1  }
0xbe: {  	_ =	sfence.sel $0xFFFF  }
0xbf: {  	[dreg:$0x0] =	wrdreg $0xFFFFFFFF;
	(pc) =	sbr.abs _section_cstart, $3  }
0xc0: {  	[dreg:$0x1] =	wrdreg $0xFFFFFFFF  }
0xc1: {  	_ =	task.clear_ibuf [dreg:s7], $0x2FFFF;
	_ =	strace $0x9FFFFFFF  }
0xc2: {  	(tm) =	ssettm $0x7FFFFFFF  }
0xc3: {  	_ =	shalt  }
tec
execute0_lowered:
.L_overlay_start_1:
0x0: {  	(tag) =	ssettag $0x1  }
0x1: {  	s6 =	rddreg [dreg:$0x0];
	s0 =	srdreg.scid  }
0x2: {  	s26 =	stileid.u32;
	s7 =	rddreg [dreg:$0x1];
	s2 =	simm.s32 $0x0  }
0x3: {  	s28 =	simm.s32 $0x10000;
	s29 =	simm.s32 $0x1;
	s30 =	simm.s32 $0x2  }
0x4: {  	s31 =	simm.s32 $0x50;
	s1 =	sand.u32 $0x1, s0;
	s16 =	sshll.u32 s26, $0x1  }
0x5: {  	[smem:$0x7FF] =	sst s2;
	s3 =	sadd.s32 $0x18B200, s6;
	s8 =	sor.u32 s1, s16  }
0x6: {  	s17 =	sadd.s32 $0x4600, s6;
	s5 =	sadd.s32 $0x77800, s6;
	s4 =	smul.u32 $0x5, s8  }
0x7: {  	p0 =	sgt.u32 s26, $0x7;
	_ =	strace $0x80000047;
	s11 =	smul.u32 $0x140, s8  }
0x8: {  	[dreg:$0x16] =	wrdreg s17;
	s12 =	ssub.s32 $0x2, s1;
	s14 =	smul.u32 $0x7D0, s8  }
0x9: {  	s0 =	sshll.u32 s8, $0xA;
	s13 =	sshrl.u32 s12, $0x1;
	s20 =	smul.u32 $0x1F400, s8  }
0xa: {  	s9 =	sadd.s32 s0, s6;
	s0 =	sadd.s32 $0x44E800, s6;
	s12 =	ssub.s32 s12, s13  }
0xb: {  	s13 =	sshll.u32 s1, $0x10;
	s10 =	sadd.s32 s4, s6;
	s4 =	sadd.s32 $0x24E800, s6  }
0xc: {  	s6 =	sadd.s32 s11, s6;
	s18 =	sadd.s32 $0x6E200, s9;
	s9 =	sadd.s32 $0x66200, s9  }
0xd: {  	s19 =	sshrl.u32 s14, $0x3;
	s21 =	sshrl.u32 s20, $0x3;
	[dreg:$0x17] =	wrdreg s18  }
0xe: {  	s12 =	smax.u32 s12, $0x1;
	[dreg:$0x18] =	wrdreg s9;
	s7 =	sadd.s32 s7, s19  }
0xf: {  	s9 =	sadd.s32 s5, s21;
	[dreg:$0x19] =	wrdreg s7;
	s7 =	sshll.u32 s26, $0x11  }
0x10: {  	s10 =	sadd.s32 $0x76200, s10;
	s9 =	sadd.s32 $0x3C00, s9;
	s22 =	sadd.s32 s7, s4  }
0x11: {  	s14 =	sor.u32 s13, s7;
	s7 =	sadd.s32 s7, s0;
	s11 =	sadd.s32 s13, s22  }
0x12: {  	s15 =	sor.u32 $0x1C00, s14;
	s7 =	sadd.s32 s13, s7;
	[dreg:$0x3] =	wrdreg s11  }
0x13: {  	s16 =	sor.u32 $0x1800, s14;
	s23 =	sadd.s32 s15, s4;
	[dreg:$0x9] =	wrdreg s7  }
0x14: {  	s17 =	sor.u32 $0x1400, s14;
	s24 =	sadd.s32 s16, s4;
	[dreg:$0x4] =	wrdreg s23  }
0x15: {  	s18 =	sor.u32 $0x1000, s14;
	s25 =	sadd.s32 s17, s4;
	[dreg:$0x5] =	wrdreg s24  }
0x16: {  	s19 =	sor.u32 $0xC00, s14;
	s8 =	sadd.s32 s18, s4;
	[dreg:$0x6] =	wrdreg s25  }
0x17: {  	s20 =	sadd.s32 s19, s4;
	s21 =	sadd.s32 s15, s0;
	[dreg:$0x7] =	wrdreg s8  }
0x18: {  	s22 =	sadd.s32 s16, s0;
	s16 =	smul.u32 $0x7D00, s26;
	[dreg:$0x8] =	wrdreg s20  }
0x19: {  	s11 =	sadd.s32 $0x76400, s6;
	[dreg:$0xa] =	wrdreg s21;
	s23 =	smul.u32 $0xFA0, s26  }
0x1a: {  	[dreg:$0xb] =	wrdreg s22;
	s24 =	sadd.s32 s17, s0;
	s25 =	smul.u32 $0x7D0, s1  }
0x1b: {  	s8 =	sadd.s32 s18, s0;
	s17 =	sadd.s32 s19, s0;
	s1 =	smul.u32 $0x3E80, s1  }
0x1c: {  	s19 =	sor.u32 $0x800, s14;
	s21 =	sor.u32 $0x400, s14;
	[dreg:$0xc] =	wrdreg s24  }
0x1d: {  	s26 =	simm.s32 $0xE000;
	[dreg:$0xd] =	wrdreg s8;
	s15 =	sadd.s32 s25, s23  }
0x1e: {  	[dreg:$0xe] =	wrdreg s17;
	s1 =	sadd.s32 s1, s16;
	s6 =	sshll.u32 s15, $0x3  }
0x1f: {  	s13 =	sadd.s32 s19, s4;
	[dreg:$0x10] =	wrdreg s1;
	s18 =	sadd.s32 $0x280, s6  }
0x20: {  	s14 =	sadd.s32 s21, s4;
	s20 =	sadd.s32 $0x1180, s6;
	[dreg:$0xf] =	wrdreg s18  }
0x21: {  	s16 =	sadd.s32 s21, s0;
	s22 =	sadd.s32 $0xF00, s6;
	[dreg:$0x11] =	wrdreg s20  }
0x22: {  	s21 =	simm.s32 $0x4000;
	s23 =	sadd.s32 $0xC80, s6;
	[dreg:$0x12] =	wrdreg s22  }
0x23: {  	s15 =	sadd.s32 s19, s0;
	s24 =	sadd.s32 $0xA00, s6;
	[dreg:$0x13] =	wrdreg s23  }
0x24: {  	s19 =	simm.s32 $0x80;
	s25 =	sadd.s32 $0x780, s6;
	[dreg:$0x14] =	wrdreg s24  }
0x25: {  	s0 =	simm.s32 $0x0;
	s17 =	sadd.s32 $0x500, s6;
	[dreg:$0x15] =	wrdreg s25  }
0x26: {  	s18 =	simm.s32 $0x3;
	s20 =	simm.s32 $0x2000;
	s22 =	simm.s32 $0x6000  }
0x27: {  	s23 =	simm.s32 $0x8000;
	s24 =	simm.s32 $0xA000;
	s25 =	simm.s32 $0xC000  }
.LBB2_1:
0x28: {  	s1 =	rddreg [dreg:$0x17]  }
0x29: {  	[tilespmem:s2], [sflag:$0x3] =	stream.linear.gather [hbm4b:s1+s2], $0x2000, $0x38;
	[tilespmem:$0x12A00] =	vst v63  }
0x2a: {  	_ =	swait.ge [sflag:s18], $0x2000  }
0x2b: {  	[sflag:s18] =	ssyncset.done $0x0  }
0x2c: {  	s4 =	simm.s32 $0x0;
	[sflag:s18] =	ssyncadd.s32 $0xFFFFE000  }
0x2d: {  	[tilespmem:s20], [sflag:$0x1] =	stream.indirect.gather [hbm4b:s3+s19], $0x40, s4, s19, $0xb8;
	[tilespmem:$0x12A00] =	vst v63  }
0x2e: {  	s6 =	simm.s32 $0x80  }
0x2f: {  	[tilespmem:s21], [sflag:$0x1] =	stream.indirect.gather [hbm4b:s3+s19], $0x40, s6, s19, $0xb8;
	[tilespmem:$0x12A00] =	vst v63  }
0x30: {  	s7 =	simm.s32 $0x100  }
0x31: {  	[tilespmem:s22], [sflag:$0x1] =	stream.indirect.gather [hbm4b:s3+s19], $0x40, s7, s19, $0xb8;
	[tilespmem:$0x12A00] =	vst v63  }
0x32: {  	s8 =	simm.s32 $0x180  }
0x33: {  	[tilespmem:s23], [sflag:$0x1] =	stream.indirect.gather [hbm4b:s3+s19], $0x40, s8, s19, $0xb8;
	[tilespmem:$0x12A00] =	vst v63  }
0x34: {  	s4 =	simm.s32 $0x200  }
0x35: {  	[tilespmem:s24], [sflag:$0x1] =	stream.indirect.gather [hbm4b:s3+s19], $0x40, s4, s19, $0xb8;
	[tilespmem:$0x12A00] =	vst v63  }
0x36: {  	s6 =	simm.s32 $0x280  }
0x37: {  	[tilespmem:s25], [sflag:$0x1] =	stream.indirect.gather [hbm4b:s3+s19], $0x40, s6, s19, $0xb8;
	[tilespmem:$0x12A00] =	vst v63  }
0x38: {  	s7 =	simm.s32 $0x300  }
0x39: {  	[tilespmem:s26], [sflag:$0x1] =	stream.indirect.gather [hbm4b:s3+s19], $0x40, s7, s19, $0xb8;
	[tilespmem:$0x12A00] =	vst v63  }
0x3a: {  	s8 =	simm.s32 $0x380  }
0x3b: {  	[tilespmem:s28], [sflag:$0x1] =	stream.indirect.gather [hbm4b:s3+s19], $0x40, s8, s19, $0xb8;
	[tilespmem:$0x12A00] =	vst v63  }
0x3c: {  	_ =	swait.ge [sflag:s29], $0x2000  }
0x3d: {  	s4 =	rddreg [dreg:$0x3];
	[sflag:s29] =	ssyncset.done $0x0  }
0x3e: {  	[sflag:s29] =	ssyncadd.s32 $0xFFFFE000;
	s1 =	sadd.s32 $0x0, s4  }
0x3f: {  	[hbm4b:s1+s2] =	stream.linear.scatter [tilespmem:s20], [sflag:$0x2], $0x2000, $0x38;
	[tilespmem:$0x12A00] =	vst v63  }
0x40: {  	_ =	swait.ge [sflag:s29], $0x2000  }
0x41: {  	[sflag:s29] =	ssyncset.done $0x0  }
0x42: {  	s6 =	sadd.s32 $0x0, s14;
	[sflag:s29] =	ssyncadd.s32 $0xFFFFE000  }
0x43: {  	[hbm4b:s6+s2] =	stream.linear.scatter [tilespmem:s21], [sflag:$0x2], $0x2000, $0x38;
	[tilespmem:$0x12A00] =	vst v63  }
0x44: {  	_ =	swait.ge [sflag:s29], $0x2000  }
0x45: {  	[sflag:s29] =	ssyncset.done $0x0  }
0x46: {  	s7 =	sadd.s32 $0x0, s13;
	[sflag:s29] =	ssyncadd.s32 $0xFFFFE000  }
0x47: {  	[hbm4b:s7+s2] =	stream.linear.scatter [tilespmem:s22], [sflag:$0x2], $0x2000, $0x38;
	[tilespmem:$0x12A00] =	vst v63  }
0x48: {  	_ =	swait.ge [sflag:s29], $0x2000  }
0x49: {  	s8 =	rddreg [dreg:$0x8];
	[sflag:s29] =	ssyncset.done $0x0  }
0x4a: {  	[sflag:s29] =	ssyncadd.s32 $0xFFFFE000;
	s1 =	sadd.s32 $0x0, s8  }
0x4b: {  	[hbm4b:s1+s2] =	stream.linear.scatter [tilespmem:s23], [sflag:$0x2], $0x2000, $0x38;
	[tilespmem:$0x12A00] =	vst v63  }
0x4c: {  	_ =	swait.ge [sflag:s29], $0x2000  }
0x4d: {  	s4 =	rddreg [dreg:$0x7];
	[sflag:s29] =	ssyncset.done $0x0  }
0x4e: {  	[sflag:s29] =	ssyncadd.s32 $0xFFFFE000;
	s1 =	sadd.s32 $0x0, s4  }
0x4f: {  	[hbm4b:s1+s2] =	stream.linear.scatter [tilespmem:s24], [sflag:$0x2], $0x2000, $0x38;
	[tilespmem:$0x12A00] =	vst v63  }
0x50: {  	_ =	swait.ge [sflag:s29], $0x2000  }
0x51: {  	s6 =	rddreg [dreg:$0x6];
	[sflag:s29] =	ssyncset.done $0x0  }
0x52: {  	[sflag:s29] =	ssyncadd.s32 $0xFFFFE000;
	s1 =	sadd.s32 $0x0, s6  }
0x53: {  	[hbm4b:s1+s2] =	stream.linear.scatter [tilespmem:s25], [sflag:$0x2], $0x2000, $0x38;
	[tilespmem:$0x12A00] =	vst v63  }
0x54: {  	_ =	swait.ge [sflag:s29], $0x2000  }
0x55: {  	s7 =	rddreg [dreg:$0x5];
	[sflag:s29] =	ssyncset.done $0x0  }
0x56: {  	[sflag:s29] =	ssyncadd.s32 $0xFFFFE000;
	s1 =	sadd.s32 $0x0, s7  }
0x57: {  	[hbm4b:s1+s2] =	stream.linear.scatter [tilespmem:s26], [sflag:$0x2], $0x2000, $0x38;
	[tilespmem:$0x12A00] =	vst v63  }
0x58: {  	_ =	swait.ge [sflag:s29], $0x2000  }
0x59: {  	s8 =	rddreg [dreg:$0x4];
	[sflag:s29] =	ssyncset.done $0x0  }
0x5a: {  	[sflag:s29] =	ssyncadd.s32 $0xFFFFE000;
	s1 =	sadd.s32 $0x0, s8  }
0x5b: {  	[hbm4b:s1+s2] =	stream.linear.scatter [tilespmem:s28], [sflag:$0x2], $0x2000, $0x38;
	[tilespmem:$0x12A00] =	vst v63  }
0x5c: {  	_ =	swait.ge [sflag:s30], $0x2000  }
0x5d: {  	[sflag:s30] =	ssyncset.done $0x0  }
0x5e: {  	[sflag:s30] =	ssyncadd.s32 $0xFFFFE000  }
0x5f: {  	_ =	swait.ge [sflag:s30], $0x2000  }
0x60: {  	[sflag:s30] =	ssyncset.done $0x0  }
0x61: {  	[sflag:s30] =	ssyncadd.s32 $0xFFFFE000  }
0x62: {  	_ =	swait.ge [sflag:s30], $0x2000  }
0x63: {  	[sflag:s30] =	ssyncset.done $0x0  }
0x64: {  	[sflag:s30] =	ssyncadd.s32 $0xFFFFE000  }
0x65: {  	_ =	swait.ge [sflag:s30], $0x2000  }
0x66: {  	[sflag:s30] =	ssyncset.done $0x0  }
0x67: {  	[sflag:s30] =	ssyncadd.s32 $0xFFFFE000  }
0x68: {  	_ =	swait.ge [sflag:s30], $0x2000  }
0x69: {  	[sflag:s30] =	ssyncset.done $0x0  }
0x6a: {  	[sflag:s30] =	ssyncadd.s32 $0xFFFFE000  }
0x6b: {  	_ =	swait.ge [sflag:s30], $0x2000  }
0x6c: {  	[sflag:s30] =	ssyncset.done $0x0  }
0x6d: {  	[sflag:s30] =	ssyncadd.s32 $0xFFFFE000  }
0x6e: {  	_ =	swait.ge [sflag:s30], $0x2000  }
0x6f: {  	[sflag:s30] =	ssyncset.done $0x0  }
0x70: {  	[sflag:s30] =	ssyncadd.s32 $0xFFFFE000  }
0x71: {  	s4 =	simm.s32 $0x780;
	_ =	swait.ge [sflag:s30], $0x2000  }
0x72: {  	s6 =	simm.s32 $0x4000;
	s1 =	simm.s32 $0x2000;
	[sflag:s30] =	ssyncset.done $0x0  }
.LBB2_2:
0x73: {  	s7 =	sadd.s32 $0xFFFFFC80, s4;
	[sflag:s30] =	ssyncadd.s32 $0xFFFFE000  }
0x74: {  	[tilespmem:s20], [sflag:$0x1] =	stream.indirect.gather [hbm4b:s3+s19], $0x40, s7, s19, $0xb8;
	[tilespmem:$0x12A00] =	vst v63  }
0x75: {  	s8 =	sadd.s32 $0xFFFFFD00, s4  }
0x76: {  	[tilespmem:s21], [sflag:$0x1] =	stream.indirect.gather [hbm4b:s3+s19], $0x40, s8, s19, $0xb8;
	[tilespmem:$0x12A00] =	vst v63  }
0x77: {  	s8 =	sadd.s32 $0xFFFFFD80, s4  }
0x78: {  	[tilespmem:s22], [sflag:$0x1] =	stream.indirect.gather [hbm4b:s3+s19], $0x40, s8, s19, $0xb8;
	[tilespmem:$0x12A00] =	vst v63  }
0x79: {  	s8 =	sadd.s32 $0xFFFFFE00, s4  }
0x7a: {  	[tilespmem:s23], [sflag:$0x1] =	stream.indirect.gather [hbm4b:s3+s19], $0x40, s8, s19, $0xb8;
	[tilespmem:$0x12A00] =	vst v63  }
0x7b: {  	s8 =	sadd.s32 $0xFFFFFE80, s4  }
0x7c: {  	[tilespmem:s24], [sflag:$0x1] =	stream.indirect.gather [hbm4b:s3+s19], $0x40, s8, s19, $0xb8;
	[tilespmem:$0x12A00] =	vst v63  }
0x7d: {  	s8 =	sadd.s32 $0xFFFFFF00, s4  }
0x7e: {  	[tilespmem:s25], [sflag:$0x1] =	stream.indirect.gather [hbm4b:s3+s19], $0x40, s8, s19, $0xb8;
	[tilespmem:$0x12A00] =	vst v63  }
0x7f: {  	s8 =	sadd.s32 $0xFFFFFF80, s4  }
0x80: {  	[tilespmem:s26], [sflag:$0x1] =	stream.indirect.gather [hbm4b:s3+s19], $0x40, s8, s19, $0xb8;
	[tilespmem:$0x12A00] =	vst v63  }
0x81: {  	_ = 	snop  }
0x82: {  	[tilespmem:s28], [sflag:$0x1] =	stream.indirect.gather [hbm4b:s3+s19], $0x40, s4, s19, $0xb8;
	[tilespmem:$0x12A00] =	vst v63  }
0x83: {  	_ =	swait.ge [sflag:s29], $0x2000  }
0x84: {  	s8 =	rddreg [dreg:$0x3];
	[sflag:s29] =	ssyncset.done $0x0  }
0x85: {  	[sflag:s29] =	ssyncadd.s32 $0xFFFFE000;
	s8 =	sadd.s32 s1, s8  }
0x86: {  	[hbm4b:s8+s2] =	stream.linear.scatter [tilespmem:s20], [sflag:$0x2], $0x2000, $0x38;
	[tilespmem:$0x12A00] =	vst v63  }
0x87: {  	_ =	swait.ge [sflag:s29], $0x2000  }
0x88: {  	[sflag:s29] =	ssyncset.done $0x0  }
0x89: {  	s8 =	sadd.s32 s1, s14;
	[sflag:s29] =	ssyncadd.s32 $0xFFFFE000  }
0x8a: {  	[hbm4b:s8+s2] =	stream.linear.scatter [tilespmem:s21], [sflag:$0x2], $0x2000, $0x38;
	[tilespmem:$0x12A00] =	vst v63  }
0x8b: {  	_ =	swait.ge [sflag:s29], $0x2000  }
0x8c: {  	[sflag:s29] =	ssyncset.done $0x0  }
0x8d: {  	s8 =	sadd.s32 s1, s13;
	[sflag:s29] =	ssyncadd.s32 $0xFFFFE000  }
0x8e: {  	[hbm4b:s8+s2] =	stream.linear.scatter [tilespmem:s22], [sflag:$0x2], $0x2000, $0x38;
	[tilespmem:$0x12A00] =	vst v63  }
0x8f: {  	_ =	swait.ge [sflag:s29], $0x2000  }
0x90: {  	s8 =	rddreg [dreg:$0x8];
	[sflag:s29] =	ssyncset.done $0x0  }
0x91: {  	[sflag:s29] =	ssyncadd.s32 $0xFFFFE000;
	s8 =	sadd.s32 s1, s8  }
0x92: {  	[hbm4b:s8+s2] =	stream.linear.scatter [tilespmem:s23], [sflag:$0x2], $0x2000, $0x38;
	[tilespmem:$0x12A00] =	vst v63  }
0x93: {  	_ =	swait.ge [sflag:s29], $0x2000  }
0x94: {  	s8 =	rddreg [dreg:$0x7];
	[sflag:s29] =	ssyncset.done $0x0  }
0x95: {  	[sflag:s29] =	ssyncadd.s32 $0xFFFFE000;
	s8 =	sadd.s32 s1, s8  }
0x96: {  	[hbm4b:s8+s2] =	stream.linear.scatter [tilespmem:s24], [sflag:$0x2], $0x2000, $0x38;
	[tilespmem:$0x12A00] =	vst v63  }
0x97: {  	_ =	swait.ge [sflag:s29], $0x2000  }
0x98: {  	s8 =	rddreg [dreg:$0x6];
	[sflag:s29] =	ssyncset.done $0x0  }
0x99: {  	[sflag:s29] =	ssyncadd.s32 $0xFFFFE000;
	s8 =	sadd.s32 s1, s8  }
0x9a: {  	[hbm4b:s8+s2] =	stream.linear.scatter [tilespmem:s25], [sflag:$0x2], $0x2000, $0x38;
	[tilespmem:$0x12A00] =	vst v63  }
0x9b: {  	_ =	swait.ge [sflag:s29], $0x2000  }
0x9c: {  	s8 =	rddreg [dreg:$0x5];
	[sflag:s29] =	ssyncset.done $0x0  }
0x9d: {  	[sflag:s29] =	ssyncadd.s32 $0xFFFFE000;
	s8 =	sadd.s32 s1, s8  }
0x9e: {  	[hbm4b:s8+s2] =	stream.linear.scatter [tilespmem:s26], [sflag:$0x2], $0x2000, $0x38;
	[tilespmem:$0x12A00] =	vst v63  }
0x9f: {  	_ =	swait.ge [sflag:s29], $0x2000  }
0xa0: {  	s8 =	rddreg [dreg:$0x4];
	[sflag:s29] =	ssyncset.done $0x0  }
0xa1: {  	[sflag:s29] =	ssyncadd.s32 $0xFFFFE000;
	s8 =	sadd.s32 s1, s8  }
0xa2: {  	[hbm4b:s8+s2] =	stream.linear.scatter [tilespmem:s28], [sflag:$0x2], $0x2000, $0x38;
	[tilespmem:$0x12A00] =	vst v63  }
0xa3: {  	_ =	swait.ge [sflag:s30], $0x2000  }
0xa4: {  	[sflag:s30] =	ssyncset.done $0x0  }
0xa5: {  	[sflag:s30] =	ssyncadd.s32 $0xFFFFE000  }
0xa6: {  	_ =	swait.ge [sflag:s30], $0x2000  }
0xa7: {  	[sflag:s30] =	ssyncset.done $0x0  }
0xa8: {  	[sflag:s30] =	ssyncadd.s32 $0xFFFFE000  }
0xa9: {  	_ =	swait.ge [sflag:s30], $0x2000  }
0xaa: {  	[sflag:s30] =	ssyncset.done $0x0  }
0xab: {  	[sflag:s30] =	ssyncadd.s32 $0xFFFFE000  }
0xac: {  	_ =	swait.ge [sflag:s30], $0x2000  }
0xad: {  	[sflag:s30] =	ssyncset.done $0x0  }
0xae: {  	[sflag:s30] =	ssyncadd.s32 $0xFFFFE000  }
0xaf: {  	_ =	swait.ge [sflag:s30], $0x2000  }
0xb0: {  	[sflag:s30] =	ssyncset.done $0x0  }
0xb1: {  	[sflag:s30] =	ssyncadd.s32 $0xFFFFE000  }
0xb2: {  	_ =	swait.ge [sflag:s30], $0x2000  }
0xb3: {  	[sflag:s30] =	ssyncset.done $0x0  }
0xb4: {  	p1 =	sne.s32 s6, $0xE000;
	[sflag:s30] =	ssyncadd.s32 $0xFFFFE000  }
.Ltmp0:
0xb5: {  	_ =	swait.ge [sflag:s30], $0x2000;
	(pc) =	sbr.rel @p1 .LBB2_2-.Ltmp0, $4  }
0xb6: {  	[sflag:s30] =	ssyncset.done $0x0  }
0xb7: {  	[sflag:s30] =	ssyncadd.s32 $0xFFFFE000  }
0xb8: {  	s7 =	smov.u32 s6;
	s6 =	sadd.s32 $0x2000, s6;
	_ =	swait.ge [sflag:s30], $0x2000  }
0xb9: {  	s4 =	sadd.s32 $0x400, s4;
	s1 =	smov.u32 s7;
	[sflag:s30] =	ssyncset.done $0x0  }
0xba: {  	s6 =	sadd.s32 $0xFFFFFC80, s4;
	[sflag:s30] =	ssyncadd.s32 $0xFFFFE000  }
0xbb: {  	[tilespmem:s20], [sflag:$0x1] =	stream.indirect.gather [hbm4b:s3+s19], $0x40, s6, s19, $0xb8;
	[tilespmem:$0x12A00] =	vst v63  }
0xbc: {  	s7 =	sadd.s32 $0xFFFFFD00, s4  }
0xbd: {  	[tilespmem:s21], [sflag:$0x1] =	stream.indirect.gather [hbm4b:s3+s19], $0x40, s7, s19, $0xb8;
	[tilespmem:$0x12A00] =	vst v63  }
0xbe: {  	s8 =	sadd.s32 $0xFFFFFD80, s4  }
0xbf: {  	[tilespmem:s22], [sflag:$0x1] =	stream.indirect.gather [hbm4b:s3+s19], $0x40, s8, s19, $0xb8;
	[tilespmem:$0x12A00] =	vst v63  }
0xc0: {  	s7 =	sadd.s32 $0xFFFFFE00, s4  }
0xc1: {  	[tilespmem:s23], [sflag:$0x1] =	stream.indirect.gather [hbm4b:s3+s19], $0x40, s7, s19, $0xb8;
	[tilespmem:$0x12A00] =	vst v63  }
0xc2: {  	s8 =	sadd.s32 $0xFFFFFE80, s4  }
0xc3: {  	[tilespmem:s24], [sflag:$0x1] =	stream.indirect.gather [hbm4b:s3+s19], $0x40, s8, s19, $0xb8;
	[tilespmem:$0x12A00] =	vst v63  }
0xc4: {  	s7 =	sadd.s32 $0xFFFFFF00, s4  }
0xc5: {  	[tilespmem:s25], [sflag:$0x1] =	stream.indirect.gather [hbm4b:s3+s19], $0x40, s7, s19, $0xb8;
	[tilespmem:$0x12A00] =	vst v63  }
0xc6: {  	s8 =	sadd.s32 $0xFFFFFF80, s4  }
0xc7: {  	[tilespmem:s26], [sflag:$0x1] =	stream.indirect.gather [hbm4b:s3+s19], $0x40, s8, s19, $0xb8;
	[tilespmem:$0x12A00] =	vst v63  }
0xc8: {  	_ = 	snop  }
0xc9: {  	[tilespmem:s28], [sflag:$0x1] =	stream.indirect.gather [hbm4b:s3+s19], $0x40, s4, s19, $0xb8;
	[tilespmem:$0x12A00] =	vst v63  }
0xca: {  	_ =	swait.ge [sflag:s29], $0x2000  }
0xcb: {  	s7 =	rddreg [dreg:$0x3];
	[sflag:s29] =	ssyncset.done $0x0  }
0xcc: {  	[sflag:s29] =	ssyncadd.s32 $0xFFFFE000;
	s4 =	sadd.s32 s1, s7  }
0xcd: {  	[hbm4b:s4+s2] =	stream.linear.scatter [tilespmem:s20], [sflag:$0x2], $0x2000, $0x38;
	[tilespmem:$0x12A00] =	vst v63  }
0xce: {  	_ =	swait.ge [sflag:s29], $0x2000  }
0xcf: {  	[sflag:s29] =	ssyncset.done $0x0  }
0xd0: {  	s8 =	sadd.s32 s1, s14;
	[sflag:s29] =	ssyncadd.s32 $0xFFFFE000  }
0xd1: {  	[hbm4b:s8+s2] =	stream.linear.scatter [tilespmem:s21], [sflag:$0x2], $0x2000, $0x38;
	[tilespmem:$0x12A00] =	vst v63  }
0xd2: {  	_ =	swait.ge [sflag:s29], $0x2000  }
0xd3: {  	[sflag:s29] =	ssyncset.done $0x0  }
0xd4: {  	s6 =	sadd.s32 s1, s13;
	[sflag:s29] =	ssyncadd.s32 $0xFFFFE000  }
0xd5: {  	[hbm4b:s6+s2] =	stream.linear.scatter [tilespmem:s22], [sflag:$0x2], $0x2000, $0x38;
	[tilespmem:$0x12A00] =	vst v63  }
0xd6: {  	_ =	swait.ge [sflag:s29], $0x2000  }
0xd7: {  	s7 =	rddreg [dreg:$0x8];
	[sflag:s29] =	ssyncset.done $0x0  }
0xd8: {  	[sflag:s29] =	ssyncadd.s32 $0xFFFFE000;
	s4 =	sadd.s32 s1, s7  }
0xd9: {  	[hbm4b:s4+s2] =	stream.linear.scatter [tilespmem:s23], [sflag:$0x2], $0x2000, $0x38;
	[tilespmem:$0x12A00] =	vst v63  }
0xda: {  	_ =	swait.ge [sflag:s29], $0x2000  }
0xdb: {  	s8 =	rddreg [dreg:$0x7];
	[sflag:s29] =	ssyncset.done $0x0  }
0xdc: {  	[sflag:s29] =	ssyncadd.s32 $0xFFFFE000;
	s4 =	sadd.s32 s1, s8  }
0xdd: {  	[hbm4b:s4+s2] =	stream.linear.scatter [tilespmem:s24], [sflag:$0x2], $0x2000, $0x38;
	[tilespmem:$0x12A00] =	vst v63  }
0xde: {  	_ =	swait.ge [sflag:s29], $0x2000  }
0xdf: {  	s6 =	rddreg [dreg:$0x6];
	[sflag:s29] =	ssyncset.done $0x0  }
0xe0: {  	[sflag:s29] =	ssyncadd.s32 $0xFFFFE000;
	s4 =	sadd.s32 s1, s6  }
0xe1: {  	[hbm4b:s4+s2] =	stream.linear.scatter [tilespmem:s25], [sflag:$0x2], $0x2000, $0x38;
	[tilespmem:$0x12A00] =	vst v63  }
0xe2: {  	_ =	swait.ge [sflag:s29], $0x2000  }
0xe3: {  	s7 =	rddreg [dreg:$0x5];
	[sflag:s29] =	ssyncset.done $0x0  }
0xe4: {  	[sflag:s29] =	ssyncadd.s32 $0xFFFFE000;
	s4 =	sadd.s32 s1, s7  }
0xe5: {  	[hbm4b:s4+s2] =	stream.linear.scatter [tilespmem:s26], [sflag:$0x2], $0x2000, $0x38;
	[tilespmem:$0x12A00] =	vst v63  }
0xe6: {  	_ =	swait.ge [sflag:s29], $0x2000  }
0xe7: {  	s8 =	rddreg [dreg:$0x4];
	[sflag:s29] =	ssyncset.done $0x0  }
0xe8: {  	[sflag:s29] =	ssyncadd.s32 $0xFFFFE000;
	s6 =	sadd.s32 s1, s8  }
0xe9: {  	[hbm4b:s6+s2] =	stream.linear.scatter [tilespmem:s28], [sflag:$0x2], $0x2000, $0x38;
	[tilespmem:$0x12A00] =	vst v63  }
0xea: {  	_ =	swait.ge [sflag:s30], $0x2000  }
0xeb: {  	[sflag:s30] =	ssyncset.done $0x0  }
0xec: {  	[sflag:s30] =	ssyncadd.s32 $0xFFFFE000  }
0xed: {  	_ =	swait.ge [sflag:s30], $0x2000  }
0xee: {  	[sflag:s30] =	ssyncset.done $0x0  }
0xef: {  	[sflag:s30] =	ssyncadd.s32 $0xFFFFE000  }
0xf0: {  	_ =	swait.ge [sflag:s30], $0x2000  }
0xf1: {  	[sflag:s30] =	ssyncset.done $0x0  }
0xf2: {  	[sflag:s30] =	ssyncadd.s32 $0xFFFFE000  }
0xf3: {  	_ =	swait.ge [sflag:s30], $0x2000  }
0xf4: {  	[sflag:s30] =	ssyncset.done $0x0  }
0xf5: {  	[sflag:s30] =	ssyncadd.s32 $0xFFFFE000  }
0xf6: {  	_ =	swait.ge [sflag:s30], $0x2000  }
0xf7: {  	[sflag:s30] =	ssyncset.done $0x0  }
0xf8: {  	[sflag:s30] =	ssyncadd.s32 $0xFFFFE000  }
0xf9: {  	_ =	swait.ge [sflag:s30], $0x2000  }
0xfa: {  	[sflag:s30] =	ssyncset.done $0x0  }
0xfb: {  	[sflag:s30] =	ssyncadd.s32 $0xFFFFE000  }
0xfc: {  	_ =	swait.ge [sflag:s30], $0x2000  }
0xfd: {  	[sflag:s30] =	ssyncset.done $0x0  }
0xfe: {  	[sflag:s30] =	ssyncadd.s32 $0xFFFFE000  }
0xff: {  	_ =	swait.ge [sflag:s30], $0x2000  }
0x100: {  	[sflag:s30] =	ssyncset.done $0x0  }
0x101: {  	s7 =	simm.s32 $0x0;
	s8 =	rddreg [dreg:$0x18];
	[sflag:s30] =	ssyncadd.s32 $0xFFFFE000  }
0x102: {  	[tilespmem:s7], [sflag:$0x3] =	stream.linear.gather [hbm4b:s8+s7], $0x2000, $0x38;
	[tilespmem:$0x12A00] =	vst v63  }
0x103: {  	_ =	swait.ge [sflag:s18], $0x2000  }
0x104: {  	[sflag:s18] =	ssyncset.done $0x0  }
0x105: {  	s4 =	simm.s32 $0x0;
	[sflag:s18] =	ssyncadd.s32 $0xFFFFE000  }
0x106: {  	[tilespmem:s20], [sflag:$0x1] =	stream.indirect.gather [hbm4b:s3+s19], $0x40, s4, s19, $0xb8;
	[tilespmem:$0x12A00] =	vst v63  }
0x107: {  	s6 =	simm.s32 $0x80  }
0x108: {  	[tilespmem:s21], [sflag:$0x1] =	stream.indirect.gather [hbm4b:s3+s19], $0x40, s6, s19, $0xb8;
	[tilespmem:$0x12A00] =	vst v63  }
0x109: {  	s7 =	simm.s32 $0x100  }
0x10a: {  	[tilespmem:s22], [sflag:$0x1] =	stream.indirect.gather [hbm4b:s3+s19], $0x40, s7, s19, $0xb8;
	[tilespmem:$0x12A00] =	vst v63  }
0x10b: {  	s8 =	simm.s32 $0x180  }
0x10c: {  	[tilespmem:s23], [sflag:$0x1] =	stream.indirect.gather [hbm4b:s3+s19], $0x40, s8, s19, $0xb8;
	[tilespmem:$0x12A00] =	vst v63  }
0x10d: {  	s4 =	simm.s32 $0x200  }
0x10e: {  	[tilespmem:s24], [sflag:$0x1] =	stream.indirect.gather [hbm4b:s3+s19], $0x40, s4, s19, $0xb8;
	[tilespmem:$0x12A00] =	vst v63  }
0x10f: {  	s6 =	simm.s32 $0x280  }
0x110: {  	[tilespmem:s25], [sflag:$0x1] =	stream.indirect.gather [hbm4b:s3+s19], $0x40, s6, s19, $0xb8;
	[tilespmem:$0x12A00] =	vst v63  }
0x111: {  	s7 =	simm.s32 $0x300  }
0x112: {  	[tilespmem:s26], [sflag:$0x1] =	stream.indirect.gather [hbm4b:s3+s19], $0x40, s7, s19, $0xb8;
	[tilespmem:$0x12A00] =	vst v63  }
0x113: {  	s8 =	simm.s32 $0x380  }
0x114: {  	[tilespmem:s28], [sflag:$0x1] =	stream.indirect.gather [hbm4b:s3+s19], $0x40, s8, s19, $0xb8;
	[tilespmem:$0x12A00] =	vst v63  }
0x115: {  	_ =	swait.ge [sflag:s29], $0x2000  }
0x116: {  	s4 =	rddreg [dreg:$0x9];
	[sflag:s29] =	ssyncset.done $0x0  }
0x117: {  	[sflag:s29] =	ssyncadd.s32 $0xFFFFE000;
	s1 =	sadd.s32 $0x0, s4  }
0x118: {  	[hbm4b:s1+s2] =	stream.linear.scatter [tilespmem:s20], [sflag:$0x2], $0x2000, $0x38;
	[tilespmem:$0x12A00] =	vst v63  }
0x119: {  	_ =	swait.ge [sflag:s29], $0x2000  }
0x11a: {  	[sflag:s29] =	ssyncset.done $0x0  }
0x11b: {  	s6 =	sadd.s32 $0x0, s16;
	[sflag:s29] =	ssyncadd.s32 $0xFFFFE000  }
0x11c: {  	[hbm4b:s6+s2] =	stream.linear.scatter [tilespmem:s21], [sflag:$0x2], $0x2000, $0x38;
	[tilespmem:$0x12A00] =	vst v63  }
0x11d: {  	_ =	swait.ge [sflag:s29], $0x2000  }
0x11e: {  	[sflag:s29] =	ssyncset.done $0x0  }
0x11f: {  	s7 =	sadd.s32 $0x0, s15;
	[sflag:s29] =	ssyncadd.s32 $0xFFFFE000  }
0x120: {  	[hbm4b:s7+s2] =	stream.linear.scatter [tilespmem:s22], [sflag:$0x2], $0x2000, $0x38;
	[tilespmem:$0x12A00] =	vst v63  }
0x121: {  	_ =	swait.ge [sflag:s29], $0x2000  }
0x122: {  	s8 =	rddreg [dreg:$0xe];
	[sflag:s29] =	ssyncset.done $0x0  }
0x123: {  	[sflag:s29] =	ssyncadd.s32 $0xFFFFE000;
	s1 =	sadd.s32 $0x0, s8  }
0x124: {  	[hbm4b:s1+s2] =	stream.linear.scatter [tilespmem:s23], [sflag:$0x2], $0x2000, $0x38;
	[tilespmem:$0x12A00] =	vst v63  }
0x125: {  	_ =	swait.ge [sflag:s29], $0x2000  }
0x126: {  	s4 =	rddreg [dreg:$0xd];
	[sflag:s29] =	ssyncset.done $0x0  }
0x127: {  	[sflag:s29] =	ssyncadd.s32 $0xFFFFE000;
	s1 =	sadd.s32 $0x0, s4  }
0x128: {  	[hbm4b:s1+s2] =	stream.linear.scatter [tilespmem:s24], [sflag:$0x2], $0x2000, $0x38;
	[tilespmem:$0x12A00] =	vst v63  }
0x129: {  	_ =	swait.ge [sflag:s29], $0x2000  }
0x12a: {  	s6 =	rddreg [dreg:$0xc];
	[sflag:s29] =	ssyncset.done $0x0  }
0x12b: {  	[sflag:s29] =	ssyncadd.s32 $0xFFFFE000;
	s1 =	sadd.s32 $0x0, s6  }
0x12c: {  	[hbm4b:s1+s2] =	stream.linear.scatter [tilespmem:s25], [sflag:$0x2], $0x2000, $0x38;
	[tilespmem:$0x12A00] =	vst v63  }
0x12d: {  	_ =	swait.ge [sflag:s29], $0x2000  }
0x12e: {  	s7 =	rddreg [dreg:$0xb];
	[sflag:s29] =	ssyncset.done $0x0  }
0x12f: {  	[sflag:s29] =	ssyncadd.s32 $0xFFFFE000;
	s1 =	sadd.s32 $0x0, s7  }
0x130: {  	[hbm4b:s1+s2] =	stream.linear.scatter [tilespmem:s26], [sflag:$0x2], $0x2000, $0x38;
	[tilespmem:$0x12A00] =	vst v63  }
0x131: {  	_ =	swait.ge [sflag:s29], $0x2000  }
0x132: {  	s8 =	rddreg [dreg:$0xa];
	[sflag:s29] =	ssyncset.done $0x0  }
0x133: {  	[sflag:s29] =	ssyncadd.s32 $0xFFFFE000;
	s1 =	sadd.s32 $0x0, s8  }
0x134: {  	[hbm4b:s1+s2] =	stream.linear.scatter [tilespmem:s28], [sflag:$0x2], $0x2000, $0x38;
	[tilespmem:$0x12A00] =	vst v63  }
0x135: {  	_ =	swait.ge [sflag:s30], $0x2000  }
0x136: {  	[sflag:s30] =	ssyncset.done $0x0  }
0x137: {  	[sflag:s30] =	ssyncadd.s32 $0xFFFFE000  }
0x138: {  	_ =	swait.ge [sflag:s30], $0x2000  }
0x139: {  	[sflag:s30] =	ssyncset.done $0x0  }
0x13a: {  	[sflag:s30] =	ssyncadd.s32 $0xFFFFE000  }
0x13b: {  	_ =	swait.ge [sflag:s30], $0x2000  }
0x13c: {  	[sflag:s30] =	ssyncset.done $0x0  }
0x13d: {  	[sflag:s30] =	ssyncadd.s32 $0xFFFFE000  }
0x13e: {  	_ =	swait.ge [sflag:s30], $0x2000  }
0x13f: {  	[sflag:s30] =	ssyncset.done $0x0  }
0x140: {  	[sflag:s30] =	ssyncadd.s32 $0xFFFFE000  }
0x141: {  	_ =	swait.ge [sflag:s30], $0x2000  }
0x142: {  	[sflag:s30] =	ssyncset.done $0x0  }
0x143: {  	[sflag:s30] =	ssyncadd.s32 $0xFFFFE000  }
0x144: {  	_ =	swait.ge [sflag:s30], $0x2000  }
0x145: {  	[sflag:s30] =	ssyncset.done $0x0  }
0x146: {  	[sflag:s30] =	ssyncadd.s32 $0xFFFFE000  }
0x147: {  	_ =	swait.ge [sflag:s30], $0x2000  }
0x148: {  	[sflag:s30] =	ssyncset.done $0x0  }
0x149: {  	[sflag:s30] =	ssyncadd.s32 $0xFFFFE000  }
0x14a: {  	s4 =	simm.s32 $0x780;
	_ =	swait.ge [sflag:s30], $0x2000  }
0x14b: {  	s6 =	simm.s32 $0x4000;
	s1 =	simm.s32 $0x2000;
	[sflag:s30] =	ssyncset.done $0x0  }
.LBB2_4:
0x14c: {  	s7 =	sadd.s32 $0xFFFFFC80, s4;
	[sflag:s30] =	ssyncadd.s32 $0xFFFFE000  }
0x14d: {  	[tilespmem:s20], [sflag:$0x1] =	stream.indirect.gather [hbm4b:s3+s19], $0x40, s7, s19, $0xb8;
	[tilespmem:$0x12A00] =	vst v63  }
0x14e: {  	s8 =	sadd.s32 $0xFFFFFD00, s4  }
0x14f: {  	[tilespmem:s21], [sflag:$0x1] =	stream.indirect.gather [hbm4b:s3+s19], $0x40, s8, s19, $0xb8;
	[tilespmem:$0x12A00] =	vst v63  }
0x150: {  	s8 =	sadd.s32 $0xFFFFFD80, s4  }
0x151: {  	[tilespmem:s22], [sflag:$0x1] =	stream.indirect.gather [hbm4b:s3+s19], $0x40, s8, s19, $0xb8;
	[tilespmem:$0x12A00] =	vst v63  }
0x152: {  	s8 =	sadd.s32 $0xFFFFFE00, s4  }
0x153: {  	[tilespmem:s23], [sflag:$0x1] =	stream.indirect.gather [hbm4b:s3+s19], $0x40, s8, s19, $0xb8;
	[tilespmem:$0x12A00] =	vst v63  }
0x154: {  	s8 =	sadd.s32 $0xFFFFFE80, s4  }
0x155: {  	[tilespmem:s24], [sflag:$0x1] =	stream.indirect.gather [hbm4b:s3+s19], $0x40, s8, s19, $0xb8;
	[tilespmem:$0x12A00] =	vst v63  }
0x156: {  	s8 =	sadd.s32 $0xFFFFFF00, s4  }
0x157: {  	[tilespmem:s25], [sflag:$0x1] =	stream.indirect.gather [hbm4b:s3+s19], $0x40, s8, s19, $0xb8;
	[tilespmem:$0x12A00] =	vst v63  }
0x158: {  	s8 =	sadd.s32 $0xFFFFFF80, s4  }
0x159: {  	[tilespmem:s26], [sflag:$0x1] =	stream.indirect.gather [hbm4b:s3+s19], $0x40, s8, s19, $0xb8;
	[tilespmem:$0x12A00] =	vst v63  }
0x15a: {  	_ = 	snop  }
0x15b: {  	[tilespmem:s28], [sflag:$0x1] =	stream.indirect.gather [hbm4b:s3+s19], $0x40, s4, s19, $0xb8;
	[tilespmem:$0x12A00] =	vst v63  }
0x15c: {  	_ =	swait.ge [sflag:s29], $0x2000  }
0x15d: {  	s8 =	rddreg [dreg:$0x9];
	[sflag:s29] =	ssyncset.done $0x0  }
0x15e: {  	[sflag:s29] =	ssyncadd.s32 $0xFFFFE000;
	s8 =	sadd.s32 s1, s8  }
0x15f: {  	[hbm4b:s8+s2] =	stream.linear.scatter [tilespmem:s20], [sflag:$0x2], $0x2000, $0x38;
	[tilespmem:$0x12A00] =	vst v63  }
0x160: {  	_ =	swait.ge [sflag:s29], $0x2000  }
0x161: {  	[sflag:s29] =	ssyncset.done $0x0  }
0x162: {  	s8 =	sadd.s32 s1, s16;
	[sflag:s29] =	ssyncadd.s32 $0xFFFFE000  }
0x163: {  	[hbm4b:s8+s2] =	stream.linear.scatter [tilespmem:s21], [sflag:$0x2], $0x2000, $0x38;
	[tilespmem:$0x12A00] =	vst v63  }
0x164: {  	_ =	swait.ge [sflag:s29], $0x2000  }
0x165: {  	[sflag:s29] =	ssyncset.done $0x0  }
0x166: {  	s8 =	sadd.s32 s1, s15;
	[sflag:s29] =	ssyncadd.s32 $0xFFFFE000  }
0x167: {  	[hbm4b:s8+s2] =	stream.linear.scatter [tilespmem:s22], [sflag:$0x2], $0x2000, $0x38;
	[tilespmem:$0x12A00] =	vst v63  }
0x168: {  	_ =	swait.ge [sflag:s29], $0x2000  }
0x169: {  	s8 =	rddreg [dreg:$0xe];
	[sflag:s29] =	ssyncset.done $0x0  }
0x16a: {  	[sflag:s29] =	ssyncadd.s32 $0xFFFFE000;
	s8 =	sadd.s32 s1, s8  }
0x16b: {  	[hbm4b:s8+s2] =	stream.linear.scatter [tilespmem:s23], [sflag:$0x2], $0x2000, $0x38;
	[tilespmem:$0x12A00] =	vst v63  }
0x16c: {  	_ =	swait.ge [sflag:s29], $0x2000  }
0x16d: {  	s8 =	rddreg [dreg:$0xd];
	[sflag:s29] =	ssyncset.done $0x0  }
0x16e: {  	[sflag:s29] =	ssyncadd.s32 $0xFFFFE000;
	s8 =	sadd.s32 s1, s8  }
0x16f: {  	[hbm4b:s8+s2] =	stream.linear.scatter [tilespmem:s24], [sflag:$0x2], $0x2000, $0x38;
	[tilespmem:$0x12A00] =	vst v63  }
0x170: {  	_ =	swait.ge [sflag:s29], $0x2000  }
0x171: {  	s8 =	rddreg [dreg:$0xc];
	[sflag:s29] =	ssyncset.done $0x0  }
0x172: {  	[sflag:s29] =	ssyncadd.s32 $0xFFFFE000;
	s8 =	sadd.s32 s1, s8  }
0x173: {  	[hbm4b:s8+s2] =	stream.linear.scatter [tilespmem:s25], [sflag:$0x2], $0x2000, $0x38;
	[tilespmem:$0x12A00] =	vst v63  }
0x174: {  	_ =	swait.ge [sflag:s29], $0x2000  }
0x175: {  	s8 =	rddreg [dreg:$0xb];
	[sflag:s29] =	ssyncset.done $0x0  }
0x176: {  	[sflag:s29] =	ssyncadd.s32 $0xFFFFE000;
	s8 =	sadd.s32 s1, s8  }
0x177: {  	[hbm4b:s8+s2] =	stream.linear.scatter [tilespmem:s26], [sflag:$0x2], $0x2000, $0x38;
	[tilespmem:$0x12A00] =	vst v63  }
0x178: {  	_ =	swait.ge [sflag:s29], $0x2000  }
0x179: {  	s8 =	rddreg [dreg:$0xa];
	[sflag:s29] =	ssyncset.done $0x0  }
0x17a: {  	[sflag:s29] =	ssyncadd.s32 $0xFFFFE000;
	s8 =	sadd.s32 s1, s8  }
0x17b: {  	[hbm4b:s8+s2] =	stream.linear.scatter [tilespmem:s28], [sflag:$0x2], $0x2000, $0x38;
	[tilespmem:$0x12A00] =	vst v63  }
0x17c: {  	_ =	swait.ge [sflag:s30], $0x2000  }
0x17d: {  	[sflag:s30] =	ssyncset.done $0x0  }
0x17e: {  	[sflag:s30] =	ssyncadd.s32 $0xFFFFE000  }
0x17f: {  	_ =	swait.ge [sflag:s30], $0x2000  }
0x180: {  	[sflag:s30] =	ssyncset.done $0x0  }
0x181: {  	[sflag:s30] =	ssyncadd.s32 $0xFFFFE000  }
0x182: {  	_ =	swait.ge [sflag:s30], $0x2000  }
0x183: {  	[sflag:s30] =	ssyncset.done $0x0  }
0x184: {  	[sflag:s30] =	ssyncadd.s32 $0xFFFFE000  }
0x185: {  	_ =	swait.ge [sflag:s30], $0x2000  }
0x186: {  	[sflag:s30] =	ssyncset.done $0x0  }
0x187: {  	[sflag:s30] =	ssyncadd.s32 $0xFFFFE000  }
0x188: {  	_ =	swait.ge [sflag:s30], $0x2000  }
0x189: {  	[sflag:s30] =	ssyncset.done $0x0  }
0x18a: {  	[sflag:s30] =	ssyncadd.s32 $0xFFFFE000  }
0x18b: {  	_ =	swait.ge [sflag:s30], $0x2000  }
0x18c: {  	[sflag:s30] =	ssyncset.done $0x0  }
0x18d: {  	p1 =	sne.s32 s6, $0xE000;
	[sflag:s30] =	ssyncadd.s32 $0xFFFFE000  }
.Ltmp1:
0x18e: {  	_ =	swait.ge [sflag:s30], $0x2000;
	(pc) =	sbr.rel @p1 .LBB2_4-.Ltmp1, $4  }
0x18f: {  	[sflag:s30] =	ssyncset.done $0x0  }
0x190: {  	[sflag:s30] =	ssyncadd.s32 $0xFFFFE000  }
0x191: {  	s7 =	smov.u32 s6;
	s6 =	sadd.s32 $0x2000, s6;
	_ =	swait.ge [sflag:s30], $0x2000  }
0x192: {  	s4 =	sadd.s32 $0x400, s4;
	s1 =	smov.u32 s7;
	[sflag:s30] =	ssyncset.done $0x0  }
0x193: {  	s6 =	sadd.s32 $0xFFFFFC80, s4;
	[sflag:s30] =	ssyncadd.s32 $0xFFFFE000  }
0x194: {  	[tilespmem:s20], [sflag:$0x1] =	stream.indirect.gather [hbm4b:s3+s19], $0x40, s6, s19, $0xb8;
	[tilespmem:$0x12A00] =	vst v63  }
0x195: {  	s7 =	sadd.s32 $0xFFFFFD00, s4  }
0x196: {  	[tilespmem:s21], [sflag:$0x1] =	stream.indirect.gather [hbm4b:s3+s19], $0x40, s7, s19, $0xb8;
	[tilespmem:$0x12A00] =	vst v63  }
0x197: {  	s8 =	sadd.s32 $0xFFFFFD80, s4  }
0x198: {  	[tilespmem:s22], [sflag:$0x1] =	stream.indirect.gather [hbm4b:s3+s19], $0x40, s8, s19, $0xb8;
	[tilespmem:$0x12A00] =	vst v63  }
0x199: {  	s7 =	sadd.s32 $0xFFFFFE00, s4  }
0x19a: {  	[tilespmem:s23], [sflag:$0x1] =	stream.indirect.gather [hbm4b:s3+s19], $0x40, s7, s19, $0xb8;
	[tilespmem:$0x12A00] =	vst v63  }
0x19b: {  	s8 =	sadd.s32 $0xFFFFFE80, s4  }
0x19c: {  	[tilespmem:s24], [sflag:$0x1] =	stream.indirect.gather [hbm4b:s3+s19], $0x40, s8, s19, $0xb8;
	[tilespmem:$0x12A00] =	vst v63  }
0x19d: {  	s7 =	sadd.s32 $0xFFFFFF00, s4  }
0x19e: {  	[tilespmem:s25], [sflag:$0x1] =	stream.indirect.gather [hbm4b:s3+s19], $0x40, s7, s19, $0xb8;
	[tilespmem:$0x12A00] =	vst v63  }
0x19f: {  	s8 =	sadd.s32 $0xFFFFFF80, s4  }
0x1a0: {  	[tilespmem:s26], [sflag:$0x1] =	stream.indirect.gather [hbm4b:s3+s19], $0x40, s8, s19, $0xb8;
	[tilespmem:$0x12A00] =	vst v63  }
0x1a1: {  	_ = 	snop  }
0x1a2: {  	[tilespmem:s28], [sflag:$0x1] =	stream.indirect.gather [hbm4b:s3+s19], $0x40, s4, s19, $0xb8;
	[tilespmem:$0x12A00] =	vst v63  }
0x1a3: {  	_ =	swait.ge [sflag:s29], $0x2000  }
0x1a4: {  	s7 =	rddreg [dreg:$0x9];
	[sflag:s29] =	ssyncset.done $0x0  }
0x1a5: {  	[sflag:s29] =	ssyncadd.s32 $0xFFFFE000;
	s4 =	sadd.s32 s1, s7  }
0x1a6: {  	[hbm4b:s4+s2] =	stream.linear.scatter [tilespmem:s20], [sflag:$0x2], $0x2000, $0x38;
	[tilespmem:$0x12A00] =	vst v63  }
0x1a7: {  	_ =	swait.ge [sflag:s29], $0x2000  }
0x1a8: {  	[sflag:s29] =	ssyncset.done $0x0  }
0x1a9: {  	s8 =	sadd.s32 s1, s16;
	[sflag:s29] =	ssyncadd.s32 $0xFFFFE000  }
0x1aa: {  	[hbm4b:s8+s2] =	stream.linear.scatter [tilespmem:s21], [sflag:$0x2], $0x2000, $0x38;
	[tilespmem:$0x12A00] =	vst v63  }
0x1ab: {  	_ =	swait.ge [sflag:s29], $0x2000  }
0x1ac: {  	[sflag:s29] =	ssyncset.done $0x0  }
0x1ad: {  	s6 =	sadd.s32 s1, s15;
	[sflag:s29] =	ssyncadd.s32 $0xFFFFE000  }
0x1ae: {  	[hbm4b:s6+s2] =	stream.linear.scatter [tilespmem:s22], [sflag:$0x2], $0x2000, $0x38;
	[tilespmem:$0x12A00] =	vst v63  }
0x1af: {  	_ =	swait.ge [sflag:s29], $0x2000  }
0x1b0: {  	s7 =	rddreg [dreg:$0xe];
	[sflag:s29] =	ssyncset.done $0x0  }
0x1b1: {  	[sflag:s29] =	ssyncadd.s32 $0xFFFFE000;
	s4 =	sadd.s32 s1, s7  }
0x1b2: {  	[hbm4b:s4+s2] =	stream.linear.scatter [tilespmem:s23], [sflag:$0x2], $0x2000, $0x38;
	[tilespmem:$0x12A00] =	vst v63  }
0x1b3: {  	_ =	swait.ge [sflag:s29], $0x2000  }
0x1b4: {  	s8 =	rddreg [dreg:$0xd];
	[sflag:s29] =	ssyncset.done $0x0  }
0x1b5: {  	[sflag:s29] =	ssyncadd.s32 $0xFFFFE000;
	s4 =	sadd.s32 s1, s8  }
0x1b6: {  	[hbm4b:s4+s2] =	stream.linear.scatter [tilespmem:s24], [sflag:$0x2], $0x2000, $0x38;
	[tilespmem:$0x12A00] =	vst v63  }
0x1b7: {  	_ =	swait.ge [sflag:s29], $0x2000  }
0x1b8: {  	s6 =	rddreg [dreg:$0xc];
	[sflag:s29] =	ssyncset.done $0x0  }
0x1b9: {  	[sflag:s29] =	ssyncadd.s32 $0xFFFFE000;
	s4 =	sadd.s32 s1, s6  }
0x1ba: {  	[hbm4b:s4+s2] =	stream.linear.scatter [tilespmem:s25], [sflag:$0x2], $0x2000, $0x38;
	[tilespmem:$0x12A00] =	vst v63  }
0x1bb: {  	_ =	swait.ge [sflag:s29], $0x2000  }
0x1bc: {  	s7 =	rddreg [dreg:$0xb];
	[sflag:s29] =	ssyncset.done $0x0  }
0x1bd: {  	[sflag:s29] =	ssyncadd.s32 $0xFFFFE000;
	s4 =	sadd.s32 s1, s7  }
0x1be: {  	[hbm4b:s4+s2] =	stream.linear.scatter [tilespmem:s26], [sflag:$0x2], $0x2000, $0x38;
	[tilespmem:$0x12A00] =	vst v63  }
0x1bf: {  	_ =	swait.ge [sflag:s29], $0x2000  }
0x1c0: {  	s8 =	rddreg [dreg:$0xa];
	[sflag:s29] =	ssyncset.done $0x0  }
0x1c1: {  	[sflag:s29] =	ssyncadd.s32 $0xFFFFE000;
	s6 =	sadd.s32 s1, s8  }
0x1c2: {  	[hbm4b:s6+s2] =	stream.linear.scatter [tilespmem:s28], [sflag:$0x2], $0x2000, $0x38;
	[tilespmem:$0x12A00] =	vst v63  }
0x1c3: {  	_ =	swait.ge [sflag:s30], $0x2000  }
0x1c4: {  	[sflag:s30] =	ssyncset.done $0x0  }
0x1c5: {  	[sflag:s30] =	ssyncadd.s32 $0xFFFFE000  }
0x1c6: {  	_ =	swait.ge [sflag:s30], $0x2000  }
0x1c7: {  	[sflag:s30] =	ssyncset.done $0x0  }
0x1c8: {  	[sflag:s30] =	ssyncadd.s32 $0xFFFFE000  }
0x1c9: {  	_ =	swait.ge [sflag:s30], $0x2000  }
0x1ca: {  	[sflag:s30] =	ssyncset.done $0x0  }
0x1cb: {  	[sflag:s30] =	ssyncadd.s32 $0xFFFFE000  }
0x1cc: {  	_ =	swait.ge [sflag:s30], $0x2000  }
0x1cd: {  	[sflag:s30] =	ssyncset.done $0x0  }
0x1ce: {  	[sflag:s30] =	ssyncadd.s32 $0xFFFFE000  }
0x1cf: {  	_ =	swait.ge [sflag:s30], $0x2000  }
0x1d0: {  	[sflag:s30] =	ssyncset.done $0x0  }
0x1d1: {  	[sflag:s30] =	ssyncadd.s32 $0xFFFFE000  }
0x1d2: {  	_ =	swait.ge [sflag:s30], $0x2000  }
0x1d3: {  	[sflag:s30] =	ssyncset.done $0x0  }
0x1d4: {  	[sflag:s30] =	ssyncadd.s32 $0xFFFFE000  }
0x1d5: {  	_ =	swait.ge [sflag:s30], $0x2000  }
0x1d6: {  	[sflag:s30] =	ssyncset.done $0x0  }
0x1d7: {  	[sflag:s30] =	ssyncadd.s32 $0xFFFFE000  }
0x1d8: {  	_ =	swait.ge [sflag:s30], $0x2000  }
0x1d9: {  	[sflag:s30] =	ssyncset.done $0x0  }
0x1da: {  	s7 =	simm.s32 $0x0;
	s8 =	rddreg [dreg:$0x19];
	[sflag:s30] =	ssyncadd.s32 $0xFFFFE000  }
0x1db: {  	[tilespmem:s7], [sflag:$0x3] =	stream.linear.gather [hbm4b:s8+s7], $0x7D0, $0x38;
	[tilespmem:$0x12A00] =	vst v63  }
0x1dc: {  	_ =	swait.ge [sflag:s18], $0x7D0  }
0x1dd: {  	[sflag:s18] =	ssyncset.done $0x0  }
0x1de: {  	s4 =	simm.s32 $0x0;
	[sflag:s18] =	ssyncadd.s32 $0xFFFFF830  }
0x1df: {  	[tilespmem:s20], [sflag:$0x1] =	stream.indirect.gather [hbm4b:s3+s31], $0x40, s4, s31, $0xb8;
	[tilespmem:$0x12A00] =	vst v63  }
0x1e0: {  	s6 =	simm.s32 $0x50  }
0x1e1: {  	[tilespmem:s21], [sflag:$0x1] =	stream.indirect.gather [hbm4b:s3+s31], $0x40, s6, s31, $0xb8;
	[tilespmem:$0x12A00] =	vst v63  }
0x1e2: {  	s7 =	simm.s32 $0xA0  }
0x1e3: {  	[tilespmem:s22], [sflag:$0x1] =	stream.indirect.gather [hbm4b:s3+s31], $0x40, s7, s31, $0xb8;
	[tilespmem:$0x12A00] =	vst v63  }
0x1e4: {  	s8 =	simm.s32 $0xF0  }
0x1e5: {  	[tilespmem:s23], [sflag:$0x1] =	stream.indirect.gather [hbm4b:s3+s31], $0x40, s8, s31, $0xb8;
	[tilespmem:$0x12A00] =	vst v63  }
0x1e6: {  	s4 =	simm.s32 $0x140  }
0x1e7: {  	[tilespmem:s24], [sflag:$0x1] =	stream.indirect.gather [hbm4b:s3+s31], $0x40, s4, s31, $0xb8;
	[tilespmem:$0x12A00] =	vst v63  }
0x1e8: {  	s6 =	simm.s32 $0x190  }
0x1e9: {  	[tilespmem:s25], [sflag:$0x1] =	stream.indirect.gather [hbm4b:s3+s31], $0x40, s6, s31, $0xb8;
	[tilespmem:$0x12A00] =	vst v63  }
0x1ea: {  	s7 =	simm.s32 $0x1E0  }
0x1eb: {  	[tilespmem:s26], [sflag:$0x1] =	stream.indirect.gather [hbm4b:s3+s31], $0x40, s7, s31, $0xb8;
	[tilespmem:$0x12A00] =	vst v63  }
0x1ec: {  	s8 =	simm.s32 $0x230  }
0x1ed: {  	[tilespmem:s28], [sflag:$0x1] =	stream.indirect.gather [hbm4b:s3+s31], $0x40, s8, s31, $0xb8;
	[tilespmem:$0x12A00] =	vst v63  }
0x1ee: {  	_ =	swait.ge [sflag:s29], $0x1400  }
0x1ef: {  	s4 =	rddreg [dreg:$0x10];
	[sflag:s29] =	ssyncset.done $0x0  }
0x1f0: {  	[sflag:s29] =	ssyncadd.s32 $0xFFFFEC00;
	s1 =	sadd.s32 s5, s4  }
0x1f1: {  	[hbm4b:s1+s2] =	stream.linear.scatter [tilespmem:s20], [sflag:$0x2], $0x1400, $0x38;
	[tilespmem:$0x12A00] =	vst v63  }
0x1f2: {  	_ =	swait.ge [sflag:s29], $0x1400  }
0x1f3: {  	s6 =	rddreg [dreg:$0xf];
	[sflag:s29] =	ssyncset.done $0x0  }
0x1f4: {  	[sflag:s29] =	ssyncadd.s32 $0xFFFFEC00;
	s1 =	sadd.s32 s5, s6  }
0x1f5: {  	[hbm4b:s1+s2] =	stream.linear.scatter [tilespmem:s21], [sflag:$0x2], $0x1400, $0x38;
	[tilespmem:$0x12A00] =	vst v63  }
0x1f6: {  	_ =	swait.ge [sflag:s29], $0x1400  }
0x1f7: {  	[sflag:s29] =	ssyncset.done $0x0  }
0x1f8: {  	s7 =	sadd.s32 s5, s17;
	[sflag:s29] =	ssyncadd.s32 $0xFFFFEC00  }
0x1f9: {  	[hbm4b:s7+s2] =	stream.linear.scatter [tilespmem:s22], [sflag:$0x2], $0x1400, $0x38;
	[tilespmem:$0x12A00] =	vst v63  }
0x1fa: {  	_ =	swait.ge [sflag:s29], $0x1400  }
0x1fb: {  	s8 =	rddreg [dreg:$0x15];
	[sflag:s29] =	ssyncset.done $0x0  }
0x1fc: {  	[sflag:s29] =	ssyncadd.s32 $0xFFFFEC00;
	s1 =	sadd.s32 s5, s8  }
0x1fd: {  	[hbm4b:s1+s2] =	stream.linear.scatter [tilespmem:s23], [sflag:$0x2], $0x1400, $0x38;
	[tilespmem:$0x12A00] =	vst v63  }
0x1fe: {  	_ =	swait.ge [sflag:s29], $0x1400  }
0x1ff: {  	s4 =	rddreg [dreg:$0x14];
	[sflag:s29] =	ssyncset.done $0x0  }
0x200: {  	[sflag:s29] =	ssyncadd.s32 $0xFFFFEC00;
	s1 =	sadd.s32 s5, s4  }
0x201: {  	[hbm4b:s1+s2] =	stream.linear.scatter [tilespmem:s24], [sflag:$0x2], $0x1400, $0x38;
	[tilespmem:$0x12A00] =	vst v63  }
0x202: {  	_ =	swait.ge [sflag:s29], $0x1400  }
0x203: {  	s6 =	rddreg [dreg:$0x13];
	[sflag:s29] =	ssyncset.done $0x0  }
0x204: {  	[sflag:s29] =	ssyncadd.s32 $0xFFFFEC00;
	s1 =	sadd.s32 s5, s6  }
0x205: {  	[hbm4b:s1+s2] =	stream.linear.scatter [tilespmem:s25], [sflag:$0x2], $0x1400, $0x38;
	[tilespmem:$0x12A00] =	vst v63  }
0x206: {  	_ =	swait.ge [sflag:s29], $0x1400  }
0x207: {  	s7 =	rddreg [dreg:$0x12];
	[sflag:s29] =	ssyncset.done $0x0  }
0x208: {  	[sflag:s29] =	ssyncadd.s32 $0xFFFFEC00;
	s1 =	sadd.s32 s5, s7  }
0x209: {  	[hbm4b:s1+s2] =	stream.linear.scatter [tilespmem:s26], [sflag:$0x2], $0x1400, $0x38;
	[tilespmem:$0x12A00] =	vst v63  }
0x20a: {  	_ =	swait.ge [sflag:s29], $0x1400  }
0x20b: {  	s8 =	rddreg [dreg:$0x11];
	[sflag:s29] =	ssyncset.done $0x0  }
0x20c: {  	[sflag:s29] =	ssyncadd.s32 $0xFFFFEC00;
	s1 =	sadd.s32 s5, s8  }
0x20d: {  	[hbm4b:s1+s2] =	stream.linear.scatter [tilespmem:s28], [sflag:$0x2], $0x1400, $0x38;
	[tilespmem:$0x12A00] =	vst v63  }
0x20e: {  	_ =	swait.ge [sflag:s30], $0x1400  }
0x20f: {  	[sflag:s30] =	ssyncset.done $0x0  }
0x210: {  	[sflag:s30] =	ssyncadd.s32 $0xFFFFEC00  }
0x211: {  	_ =	swait.ge [sflag:s30], $0x1400  }
0x212: {  	[sflag:s30] =	ssyncset.done $0x0  }
0x213: {  	[sflag:s30] =	ssyncadd.s32 $0xFFFFEC00  }
0x214: {  	_ =	swait.ge [sflag:s30], $0x1400  }
0x215: {  	[sflag:s30] =	ssyncset.done $0x0  }
0x216: {  	[sflag:s30] =	ssyncadd.s32 $0xFFFFEC00  }
0x217: {  	_ =	swait.ge [sflag:s30], $0x1400  }
0x218: {  	[sflag:s30] =	ssyncset.done $0x0  }
0x219: {  	[sflag:s30] =	ssyncadd.s32 $0xFFFFEC00  }
0x21a: {  	_ =	swait.ge [sflag:s30], $0x1400  }
0x21b: {  	[sflag:s30] =	ssyncset.done $0x0  }
0x21c: {  	[sflag:s30] =	ssyncadd.s32 $0xFFFFEC00  }
0x21d: {  	_ =	swait.ge [sflag:s30], $0x1400  }
0x21e: {  	[sflag:s30] =	ssyncset.done $0x0  }
0x21f: {  	[sflag:s30] =	ssyncadd.s32 $0xFFFFEC00  }
0x220: {  	_ =	swait.ge [sflag:s30], $0x1400  }
0x221: {  	[sflag:s30] =	ssyncset.done $0x0  }
0x222: {  	[sflag:s30] =	ssyncadd.s32 $0xFFFFEC00  }
0x223: {  	_ =	swait.ge [sflag:s30], $0x1400  }
0x224: {  	s4 =	smov.u32 s5;
	s1 =	simm.s32 $0xA00;
	[sflag:s30] =	ssyncset.done $0x0  }
.LBB2_6:
0x225: {  	[sflag:s30] =	ssyncadd.s32 $0xFFFFEC00;
	s6 =	sshra.s32 s1, $0x2  }
0x226: {  	[tilespmem:s20], [sflag:$0x1] =	stream.indirect.gather [hbm4b:s3+s31], $0x40, s6, s31, $0xb8;
	[tilespmem:$0x12A00] =	vst v63  }
0x227: {  	s7 =	sadd.s32 $0x50, s6  }
0x228: {  	[tilespmem:s21], [sflag:$0x1] =	stream.indirect.gather [hbm4b:s3+s31], $0x40, s7, s31, $0xb8;
	[tilespmem:$0x12A00] =	vst v63  }
0x229: {  	s8 =	sadd.s32 $0xA0, s6  }
0x22a: {  	[tilespmem:s22], [sflag:$0x1] =	stream.indirect.gather [hbm4b:s3+s31], $0x40, s8, s31, $0xb8;
	[tilespmem:$0x12A00] =	vst v63  }
0x22b: {  	s8 =	sadd.s32 $0xF0, s6  }
0x22c: {  	[tilespmem:s23], [sflag:$0x1] =	stream.indirect.gather [hbm4b:s3+s31], $0x40, s8, s31, $0xb8;
	[tilespmem:$0x12A00] =	vst v63  }
0x22d: {  	s8 =	sadd.s32 $0x140, s6  }
0x22e: {  	[tilespmem:s24], [sflag:$0x1] =	stream.indirect.gather [hbm4b:s3+s31], $0x40, s8, s31, $0xb8;
	[tilespmem:$0x12A00] =	vst v63  }
0x22f: {  	s8 =	sadd.s32 $0x190, s6  }
0x230: {  	[tilespmem:s25], [sflag:$0x1] =	stream.indirect.gather [hbm4b:s3+s31], $0x40, s8, s31, $0xb8;
	[tilespmem:$0x12A00] =	vst v63  }
0x231: {  	s8 =	sadd.s32 $0x1E0, s6  }
0x232: {  	[tilespmem:s26], [sflag:$0x1] =	stream.indirect.gather [hbm4b:s3+s31], $0x40, s8, s31, $0xb8;
	[tilespmem:$0x12A00] =	vst v63  }
0x233: {  	s6 =	sadd.s32 $0x230, s6  }
0x234: {  	[tilespmem:s28], [sflag:$0x1] =	stream.indirect.gather [hbm4b:s3+s31], $0x40, s6, s31, $0xb8;
	[tilespmem:$0x12A00] =	vst v63  }
0x235: {  	_ =	swait.ge [sflag:s29], $0x1400  }
0x236: {  	s4 =	sadd.s32 $0x1400, s4;
	s7 =	rddreg [dreg:$0x10];
	[sflag:s29] =	ssyncset.done $0x0  }
0x237: {  	[sflag:s29] =	ssyncadd.s32 $0xFFFFEC00;
	s6 =	sadd.s32 s4, s7  }
0x238: {  	[hbm4b:s6+s2] =	stream.linear.scatter [tilespmem:s20], [sflag:$0x2], $0x1400, $0x38;
	[tilespmem:$0x12A00] =	vst v63  }
0x239: {  	_ =	swait.ge [sflag:s29], $0x1400  }
0x23a: {  	s8 =	rddreg [dreg:$0xf];
	[sflag:s29] =	ssyncset.done $0x0  }
0x23b: {  	[sflag:s29] =	ssyncadd.s32 $0xFFFFEC00;
	s6 =	sadd.s32 s4, s8  }
0x23c: {  	[hbm4b:s6+s2] =	stream.linear.scatter [tilespmem:s21], [sflag:$0x2], $0x1400, $0x38;
	[tilespmem:$0x12A00] =	vst v63  }
0x23d: {  	_ =	swait.ge [sflag:s29], $0x1400  }
0x23e: {  	[sflag:s29] =	ssyncset.done $0x0  }
0x23f: {  	s7 =	sadd.s32 s4, s17;
	[sflag:s29] =	ssyncadd.s32 $0xFFFFEC00  }
0x240: {  	[hbm4b:s7+s2] =	stream.linear.scatter [tilespmem:s22], [sflag:$0x2], $0x1400, $0x38;
	[tilespmem:$0x12A00] =	vst v63  }
0x241: {  	_ =	swait.ge [sflag:s29], $0x1400  }
0x242: {  	s8 =	rddreg [dreg:$0x15];
	[sflag:s29] =	ssyncset.done $0x0  }
0x243: {  	[sflag:s29] =	ssyncadd.s32 $0xFFFFEC00;
	s6 =	sadd.s32 s4, s8  }
0x244: {  	[hbm4b:s6+s2] =	stream.linear.scatter [tilespmem:s23], [sflag:$0x2], $0x1400, $0x38;
	[tilespmem:$0x12A00] =	vst v63  }
0x245: {  	_ =	swait.ge [sflag:s29], $0x1400  }
0x246: {  	s7 =	rddreg [dreg:$0x14];
	[sflag:s29] =	ssyncset.done $0x0  }
0x247: {  	[sflag:s29] =	ssyncadd.s32 $0xFFFFEC00;
	s6 =	sadd.s32 s4, s7  }
0x248: {  	[hbm4b:s6+s2] =	stream.linear.scatter [tilespmem:s24], [sflag:$0x2], $0x1400, $0x38;
	[tilespmem:$0x12A00] =	vst v63  }
0x249: {  	_ =	swait.ge [sflag:s29], $0x1400  }
0x24a: {  	s8 =	rddreg [dreg:$0x13];
	[sflag:s29] =	ssyncset.done $0x0  }
0x24b: {  	[sflag:s29] =	ssyncadd.s32 $0xFFFFEC00;
	s6 =	sadd.s32 s4, s8  }
0x24c: {  	[hbm4b:s6+s2] =	stream.linear.scatter [tilespmem:s25], [sflag:$0x2], $0x1400, $0x38;
	[tilespmem:$0x12A00] =	vst v63  }
0x24d: {  	_ =	swait.ge [sflag:s29], $0x1400  }
0x24e: {  	s7 =	rddreg [dreg:$0x12];
	[sflag:s29] =	ssyncset.done $0x0  }
0x24f: {  	[sflag:s29] =	ssyncadd.s32 $0xFFFFEC00;
	s6 =	sadd.s32 s4, s7  }
0x250: {  	[hbm4b:s6+s2] =	stream.linear.scatter [tilespmem:s26], [sflag:$0x2], $0x1400, $0x38;
	[tilespmem:$0x12A00] =	vst v63  }
0x251: {  	_ =	swait.ge [sflag:s29], $0x1400  }
0x252: {  	s8 =	rddreg [dreg:$0x11];
	[sflag:s29] =	ssyncset.done $0x0  }
0x253: {  	[sflag:s29] =	ssyncadd.s32 $0xFFFFEC00;
	s6 =	sadd.s32 s4, s8  }
0x254: {  	[hbm4b:s6+s2] =	stream.linear.scatter [tilespmem:s28], [sflag:$0x2], $0x1400, $0x38;
	[tilespmem:$0x12A00] =	vst v63  }
0x255: {  	_ =	swait.ge [sflag:s30], $0x1400  }
0x256: {  	[sflag:s30] =	ssyncset.done $0x0  }
0x257: {  	[sflag:s30] =	ssyncadd.s32 $0xFFFFEC00  }
0x258: {  	_ =	swait.ge [sflag:s30], $0x1400  }
0x259: {  	[sflag:s30] =	ssyncset.done $0x0  }
0x25a: {  	[sflag:s30] =	ssyncadd.s32 $0xFFFFEC00  }
0x25b: {  	_ =	swait.ge [sflag:s30], $0x1400  }
0x25c: {  	[sflag:s30] =	ssyncset.done $0x0  }
0x25d: {  	[sflag:s30] =	ssyncadd.s32 $0xFFFFEC00  }
0x25e: {  	_ =	swait.ge [sflag:s30], $0x1400  }
0x25f: {  	[sflag:s30] =	ssyncset.done $0x0  }
0x260: {  	[sflag:s30] =	ssyncadd.s32 $0xFFFFEC00  }
0x261: {  	_ =	swait.ge [sflag:s30], $0x1400  }
0x262: {  	[sflag:s30] =	ssyncset.done $0x0  }
0x263: {  	[sflag:s30] =	ssyncadd.s32 $0xFFFFEC00  }
0x264: {  	_ =	swait.ge [sflag:s30], $0x1400  }
0x265: {  	[sflag:s30] =	ssyncset.done $0x0  }
0x266: {  	p1 =	sne.s32 s1, $0x1400;
	[sflag:s30] =	ssyncadd.s32 $0xFFFFEC00  }
.Ltmp2:
0x267: {  	_ =	swait.ge [sflag:s30], $0x1400;
	(pc) =	sbr.rel @p1 .LBB2_6-.Ltmp2, $4  }
0x268: {  	[sflag:s30] =	ssyncset.done $0x0  }
0x269: {  	[sflag:s30] =	ssyncadd.s32 $0xFFFFEC00  }
0x26a: {  	_ =	swait.ge [sflag:s30], $0x1400  }
0x26b: {  	s1 =	sadd.s32 $0xA00, s1;
	[sflag:s30] =	ssyncset.done $0x0  }
0x26c: {  	[sflag:s30] =	ssyncadd.s32 $0xFFFFEC00;
	s1 =	simm.s32 $0x780  }
0x26d: {  	[tilespmem:s20], [sflag:$0x1] =	stream.indirect.gather [hbm4b:s3+s31], $0x40, s1, s31, $0xb8;
	[tilespmem:$0x12A00] =	vst v63  }
0x26e: {  	_ =	swait.ge [sflag:s29], $0x1400  }
0x26f: {  	[sflag:s29] =	ssyncset.done $0x0  }
0x270: {  	[sflag:s29] =	ssyncadd.s32 $0xFFFFEC00  }
0x271: {  	[hbm4b:s9+s2] =	stream.linear.scatter [tilespmem:s20], [sflag:$0x2], $0x1400, $0x38;
	[tilespmem:$0x12A00] =	vst v63  }
0x272: {  	_ =	swait.ge [sflag:s30], $0x1400  }
0x273: {  	[sflag:s30] =	ssyncset.done $0x0  }
0x274: {  	s4 =	simm.s32 @!p0 $0x3;
	s1 =	simm.s32 @!p0 $0x0;
	[sflag:s30] =	ssyncadd.s32 $0xFFFFEC00  }
0x275: {  	[tilespmem:s1], [sflag:$0x3] =	stream.linear.gather @!p0 [hbm4b:s10+s1], $0x28, $0x38;
	[tilespmem:$0x12A00] =	vst v63  }
0x276: {  	_ =	swait.ge @!p0 [sflag:s4], $0x28  }
0x277: {  	s6 =	simm.s32 @!p0 $0x28;
	[sflag:s4] =	ssyncset.done @!p0 $0x0  }
0x278: {  	s7 =	simm.s32 @!p0 $0x12000;
	s8 =	rddreg [dreg:$0x16];
	[sflag:s4] =	ssyncadd.s32 @!p0 $0xFFFFFFD8  }
0x279: {  	[tilespmem:s7], [sflag:$0x1] =	stream.indirect.gather @!p0 [hbm4b:s8+s6], $0x40, s1, s6, $0xb8;
	[tilespmem:$0x12A00] =	vst v63  }
0x27a: {  	s6 =	simm.s32 @!p0 $0x1  }
0x27b: {  	s0 =	sadd.s32 $0x1, s0;
	_ =	swait.ge @!p0 [sflag:s6], $0xA00  }
0x27c: {  	p1 =	sne.s32 s0, s12;
	[sflag:s6] =	ssyncset.done @!p0 $0x0  }
.Ltmp3:
0x27d: {  	[sflag:s6] =	ssyncadd.s32 @!p0 $0xFFFFF600;
	(pc) =	sbr.rel @p1 .LBB2_1-.Ltmp3, $4  }
0x27e: {  	[hbm4b:s11+s1] =	stream.linear.scatter @!p0 [tilespmem:s7], [sflag:$0x3], $0xA00, $0x38;
	[tilespmem:$0x12A00] =	vst v63  }
0x27f: {  	_ =	swait.ge @!p0 [sflag:s4], $0xA00  }
0x280: {  	[sflag:s4] =	ssyncset.done @!p0 $0x0  }
0x281: {  	[sflag:s4] =	ssyncadd.s32 @!p0 $0xFFFFF600  }
0x282: {  	_ =	sfence.sel $0x180000  }
0x283: {  	[bflag:$0x0] =	sbarrier.arrive $0xFFFF  }
0x284: {  	_ =	strace $0x90000047  }
0x285: {  	s0 =	stileid.u32;
	[bflag:$0x2] =	sbarrier.arrive $0xFFFF  }
0x286: {  	p0 =	sne.s32 s0, $0x0;
	s0 =	rddreg [dreg:$0x2]  }
0x287: {  	s0 =	sadd.s32 @!p0 $0x100000, s0  }
0x288: {  	[sflag:s0] =	ssyncadd.tile.s32 @!p0 $0x1;
	_ =	shalt  }
.Lfunc_end2:
_tile_overlayer_lowered:
.L_overlay_start_2:
0x289: {  	(tag) =	ssettag $0x2  }
0x28a: {  	s0 =	rddreg [dreg:$0x0];
	s2 =	stileid.u32  }
0x28b: {  	s1 =	rddreg [dreg:$0x1];
	p0 =	sne.s32 s2, $0x0  }
0x28c: {  	s3 =	rddreg [dreg:$0x2];
	[bflag:$0x3] =	sbarrier.arrive $0xFFFF;
	s2 =	simm.s32 @!p0 $0x1C03  }
0x28d: {  	[timem:s3], [sflag:s2] =	dma.local @!p0 [hbm:s0], s1  }
0x28e: {  	s0 =	simm.s32 @!p0 $0x3  }
0x28f: {  	_ =	swait.ge @!p0 [sflag:s0], s1  }
0x290: {  	s1 =	ssub.s32 @!p0 $0x0, s1;
	[sflag:s0] =	ssyncset.done @!p0 $0x0  }
0x291: {  	[sflag:s0] =	ssyncadd.s32 @!p0 s1  }
0x292: {  	[bflag:$0x3] =	sbarrier.arrive $0xFFFF  }
0x293: {  	_ =	shalt  }

// kernel: kernel.13.cloned.1.call-start
scs
__scs_entry_jumppad:
0x0: {  	(pc) =	sbr.rel $0x88, $3  }
0x1: {  	(tag) =	ssettag $0x0;
	lr =	simm.s32 $0x1  }
0x2: {  	[smem:$0x3F8F] =	sst lr;
	_ =	strace $0xD0000000  }
0x3: {  	_ = 	snop  }
0x4: {  	_ = 	snop  }
0x5: {  	_ = 	snop  }
0x6: {  	_ = 	snop  }
0x7: {  	_ = 	snop  }
__scs_overlays_trampoline_lowered:
0x8: {  	[smem:$0x3F9E] =	sst s0  }
0x9: {  	[smem:$0x3F9F] =	sst s1  }
0xa: {  	[smem:$0x3FA0] =	sst s2  }
0xb: {  	[smem:$0x3FA1] =	sst s3  }
0xc: {  	[smem:$0x3FA2] =	sst s4  }
0xd: {  	[smem:$0x3FA3] =	sst s5  }
0xe: {  	[smem:$0x3FA4] =	sst s6  }
0xf: {  	[smem:$0x3FA5] =	sst s7  }
0x10: {  	[smem:$0x3FA6] =	sst s8  }
0x11: {  	[smem:$0x3FA7] =	sst s9;
	s0 =	simm.s32 @!p0 $0x0  }
0x12: {  	s1 =	sld [smem:$0x3F8D];
	s0 =	simm.s32 @p0 $0x1  }
0x13: {  	[smem:$0x3FA8] =	sst s0;
	s0 =	simm.s32 @!p1 $0x0  }
0x14: {  	s2 =	sld [smem:$0x3F8C];
	s0 =	simm.s32 @p1 $0x1  }
0x15: {  	[smem:$0x3FA9] =	sst s0;
	s0 =	simm.s32 @!p2 $0x0  }
0x16: {  	s3 =	sld [smem:$0x3FDB];
	s0 =	simm.s32 @p2 $0x1  }
0x17: {  	s4 =	simm.s32 $0x1BF5;
	[smem:$0x3FAB] =	sst s0  }
0x18: {  	s0 =	sld [smem:$0x3F8E];
	_ =	swait.ge [sflag:s4], $0x0  }
0x19: {  	s7 =	sld [smem:$0x3F8F]  }
0x1a: {  	s8 =	sadd.s32 $0xFFFFE003, lr  }
0x1b: {  	s9 =	sadd.s32 $0xFFFFFEF7, lr;
	s5 =	simm.s32 $0xFFFFFFFF;
	p2 =	slt.u32 s8, $0xFFFFF086  }
0x1c: {  	p1 =	slt.u32 s9, $0xF7A;
	s5 =	simm.s32 @!p2 $0x0  }
0x1d: {  	s5 =	simm.s32 @p1 $0x1;
	p0 =	seq.s32 s7, s2  }
0x1e: {  	s7 =	smul.u32 @!p0 $0xF7A, s2;
	p2 =	seq.s32 @!p0 s5, $0x0  }
0x1f: {  	s9 =	smul.u32 $0xF7A, s1;
	s8 =	simm.s32 @!p0 $0x1BF5;
	p2 =	por !p2, p0  }
0x20: {  	[sflag:s8] =	ssyncset.s32 @!p0 $0xFFFFF086;
	s6 =	sadd.s32 @!p0 s3, s7;
	s7 =	simm.s32 @!p0 $0x108  }
0x21: {  	s3 =	sadd.s32 s3, s9;
	s6 =	sadd.s32 @!p0 $0x88, s6;
	s7 =	simm.s32 @p2 $0x1082  }
0x22: {  	[simem:s7], [sflag:s8] =	dma.local @!p0 [hbm:s6], $0xF7A  }
0x23: {  	s9 =	sor.u32 $0xD0000000, s2;
	s6 =	simm.s32 $0x108;
	_ =	swait.ge @!p0 [sflag:s8], $0x0  }
0x24: {  	s3 =	sadd.s32 $0x88, s3;
	s6 =	simm.s32 @!p1 $0x1082;
	[sflag:s4] =	ssyncset.s32 $0xFFFFF086  }
0x25: {  	[simem:s6], [sflag:s4] =	dma.local [hbm:s3], $0xF7A  }
0x26: {  	[smem:$0x3F8F] =	sst s1;
	(tag) =	ssettag s2;
	_ =	strace s9  }
0x27: {  	s1 =	sld [smem:$0x3F9F]  }
0x28: {  	s2 =	sld [smem:$0x3FA0]  }
0x29: {  	s4 =	sld [smem:$0x3FA2]  }
0x2a: {  	p0 =	seq.s32 s5, $0x0;
	s5 =	sld [smem:$0x3FA3]  }
0x2b: {  	s6 =	sld [smem:$0x3FA4]  }
0x2c: {  	s7 =	sld [smem:$0x3FA5]  }
0x2d: {  	s3 =	simm.s32 $0x108;
	s8 =	sld [smem:$0x3FA6]  }
0x2e: {  	s3 =	simm.s32 @!p0 $0x1082;
	s9 =	sld [smem:$0x3FA7]  }
0x2f: {  	lr =	sadd.s32 s0, s3;
	s0 =	sld [smem:$0x3F9E]  }
0x30: {  	s3 =	sld [smem:$0x3FA1]  }
0x31: {  	[smem:$0x3FAA] =	sst s10  }
0x32: {  	s10 =	sld [smem:$0x3FA8];
	_ =	sdelay $0x3  }
0x33: {  	p0 =	seq.s32 s10, $0x1;
	s10 =	sld [smem:$0x3FAA];
	_ =	sdelay $0x3  }
0x34: {  	[smem:$0x3FAA] =	sst s10  }
0x35: {  	s10 =	sld [smem:$0x3FA9];
	_ =	sdelay $0x3  }
0x36: {  	p1 =	seq.s32 s10, $0x1;
	s10 =	sld [smem:$0x3FAA];
	_ =	sdelay $0x3  }
0x37: {  	[smem:$0x3FAA] =	sst s10  }
0x38: {  	s10 =	sld [smem:$0x3FAB]  }
0x39: {  	_ = 	snop;
	(pc) =	sbr.ind lr, $3  }
0x3a: {  	_ = 	snop  }
0x3b: {  	_ = 	snop  }
0x3c: {  	p2 =	seq.s32 s10, $0x1;
	s10 =	sld [smem:$0x3FAA]  }
0x3d: {  	_ =	shalt  }
0x3e: {  	_ =	shalt  }
0x3f: {  	_ =	shalt  }
0x40: {  	_ =	shalt  }
0x41: {  	_ =	shalt  }
0x42: {  	_ =	shalt  }
0x43: {  	_ =	shalt  }
0x44: {  	_ =	shalt  }
0x45: {  	_ =	shalt  }
0x46: {  	_ =	shalt  }
0x47: {  	_ =	shalt  }
0x48: {  	_ =	shalt  }
0x49: {  	_ =	shalt  }
0x4a: {  	_ =	shalt  }
0x4b: {  	_ =	shalt  }
0x4c: {  	_ =	shalt  }
0x4d: {  	_ =	shalt  }
0x4e: {  	_ =	shalt  }
0x4f: {  	_ =	shalt  }
0x50: {  	_ =	shalt  }
0x51: {  	_ =	shalt  }
0x52: {  	_ =	shalt  }
0x53: {  	_ =	shalt  }
0x54: {  	_ =	shalt  }
0x55: {  	_ =	shalt  }
0x56: {  	_ =	shalt  }
0x57: {  	_ =	shalt  }
0x58: {  	_ =	shalt  }
0x59: {  	_ =	shalt  }
0x5a: {  	_ =	shalt  }
0x5b: {  	_ =	shalt  }
0x5c: {  	_ =	shalt  }
0x5d: {  	_ =	shalt  }
0x5e: {  	_ =	shalt  }
0x5f: {  	_ =	shalt  }
0x60: {  	_ =	shalt  }
0x61: {  	_ =	shalt  }
0x62: {  	_ =	shalt  }
0x63: {  	_ =	shalt  }
0x64: {  	_ =	shalt  }
0x65: {  	_ =	shalt  }
0x66: {  	_ =	shalt  }
0x67: {  	_ =	shalt  }
0x68: {  	_ =	shalt  }
0x69: {  	_ =	shalt  }
0x6a: {  	_ =	shalt  }
0x6b: {  	_ =	shalt  }
0x6c: {  	_ =	shalt  }
0x6d: {  	_ =	shalt  }
0x6e: {  	_ =	shalt  }
0x6f: {  	_ =	shalt  }
0x70: {  	_ =	shalt  }
0x71: {  	_ =	shalt  }
0x72: {  	_ =	shalt  }
0x73: {  	_ =	shalt  }
0x74: {  	_ =	shalt  }
0x75: {  	_ =	shalt  }
0x76: {  	_ =	shalt  }
0x77: {  	_ =	shalt  }
0x78: {  	_ =	shalt  }
0x79: {  	_ =	shalt  }
0x7a: {  	_ =	shalt  }
0x7b: {  	_ =	shalt  }
0x7c: {  	_ =	shalt  }
0x7d: {  	_ =	shalt  }
0x7e: {  	_ =	shalt  }
0x7f: {  	_ =	shalt  }
0x80: {  	_ =	shalt  }
0x81: {  	_ =	shalt  }
0x82: {  	_ =	shalt  }
0x83: {  	_ =	shalt  }
0x84: {  	_ =	shalt  }
0x85: {  	_ =	shalt  }
0x86: {  	_ =	shalt  }
0x87: {  	_ =	shalt  }
.Lfunc_end0:
.L_simem_size_0:
called_computation.1_lowered:
.L_overlay_start_0:
0x88: {  	s2 =	sld [smem:$0x3FD9]  }
0x89: {  	s3 =	sld [smem:$0x3FFE];
	_ =	sdelay $0x1  }
0x8a: {  	s1 =	srdreg.scid  }
0x8b: {  	s0 =	sand.u32 $0x1, s1  }
0x8c: {  	s17 =	sshll.u32 s0, $0xA;
	s2 =	sadd.s32 s3, s2  }
0x8d: {  	s2 =	sadd.s32 s2, s17  }
0x8e: {  	[smem:$0x3FB6] =	sst s2  }
0x8f: {  	_ = 	snop  }
0x90: {  	s2 =	sld [smem:$0x3FD0];
	(tm) =	ssettm $0x1  }
0x91: {  	s18 =	sld [smem:$0x3FFB];
	_ =	sdelay $0x3  }
0x92: {  	_ =	strace s18  }
0x93: {  	s3 =	sld [smem:$0x3FFC];
	_ =	sdelay $0x3  }
0x94: {  	_ =	strace s3  }
0x95: {  	s3 =	sld [smem:$0x3FFD];
	_ =	sdelay $0x3  }
0x96: {  	_ =	strace s3  }
0x97: {  	_ =	strace $0x8FFFFFFF  }
0x98: {  	s19 =	sld [smem:$0x3FDB];
	_ =	sdelay $0x1  }
0x99: {  	s4 =	simm.s32 $_scs_section_size  }
0x9a: {  	s5 =	simm.s32 $_size__tile_overlayer_lowered;
	s6 =	simm.s32 $_tile_overlayer_lowered  }
0x9b: {  	s22 =	simm.s32 $0x1BFF;
	s21 =	sshll.u32 s6, $0x1;
	s3 =	sadd.s32 s4, s19  }
0x9c: {  	s7 =	simm.s32 $0x0;
	s20 =	sshll.u32 s5, $0x1;
	s5 =	sadd.s32 s21, s3  }
0x9d: {  	[timem:s7], [sflag:s22] =	dma.local [hbm:s5], s20  }
0x9e: {  	_ =	swait.ge [sflag:s22], s20  }
0x9f: {  	s4 =	ssub.s32 $0x0, s20;
	[sflag:s22] =	ssyncset.done $0x0  }
0xa0: {  	[sflag:s22] =	ssyncadd.s32 s4;
	_ =	sdelay $0x1  }
0xa1: {  	s23 =	simm.s32 $0x1B8B  }
0xa2: {  	_ =	swait.ge [sflag:s23], $0x1  }
0xa3: {  	[sflag:s23] =	ssyncset.done $0x0  }
0xa4: {  	s25 =	simm.s32 $0x1B8E;
	s24 =	sld [smem:$0x3FFE];
	[sflag:s23] =	ssyncadd.s32 $0xFFFFFFFF  }
0xa5: {  	s26 =	simm.s32 $execute0_lowered;
	[smem:$0x3FD2] =	sst s25  }
0xa6: {  	s5 =	sshll.u32 s26, $0x1;
	_ =	strace $0x80000049;
	[dreg:$0x1] =	wrdreg $0xFFFFFFFF  }
0xa7: {  	s28 =	simm.s32 $_size_execute0_lowered;
	s3 =	sadd.s32 s3, s5;
	[dreg:$0x0] =	wrdreg $0x0  }
0xa8: {  	s5 =	sshll.u32 s28, $0x1;
	[dreg:$0x2] =	wrdreg s3  }
0xa9: {  	[dreg:$0x3] =	wrdreg s5  }
0xaa: {  	[dreg:$0x4] =	wrdreg $0xC0  }
0xab: {  	_ =	task [dreg:s7], $0x5FFFF  }
0xac: {  	[dreg:$0x1] =	wrdreg $0xFFFFFFFF  }
0xad: {  	[dreg:$0x0] =	wrdreg $0x60  }
0xae: {  	[dreg:$0x2] =	wrdreg s24  }
0xaf: {  	[dreg:$0x3] =	wrdreg s2  }
0xb0: {  	[dreg:$0x4] =	wrdreg $0x9  }
0xb1: {  	_ =	task.clear_ibuf [dreg:s7], $0x5FFFF;
	_ =	strace $0x90000049  }
0xb2: {  	s29 =	simm.s32 $0x9;
	_ =	strace $0x8000004B  }
0xb3: {  	_ =	swait.ge [sflag:s29], $0x1  }
0xb4: {  	[sflag:s29] =	ssyncadd.s32 $0xFFFFFFFF  }
0xb5: {  	_ =	strace $0x9000004B  }
0xb6: {  	_ =	sfence  }
0xb7: {  	s30 =	sld [smem:$0x0];
	_ =	sdelay $0x2  }
0xb8: {  	s31 =	sshll.u32 s1, $0xD;
	s1 =	sshrl.u32 s1, $0x2  }
0xb9: {  	s3 =	sand.u32 $0x4000, s31;
	s1 =	sadd.s32 s1, s30  }
0xba: {  	s0 =	sor.u32 s3, s0;
	s1 =	sshll.u32 s1, $0x11  }
0xbb: {  	s0 =	sor.u32 s1, s0  }
0xbc: {  	s0 =	sadd.s32 $0x8F2B, s0  }
0xbd: {  	[sflag:s0] =	ssyncadd.remote.s32 $0x1  }
0xbe: {  	_ =	sfence.sel $0xFFFF  }
0xbf: {  	[dreg:$0x0] =	wrdreg $0xFFFFFFFF;
	(pc) =	sbr.abs _section_cstart, $3  }
0xc0: {  	[dreg:$0x1] =	wrdreg $0xFFFFFFFF  }
0xc1: {  	_ =	task.clear_ibuf [dreg:s7], $0x2FFFF;
	_ =	strace $0x9FFFFFFF  }
0xc2: {  	(tm) =	ssettm $0x7FFFFFFF  }
0xc3: {  	_ =	shalt  }
tec
execute0_lowered:
.L_overlay_start_1:
0x0: {  	(tag) =	ssettag $0x1  }
0x1: {  	s1 =	srdreg.scid  }
0x2: {  	s3 =	rddreg [dreg:$0x0];
	s0 =	stileid.u32  }
0x3: {  	s5 =	rddreg [dreg:$0x1];
	s2 =	simm.s32 $0x0;
	s4 =	sand.u32 $0x1, s1  }
0x4: {  	s9 =	simm.s32 $0x23F0;
	s6 =	sshll.u32 s0, $0xE;
	s7 =	sshll.u32 s4, $0xD  }
0x5: {  	s10 =	simm.s32 $0x0;
	s1 =	rddreg [dreg:$0x2];
	s6 =	sor.u32 s7, s6  }
0x6: {  	[smem:$0x7FF] =	sst s2;
	s4 =	ssub.s32 $0x2, s4;
	s7 =	sshrl.u32 s6, $0xD  }
0x7: {  	s31 =	sshrl.u32 s4, $0x1;
	s6 =	sshrl.u32 s6, $0x3;
	s7 =	smul.u32 $0x7E, s7  }
0x8: {  	_ =	strace $0x8000004A;
	s8 =	ssub.s32 s4, s31;
	s6 =	sadd.s32 s6, s3  }
0x9: {  	s3 =	sadd.s32 $0xF4800, s6;
	s4 =	sadd.s32 s5, s7;
	s5 =	sadd.s32 $0x4600, s6  }
0xa: {  	s6 =	smax.u32 s8, $0x1;
	s7 =	simm.s32 $0x1;
	s8 =	simm.s32 $0x2000  }
.LBB2_1:
0xb: {  	[tilespmem:s2], [sflag:$0x1] =	stream.linear.gather [hbm4b:s3+s2], $0x2000, $0x38;
	[tilespmem:$0x43F0] =	vst v63  }
0xc: {  	_ =	swait.ge [sflag:s7], $0x2000  }
0xd: {  	[sflag:s7] =	ssyncset.done $0x0  }
0xe: {  	[sflag:s7] =	ssyncadd.s32 $0xFFFFE000  }
0xf: {  	[tilespmem:s8], [sflag:$0x1] =	stream.linear.gather [hbm4b:s4+s2], $0x3F0, $0x38;
	[tilespmem:$0x43F0] =	vst v63  }
0x10: {  	_ =	swait.ge [sflag:s7], $0x3F0  }
0x11: {  	[sflag:s7] =	ssyncset.done $0x0  }
0x12: {  	s11 =	simm.s32 $0x0;
	[sflag:s7] =	ssyncadd.s32 $0xFFFFFC10  }
0x13: {  	v0 =	vld [tilespmem:s11+$0x0];
	_ =	sdelay $0x7  }
0x14: {  	s12 =	simm.s32 $0x10;
	s13 =	simm.s32 $0x80;
	v0 =	vld.idx.msk [tilespmem:v0+s8+$0x0], $0xffff  }
.LBB2_2:
0x15: {  	p0 =	sne.s32 s13, $0x7FC0;
	v1 =	vld [tilespmem:s12+$0x0];
	_ =	sdelay $0x3  }
.Ltmp0:
0x16: {  	(pc) =	sbr.rel @p0 .LBB2_2-.Ltmp0, $2  }
0x17: {  	[tilespmem:s11+$0x23F0] =	vst v0;
	s11 =	smov.u32 s12;
	_ =	sdelay $0x2  }
0x18: {  	s12 =	sshra.s32 s13, $0x2;
	s13 =	sadd.s32 $0x40, s13;
	v0 =	vld.idx.msk [tilespmem:v1+s8+$0x0], $0xffff  }
0x19: {  	v1 =	vld [tilespmem:s12+$0x0];
	_ =	sdelay $0x6  }
0x1a: {  	[tilespmem:s11+$0x23F0] =	vst v0  }
0x1b: {  	v0 =	vld.idx.msk [tilespmem:v1+s8+$0x0], $0xffff;
	_ =	sdelay $0x2  }
0x1c: {  	s10 =	sadd.s32 $0x1, s10  }
0x1d: {  	p0 =	sne.s32 s10, s6  }
.Ltmp1:
0x1e: {  	[tilespmem:s12+$0x23F0] =	vst v0;
	(pc) =	sbr.rel @p0 .LBB2_1-.Ltmp1, $4  }
0x1f: {  	[hbm4b:s5+s2] =	stream.linear.scatter [tilespmem:s9], [sflag:$0x1], $0x2000, $0x38;
	[tilespmem:$0x43F0] =	vst v63  }
0x20: {  	_ =	swait.ge [sflag:s7], $0x2000  }
0x21: {  	[sflag:s7] =	ssyncset.done $0x0  }
0x22: {  	[sflag:s7] =	ssyncadd.s32 $0xFFFFE000  }
0x23: {  	_ =	sfence.sel $0x180000  }
0x24: {  	[bflag:$0x0] =	sbarrier.arrive $0xFFFF  }
0x25: {  	p0 =	sne.s32 s0, $0x0;
	_ =	strace $0x9000004A  }
0x26: {  	s0 =	sadd.s32 @!p0 $0x100000, s1;
	[bflag:$0x2] =	sbarrier.arrive $0xFFFF  }
0x27: {  	[sflag:s0] =	ssyncadd.tile.s32 @!p0 $0x1;
	_ =	shalt  }
.Lfunc_end2:
_tile_overlayer_lowered:
.L_overlay_start_2:
0x28: {  	(tag) =	ssettag $0x2  }
0x29: {  	s0 =	rddreg [dreg:$0x0];
	s2 =	stileid.u32  }
0x2a: {  	s1 =	rddreg [dreg:$0x1];
	p0 =	sne.s32 s2, $0x0  }
0x2b: {  	s3 =	rddreg [dreg:$0x2];
	[bflag:$0x3] =	sbarrier.arrive $0xFFFF;
	s2 =	simm.s32 @!p0 $0x1C01  }
0x2c: {  	[timem:s3], [sflag:s2] =	dma.local @!p0 [hbm:s0], s1  }
0x2d: {  	s0 =	simm.s32 @!p0 $0x1  }
0x2e: {  	_ =	swait.ge @!p0 [sflag:s0], s1  }
0x2f: {  	s1 =	ssub.s32 @!p0 $0x0, s1;
	[sflag:s0] =	ssyncset.done @!p0 $0x0  }
0x30: {  	[sflag:s0] =	ssyncadd.s32 @!p0 s1  }
0x31: {  	[bflag:$0x3] =	sbarrier.arrive $0xFFFF  }
0x32: {  	_ =	shalt  }

// kernel: kernel.16.cloned.1.call-start
scs
__scs_entry_jumppad:
0x0: {  	(pc) =	sbr.rel $0x88, $3  }
0x1: {  	(tag) =	ssettag $0x0;
	lr =	simm.s32 $0x1  }
0x2: {  	[smem:$0x3F8F] =	sst lr;
	_ =	strace $0xD0000000  }
0x3: {  	_ = 	snop  }
0x4: {  	_ = 	snop  }
0x5: {  	_ = 	snop  }
0x6: {  	_ = 	snop  }
0x7: {  	_ = 	snop  }
__scs_overlays_trampoline_lowered:
0x8: {  	[smem:$0x3F9E] =	sst s0  }
0x9: {  	[smem:$0x3F9F] =	sst s1  }
0xa: {  	[smem:$0x3FA0] =	sst s2  }
0xb: {  	[smem:$0x3FA1] =	sst s3  }
0xc: {  	[smem:$0x3FA2] =	sst s4  }
0xd: {  	[smem:$0x3FA3] =	sst s5  }
0xe: {  	[smem:$0x3FA4] =	sst s6  }
0xf: {  	[smem:$0x3FA5] =	sst s7  }
0x10: {  	[smem:$0x3FA6] =	sst s8  }
0x11: {  	[smem:$0x3FA7] =	sst s9;
	s0 =	simm.s32 @!p0 $0x0  }
0x12: {  	s1 =	sld [smem:$0x3F8D];
	s0 =	simm.s32 @p0 $0x1  }
0x13: {  	[smem:$0x3FA8] =	sst s0;
	s0 =	simm.s32 @!p1 $0x0  }
0x14: {  	s2 =	sld [smem:$0x3F8C];
	s0 =	simm.s32 @p1 $0x1  }
0x15: {  	[smem:$0x3FA9] =	sst s0;
	s0 =	simm.s32 @!p2 $0x0  }
0x16: {  	s3 =	sld [smem:$0x3FDB];
	s0 =	simm.s32 @p2 $0x1  }
0x17: {  	s4 =	simm.s32 $0x1BF5;
	[smem:$0x3FAB] =	sst s0  }
0x18: {  	s0 =	sld [smem:$0x3F8E];
	_ =	swait.ge [sflag:s4], $0x0  }
0x19: {  	s7 =	sld [smem:$0x3F8F]  }
0x1a: {  	s8 =	sadd.s32 $0xFFFFE003, lr  }
0x1b: {  	s9 =	sadd.s32 $0xFFFFFEF7, lr;
	s5 =	simm.s32 $0xFFFFFFFF;
	p2 =	slt.u32 s8, $0xFFFFF086  }
0x1c: {  	p1 =	slt.u32 s9, $0xF7A;
	s5 =	simm.s32 @!p2 $0x0  }
0x1d: {  	s5 =	simm.s32 @p1 $0x1;
	p0 =	seq.s32 s7, s2  }
0x1e: {  	s7 =	smul.u32 @!p0 $0xF7A, s2;
	p2 =	seq.s32 @!p0 s5, $0x0  }
0x1f: {  	s9 =	smul.u32 $0xF7A, s1;
	s8 =	simm.s32 @!p0 $0x1BF5;
	p2 =	por !p2, p0  }
0x20: {  	[sflag:s8] =	ssyncset.s32 @!p0 $0xFFFFF086;
	s6 =	sadd.s32 @!p0 s3, s7;
	s7 =	simm.s32 @!p0 $0x108  }
0x21: {  	s3 =	sadd.s32 s3, s9;
	s6 =	sadd.s32 @!p0 $0x88, s6;
	s7 =	simm.s32 @p2 $0x1082  }
0x22: {  	[simem:s7], [sflag:s8] =	dma.local @!p0 [hbm:s6], $0xF7A  }
0x23: {  	s9 =	sor.u32 $0xD0000000, s2;
	s6 =	simm.s32 $0x108;
	_ =	swait.ge @!p0 [sflag:s8], $0x0  }
0x24: {  	s3 =	sadd.s32 $0x88, s3;
	s6 =	simm.s32 @!p1 $0x1082;
	[sflag:s4] =	ssyncset.s32 $0xFFFFF086  }
0x25: {  	[simem:s6], [sflag:s4] =	dma.local [hbm:s3], $0xF7A  }
0x26: {  	[smem:$0x3F8F] =	sst s1;
	(tag) =	ssettag s2;
	_ =	strace s9  }
0x27: {  	s1 =	sld [smem:$0x3F9F]  }
0x28: {  	s2 =	sld [smem:$0x3FA0]  }
0x29: {  	s4 =	sld [smem:$0x3FA2]  }
0x2a: {  	p0 =	seq.s32 s5, $0x0;
	s5 =	sld [smem:$0x3FA3]  }
0x2b: {  	s6 =	sld [smem:$0x3FA4]  }
0x2c: {  	s7 =	sld [smem:$0x3FA5]  }
0x2d: {  	s3 =	simm.s32 $0x108;
	s8 =	sld [smem:$0x3FA6]  }
0x2e: {  	s3 =	simm.s32 @!p0 $0x1082;
	s9 =	sld [smem:$0x3FA7]  }
0x2f: {  	lr =	sadd.s32 s0, s3;
	s0 =	sld [smem:$0x3F9E]  }
0x30: {  	s3 =	sld [smem:$0x3FA1]  }
0x31: {  	[smem:$0x3FAA] =	sst s10  }
0x32: {  	s10 =	sld [smem:$0x3FA8];
	_ =	sdelay $0x3  }
0x33: {  	p0 =	seq.s32 s10, $0x1;
	s10 =	sld [smem:$0x3FAA];
	_ =	sdelay $0x3  }
0x34: {  	[smem:$0x3FAA] =	sst s10  }
0x35: {  	s10 =	sld [smem:$0x3FA9];
	_ =	sdelay $0x3  }
0x36: {  	p1 =	seq.s32 s10, $0x1;
	s10 =	sld [smem:$0x3FAA];
	_ =	sdelay $0x3  }
0x37: {  	[smem:$0x3FAA] =	sst s10  }
0x38: {  	s10 =	sld [smem:$0x3FAB]  }
0x39: {  	_ = 	snop;
	(pc) =	sbr.ind lr, $3  }
0x3a: {  	_ = 	snop  }
0x3b: {  	_ = 	snop  }
0x3c: {  	p2 =	seq.s32 s10, $0x1;
	s10 =	sld [smem:$0x3FAA]  }
0x3d: {  	_ =	shalt  }
0x3e: {  	_ =	shalt  }
0x3f: {  	_ =	shalt  }
0x40: {  	_ =	shalt  }
0x41: {  	_ =	shalt  }
0x42: {  	_ =	shalt  }
0x43: {  	_ =	shalt  }
0x44: {  	_ =	shalt  }
0x45: {  	_ =	shalt  }
0x46: {  	_ =	shalt  }
0x47: {  	_ =	shalt  }
0x48: {  	_ =	shalt  }
0x49: {  	_ =	shalt  }
0x4a: {  	_ =	shalt  }
0x4b: {  	_ =	shalt  }
0x4c: {  	_ =	shalt  }
0x4d: {  	_ =	shalt  }
0x4e: {  	_ =	shalt  }
0x4f: {  	_ =	shalt  }
0x50: {  	_ =	shalt  }
0x51: {  	_ =	shalt  }
0x52: {  	_ =	shalt  }
0x53: {  	_ =	shalt  }
0x54: {  	_ =	shalt  }
0x55: {  	_ =	shalt  }
0x56: {  	_ =	shalt  }
0x57: {  	_ =	shalt  }
0x58: {  	_ =	shalt  }
0x59: {  	_ =	shalt  }
0x5a: {  	_ =	shalt  }
0x5b: {  	_ =	shalt  }
0x5c: {  	_ =	shalt  }
0x5d: {  	_ =	shalt  }
0x5e: {  	_ =	shalt  }
0x5f: {  	_ =	shalt  }
0x60: {  	_ =	shalt  }
0x61: {  	_ =	shalt  }
0x62: {  	_ =	shalt  }
0x63: {  	_ =	shalt  }
0x64: {  	_ =	shalt  }
0x65: {  	_ =	shalt  }
0x66: {  	_ =	shalt  }
0x67: {  	_ =	shalt  }
0x68: {  	_ =	shalt  }
0x69: {  	_ =	shalt  }
0x6a: {  	_ =	shalt  }
0x6b: {  	_ =	shalt  }
0x6c: {  	_ =	shalt  }
0x6d: {  	_ =	shalt  }
0x6e: {  	_ =	shalt  }
0x6f: {  	_ =	shalt  }
0x70: {  	_ =	shalt  }
0x71: {  	_ =	shalt  }
0x72: {  	_ =	shalt  }
0x73: {  	_ =	shalt  }
0x74: {  	_ =	shalt  }
0x75: {  	_ =	shalt  }
0x76: {  	_ =	shalt  }
0x77: {  	_ =	shalt  }
0x78: {  	_ =	shalt  }
0x79: {  	_ =	shalt  }
0x7a: {  	_ =	shalt  }
0x7b: {  	_ =	shalt  }
0x7c: {  	_ =	shalt  }
0x7d: {  	_ =	shalt  }
0x7e: {  	_ =	shalt  }
0x7f: {  	_ =	shalt  }
0x80: {  	_ =	shalt  }
0x81: {  	_ =	shalt  }
0x82: {  	_ =	shalt  }
0x83: {  	_ =	shalt  }
0x84: {  	_ =	shalt  }
0x85: {  	_ =	shalt  }
0x86: {  	_ =	shalt  }
0x87: {  	_ =	shalt  }
.Lfunc_end0:
.L_simem_size_0:
called_computation.2_lowered:
.L_overlay_start_0:
0x88: {  	s2 =	sld [smem:$0x3FD9]  }
0x89: {  	s3 =	sld [smem:$0x3FFE];
	_ =	sdelay $0x1  }
0x8a: {  	s1 =	srdreg.scid  }
0x8b: {  	s0 =	sand.u32 $0x1, s1  }
0x8c: {  	s17 =	sshll.u32 s0, $0xA;
	s2 =	sadd.s32 s3, s2  }
0x8d: {  	s2 =	sadd.s32 s2, s17  }
0x8e: {  	[smem:$0x3FB6] =	sst s2  }
0x8f: {  	_ = 	snop  }
0x90: {  	s2 =	sld [smem:$0x3FD0];
	(tm) =	ssettm $0x1  }
0x91: {  	s18 =	sld [smem:$0x3FFB];
	_ =	sdelay $0x3  }
0x92: {  	_ =	strace s18  }
0x93: {  	s3 =	sld [smem:$0x3FFC];
	_ =	sdelay $0x3  }
0x94: {  	_ =	strace s3  }
0x95: {  	s3 =	sld [smem:$0x3FFD];
	_ =	sdelay $0x3  }
0x96: {  	_ =	strace s3  }
0x97: {  	_ =	strace $0x8FFFFFFF  }
0x98: {  	s19 =	sld [smem:$0x3FDB];
	_ =	sdelay $0x1  }
0x99: {  	s4 =	simm.s32 $_scs_section_size  }
0x9a: {  	s5 =	simm.s32 $_size__tile_overlayer_lowered;
	s6 =	simm.s32 $_tile_overlayer_lowered  }
0x9b: {  	s22 =	simm.s32 $0x1BFF;
	s21 =	sshll.u32 s6, $0x1;
	s3 =	sadd.s32 s4, s19  }
0x9c: {  	s7 =	simm.s32 $0x0;
	s20 =	sshll.u32 s5, $0x1;
	s5 =	sadd.s32 s21, s3  }
0x9d: {  	[timem:s7], [sflag:s22] =	dma.local [hbm:s5], s20  }
0x9e: {  	_ =	swait.ge [sflag:s22], s20  }
0x9f: {  	s4 =	ssub.s32 $0x0, s20;
	[sflag:s22] =	ssyncset.done $0x0  }
0xa0: {  	[sflag:s22] =	ssyncadd.s32 s4;
	_ =	sdelay $0x1  }
0xa1: {  	s23 =	simm.s32 $0x1B8B  }
0xa2: {  	_ =	swait.ge [sflag:s23], $0x1  }
0xa3: {  	[sflag:s23] =	ssyncset.done $0x0  }
0xa4: {  	s25 =	simm.s32 $0x1B8E;
	s24 =	sld [smem:$0x3FFE];
	[sflag:s23] =	ssyncadd.s32 $0xFFFFFFFF  }
0xa5: {  	s26 =	simm.s32 $execute0_lowered;
	[smem:$0x3FD2] =	sst s25  }
0xa6: {  	s5 =	sshll.u32 s26, $0x1;
	_ =	strace $0x8000004C;
	[dreg:$0x1] =	wrdreg $0xFFFFFFFF  }
0xa7: {  	s28 =	simm.s32 $_size_execute0_lowered;
	s3 =	sadd.s32 s3, s5;
	[dreg:$0x0] =	wrdreg $0x0  }
0xa8: {  	s5 =	sshll.u32 s28, $0x1;
	[dreg:$0x2] =	wrdreg s3  }
0xa9: {  	[dreg:$0x3] =	wrdreg s5  }
0xaa: {  	[dreg:$0x4] =	wrdreg $0xC0  }
0xab: {  	_ =	task [dreg:s7], $0x5FFFF  }
0xac: {  	[dreg:$0x1] =	wrdreg $0xFFFFFFFF  }
0xad: {  	[dreg:$0x0] =	wrdreg $0x60  }
0xae: {  	[dreg:$0x2] =	wrdreg s24  }
0xaf: {  	[dreg:$0x3] =	wrdreg s2  }
0xb0: {  	[dreg:$0x4] =	wrdreg $0x9  }
0xb1: {  	_ =	task.clear_ibuf [dreg:s7], $0x5FFFF;
	_ =	strace $0x9000004C  }
0xb2: {  	s29 =	simm.s32 $0x9;
	_ =	strace $0x8000004E  }
0xb3: {  	_ =	swait.ge [sflag:s29], $0x1  }
0xb4: {  	[sflag:s29] =	ssyncadd.s32 $0xFFFFFFFF  }
0xb5: {  	_ =	strace $0x9000004E  }
0xb6: {  	_ =	sfence  }
0xb7: {  	s30 =	sld [smem:$0x0];
	_ =	sdelay $0x2  }
0xb8: {  	s31 =	sshll.u32 s1, $0xD;
	s1 =	sshrl.u32 s1, $0x2  }
0xb9: {  	s3 =	sand.u32 $0x4000, s31;
	s1 =	sadd.s32 s1, s30  }
0xba: {  	s0 =	sor.u32 s3, s0;
	s1 =	sshll.u32 s1, $0x11  }
0xbb: {  	s0 =	sor.u32 s1, s0  }
0xbc: {  	s0 =	sadd.s32 $0x8F2B, s0  }
0xbd: {  	[sflag:s0] =	ssyncadd.remote.s32 $0x1  }
0xbe: {  	_ =	sfence.sel $0xFFFF  }
0xbf: {  	[dreg:$0x0] =	wrdreg $0xFFFFFFFF;
	(pc) =	sbr.abs _section_cstart, $3  }
0xc0: {  	[dreg:$0x1] =	wrdreg $0xFFFFFFFF  }
0xc1: {  	_ =	task.clear_ibuf [dreg:s7], $0x2FFFF;
	_ =	strace $0x9FFFFFFF  }
0xc2: {  	(tm) =	ssettm $0x7FFFFFFF  }
0xc3: {  	_ =	shalt  }
tec
execute0_lowered:
.L_overlay_start_1:
0x0: {  	(tag) =	ssettag $0x1  }
0x1: {  	s1 =	srdreg.scid  }
0x2: {  	s3 =	rddreg [dreg:$0x0];
	s0 =	stileid.u32  }
0x3: {  	s5 =	rddreg [dreg:$0x1];
	s2 =	simm.s32 $0x0;
	s4 =	sand.u32 $0x1, s1  }
0x4: {  	s9 =	simm.s32 $0x23F0;
	s6 =	sshll.u32 s0, $0xE;
	s7 =	sshll.u32 s4, $0xD  }
0x5: {  	s10 =	simm.s32 $0x0;
	s1 =	rddreg [dreg:$0x2];
	s6 =	sor.u32 s7, s6  }
0x6: {  	[smem:$0x7FF] =	sst s2;
	s4 =	ssub.s32 $0x2, s4;
	s7 =	sshrl.u32 s6, $0xD  }
0x7: {  	s31 =	sshrl.u32 s4, $0x1;
	s6 =	sshrl.u32 s6, $0x3;
	s7 =	smul.u32 $0x7E, s7  }
0x8: {  	_ =	strace $0x8000004D;
	s8 =	ssub.s32 s4, s31;
	s6 =	sadd.s32 s6, s3  }
0x9: {  	s3 =	sadd.s32 $0xF4800, s6;
	s4 =	sadd.s32 s5, s7;
	s5 =	sadd.s32 $0x4600, s6  }
0xa: {  	s6 =	smax.u32 s8, $0x1;
	s7 =	simm.s32 $0x1;
	s8 =	simm.s32 $0x2000  }
.LBB2_1:
0xb: {  	[tilespmem:s2], [sflag:$0x1] =	stream.linear.gather [hbm4b:s3+s2], $0x2000, $0x38;
	[tilespmem:$0x43F0] =	vst v63  }
0xc: {  	_ =	swait.ge [sflag:s7], $0x2000  }
0xd: {  	[sflag:s7] =	ssyncset.done $0x0  }
0xe: {  	[sflag:s7] =	ssyncadd.s32 $0xFFFFE000  }
0xf: {  	[tilespmem:s8], [sflag:$0x1] =	stream.linear.gather [hbm4b:s4+s2], $0x3F0, $0x38;
	[tilespmem:$0x43F0] =	vst v63  }
0x10: {  	_ =	swait.ge [sflag:s7], $0x3F0  }
0x11: {  	[sflag:s7] =	ssyncset.done $0x0  }
0x12: {  	s11 =	simm.s32 $0x0;
	[sflag:s7] =	ssyncadd.s32 $0xFFFFFC10  }
0x13: {  	v0 =	vld [tilespmem:s11+$0x0];
	_ =	sdelay $0x7  }
0x14: {  	s12 =	simm.s32 $0x10;
	s13 =	simm.s32 $0x80;
	v0 =	vld.idx.msk [tilespmem:v0+s8+$0x0], $0xffff  }
.LBB2_2:
0x15: {  	p0 =	sne.s32 s13, $0x7FC0;
	v1 =	vld [tilespmem:s12+$0x0];
	_ =	sdelay $0x3  }
.Ltmp0:
0x16: {  	(pc) =	sbr.rel @p0 .LBB2_2-.Ltmp0, $2  }
0x17: {  	[tilespmem:s11+$0x23F0] =	vst v0;
	s11 =	smov.u32 s12;
	_ =	sdelay $0x2  }
0x18: {  	s12 =	sshra.s32 s13, $0x2;
	s13 =	sadd.s32 $0x40, s13;
	v0 =	vld.idx.msk [tilespmem:v1+s8+$0x0], $0xffff  }
0x19: {  	v1 =	vld [tilespmem:s12+$0x0];
	_ =	sdelay $0x6  }
0x1a: {  	[tilespmem:s11+$0x23F0] =	vst v0  }
0x1b: {  	v0 =	vld.idx.msk [tilespmem:v1+s8+$0x0], $0xffff;
	_ =	sdelay $0x2  }
0x1c: {  	s10 =	sadd.s32 $0x1, s10  }
0x1d: {  	p0 =	sne.s32 s10, s6  }
.Ltmp1:
0x1e: {  	[tilespmem:s12+$0x23F0] =	vst v0;
	(pc) =	sbr.rel @p0 .LBB2_1-.Ltmp1, $4  }
0x1f: {  	[hbm4b:s5+s2] =	stream.linear.scatter [tilespmem:s9], [sflag:$0x1], $0x2000, $0x38;
	[tilespmem:$0x43F0] =	vst v63  }
0x20: {  	_ =	swait.ge [sflag:s7], $0x2000  }
0x21: {  	[sflag:s7] =	ssyncset.done $0x0  }
0x22: {  	[sflag:s7] =	ssyncadd.s32 $0xFFFFE000  }
0x23: {  	_ =	sfence.sel $0x180000  }
0x24: {  	[bflag:$0x0] =	sbarrier.arrive $0xFFFF  }
0x25: {  	p0 =	sne.s32 s0, $0x0;
	_ =	strace $0x9000004D  }
0x26: {  	s0 =	sadd.s32 @!p0 $0x100000, s1;
	[bflag:$0x2] =	sbarrier.arrive $0xFFFF  }
0x27: {  	[sflag:s0] =	ssyncadd.tile.s32 @!p0 $0x1;
	_ =	shalt  }
.Lfunc_end2:
_tile_overlayer_lowered:
.L_overlay_start_2:
0x28: {  	(tag) =	ssettag $0x2  }
0x29: {  	s0 =	rddreg [dreg:$0x0];
	s2 =	stileid.u32  }
0x2a: {  	s1 =	rddreg [dreg:$0x1];
	p0 =	sne.s32 s2, $0x0  }
0x2b: {  	s3 =	rddreg [dreg:$0x2];
	[bflag:$0x3] =	sbarrier.arrive $0xFFFF;
	s2 =	simm.s32 @!p0 $0x1C01  }
0x2c: {  	[timem:s3], [sflag:s2] =	dma.local @!p0 [hbm:s0], s1  }
0x2d: {  	s0 =	simm.s32 @!p0 $0x1  }
0x2e: {  	_ =	swait.ge @!p0 [sflag:s0], s1  }
0x2f: {  	s1 =	ssub.s32 @!p0 $0x0, s1;
	[sflag:s0] =	ssyncset.done @!p0 $0x0  }
0x30: {  	[sflag:s0] =	ssyncadd.s32 @!p0 s1  }
0x31: {  	[bflag:$0x3] =	sbarrier.arrive $0xFFFF  }
0x32: {  	_ =	shalt  }

</sc_bundles>
